<compile_context>
chip_gen: v7x
topology: tpu7x:2x2x1
jax: 0.10.2.dev20260603
libtpu: 0.0.44.dev20260713+nightly
codegen_flags: <defaults>
</compile_context>

<pallas_src>
import functools

import jax
import jax.numpy as jnp
from jax import lax
from jax.experimental import pallas as pl
from jax.experimental.pallas import tpu as pltpu
from jax.experimental.pallas import tpu_sc as plsc

NC = 2
NS = 16
CH = 128
CH3 = 80
GROUP = 8



def _deg_body(n_pad, n_chunks, idx_hbm, ones_hbm, zeros_hbm, out_hbm,
              idxbuf, ones_v, zeros_v, deg_sh, hsem):
  c = lax.axis_index("c")
  s = lax.axis_index("s")
  w = c * NS + s
  span = n_pad // NS
  pltpu.sync_copy(ones_hbm, ones_v)
  pltpu.sync_copy(zeros_hbm, zeros_v)
  pltpu.sync_copy(zeros_v, deg_sh.at[pl.ds(s * span, span)])
  plsc.subcore_barrier()
  pltpu.sync_copy(idx_hbm.at[w], idxbuf)

  def body(q, carry):
    for k in range(8):
      pltpu.async_copy(ones_v, deg_sh.at[idxbuf.at[8 * q + k]], hsem,
                       add=True)
    for k in range(8):
      pltpu.make_async_copy(ones_v, deg_sh.at[idxbuf.at[8 * q + k]], hsem
                            ).wait()
    return carry

  lax.fori_loop(0, n_chunks // 8, body, 0)
  plsc.subcore_barrier()
  pltpu.sync_copy(deg_sh.at[pl.ds(s * span, span)], zeros_v)
  pltpu.sync_copy(zeros_v, out_hbm.at[w])


def _make_deg_kernel(n_pad, n_chunks):
  mesh = plsc.VectorSubcoreMesh(core_axis_name="c", subcore_axis_name="s",
                                num_cores=NC, num_subcores=NS)
  return pl.kernel(
      functools.partial(_deg_body, n_pad, n_chunks),
      out_type=jax.ShapeDtypeStruct((NC * NS, n_pad // NS), jnp.float32),
      mesh=mesh,
      scratch_types=[
          pltpu.VMEM((n_chunks, CH), jnp.int32),
          pltpu.VMEM((CH,), jnp.float32),
          pltpu.VMEM((n_pad // NS,), jnp.float32),
          pltpu.VMEM_SHARED((n_pad,), jnp.float32),
          pltpu.SemaphoreType.DMA,
      ],
  )



def _mm_body(inc_ref, nh_ref, ch_ref, deg_ref, out_ref):
  ns = lax.rsqrt(deg_ref[...] + 1.0)
  f = lax.dot_general(inc_ref[...], nh_ref[...], (((0,), (0,)), ((), ())),
                      preferred_element_type=jnp.float32)
  out_ref[0] = ch_ref[...] * ns
  out_ref[1] = f * ns


def _fused_matmul(curr_inc_t, next_h, curr_h, deg_out_col, n, m, d, blk):
  return pl.pallas_call(
      _mm_body,
      grid=(-(-n // blk),),
      in_specs=[
          pl.BlockSpec((m, blk), lambda i: (0, i)),
          pl.BlockSpec((m, d), lambda i: (0, 0)),
          pl.BlockSpec((blk, d), lambda i: (i, 0)),
          pl.BlockSpec((blk, 1), lambda i: (i, 0)),
      ],
      out_specs=pl.BlockSpec((2, blk, d), lambda i: (0, i, 0)),
      out_shape=jax.ShapeDtypeStruct((2, n, d), jnp.float32),
  )(curr_inc_t, next_h, curr_h, deg_out_col)



def _agg_body(n_sh, n_chunks, yflat_hbm, idx2_hbm, zeros_hbm, out_hbm,
              iba, ibb, d0, d1, d2, d3, agg_sh, sg0, sg1, sg2, sg3,
              ss0, ss1, ss2, ss3, si0, si1):
  c = lax.axis_index("c")
  s = lax.axis_index("s")
  w = c * NS + s
  base = w * (n_chunks * 2)
  zspan = n_sh // NS
  dbuf = [d0, d1, d2, d3]
  sg = [sg0, sg1, sg2, sg3]
  ss = [ss0, ss1, ss2, ss3]
  ibs = [iba, ibb]
  sis = [si0, si1]
  n_groups = n_chunks // GROUP
  rows = 2 * GROUP

  pltpu.sync_copy(zeros_hbm, d0)
  for k in range(zspan // CH3):
    pltpu.sync_copy(d0, agg_sh.at[pl.ds(s * zspan + k * CH3, CH3)])
  plsc.subcore_barrier()

  def g_row(buf, k):
    return buf.at[2 * (k % GROUP)]

  def s_row(buf, k):
    return buf.at[2 * (k % GROUP) + 1]

  pltpu.sync_copy(idx2_hbm.at[pl.ds(base, rows)], iba)
  pltpu.async_copy(yflat_hbm.at[g_row(iba, 0)], d0, sg0)
  pltpu.async_copy(yflat_hbm.at[g_row(iba, 1)], d1, sg1)

  def gpair(t, carry):
    for gg in range(2):
      g = 2 * t + gg
      cur, nxt = ibs[gg], ibs[1 - gg]
      for k in range(GROUP):
        b = k % 4
        b2 = (b + 2) % 4
        drain_row = s_row(cur, k - 2) if k >= 2 else s_row(nxt, k + 6)
        drain = lambda: pltpu.make_async_copy(
            dbuf[b2], agg_sh.at[drain_row], ss[b2]).wait()
        if gg == 0 and k < 2:
          @pl.when(t > 0)
          def _(drain=drain):
            drain()
        else:
          drain()
        if k < GROUP - 2:
          pltpu.async_copy(yflat_hbm.at[g_row(cur, k + 2)], dbuf[b2], sg[b2])
        else:
          def fire(k=k, b2=b2, g=g, cur=cur, nxt=nxt):
            if k == GROUP - 2:
              pltpu.make_async_copy(
                  idx2_hbm.at[pl.ds(base + (g + 1) * rows, rows)],
                  nxt, sis[1 - gg]).wait()
            pltpu.async_copy(yflat_hbm.at[g_row(nxt, k + 2)], dbuf[b2],
                             sg[b2])
          if gg == 0:
            fire()
          else:
            @pl.when(g + 1 < n_groups)
            def _(fire=fire):
              fire()
        pltpu.make_async_copy(yflat_hbm.at[g_row(cur, k)], dbuf[b], sg[b]
                              ).wait()
        pltpu.async_copy(dbuf[b], agg_sh.at[s_row(cur, k)], ss[b], add=True)
        if k == 2:
          def pref(g=g, nxt=nxt, gg=gg):
            pltpu.async_copy(
                idx2_hbm.at[pl.ds(base + (g + 1) * rows, rows)],
                nxt, sis[1 - gg])
          if gg == 0:
            pref()
          else:
            @pl.when(g + 1 < n_groups)
            def _(pref=pref):
              pref()
    return carry

  lax.fori_loop(0, n_groups // 2, gpair, 0)
  pltpu.make_async_copy(dbuf[2], agg_sh.at[s_row(ibb, GROUP - 2)], ss[2]
                        ).wait()
  pltpu.make_async_copy(dbuf[3], agg_sh.at[s_row(ibb, GROUP - 1)], ss[3]
                        ).wait()
  plsc.subcore_barrier()
  pltpu.sync_copy(agg_sh.at[pl.ds(s * zspan, zspan)],
                  out_hbm.at[c, pl.ds(s * zspan, zspan)])


def _make_agg_kernel(n_sh, n_chunks, d):
  mesh = plsc.VectorSubcoreMesh(core_axis_name="c", subcore_axis_name="s",
                                num_cores=NC, num_subcores=NS)
  return pl.kernel(
      functools.partial(_agg_body, n_sh, n_chunks),
      out_type=jax.ShapeDtypeStruct((NC, n_sh, d), jnp.float32),
      mesh=mesh,
      scratch_types=[
          pltpu.VMEM((2 * GROUP, CH3), jnp.int32),
          pltpu.VMEM((2 * GROUP, CH3), jnp.int32),
          pltpu.VMEM((CH3, d), jnp.float32),
          pltpu.VMEM((CH3, d), jnp.float32),
          pltpu.VMEM((CH3, d), jnp.float32),
          pltpu.VMEM((CH3, d), jnp.float32),
          pltpu.VMEM_SHARED((n_sh, d), jnp.float32),
      ] + [pltpu.SemaphoreType.DMA] * 10,
  )



def _fin_body(agg_ref, y_ref, deg_ref, wc_ref, wf_ref, cw_ref, tw_ref,
              bc_ref, bf_ref, g_ref, b_ref, out_ref):
  nd = lax.rsqrt(deg_ref[...] + 1.0)
  a1 = (agg_ref[0] + y_ref[0]) * nd
  a2 = (agg_ref[1] + y_ref[1]) * nd
  w1 = wc_ref[...] * cw_ref[...]
  w2 = wf_ref[...] * tw_ref[...]

  def mm(x, wgt):
    return lax.dot_general(x, wgt, (((1,), (0,)), ((), ())),
                           preferred_element_type=jnp.float32)

  r = (mm(a1, w1) + mm(a2, w2)
       + bc_ref[...] * cw_ref[...] + bf_ref[...] * tw_ref[...])
  mu = jnp.mean(r, axis=-1, keepdims=True)
  xc = r - mu
  var = jnp.mean(xc * xc, axis=-1, keepdims=True)
  y = xc * lax.rsqrt(var + 1e-5) * g_ref[...] + b_ref[...]
  out_ref[...] = jnp.maximum(y, 0.0)


def _finalize(agg, ycat, deg_in_col, w_conv, w_fusion, cw, tw, bc, bf,
              gamma, beta, n, d, blk):
  row = lambda i: (0, 0)
  return pl.pallas_call(
      _fin_body,
      grid=(n // blk,),
      in_specs=[
          pl.BlockSpec((2, blk, d), lambda i: (0, i, 0)),
          pl.BlockSpec((2, blk, d), lambda i: (0, i, 0)),
          pl.BlockSpec((blk, 1), lambda i: (i, 0)),
          pl.BlockSpec((d, d), row),
          pl.BlockSpec((d, d), row),
          pl.BlockSpec((1, d), row),
          pl.BlockSpec((1, d), row),
          pl.BlockSpec((1, d), row),
          pl.BlockSpec((1, d), row),
          pl.BlockSpec((1, d), row),
          pl.BlockSpec((1, d), row),
      ],
      out_specs=pl.BlockSpec((blk, d), lambda i: (i, 0)),
      out_shape=jax.ShapeDtypeStruct((n, d), jnp.float32),
  )(agg, ycat, deg_in_col, w_conv, w_fusion, cw, tw, bc, bf, gamma, beta)



def kernel(curr_h, next_h, curr_inc, edge_index,
           W_conv, b_conv, W_fusion, b_fusion,
           conv_w, topDown_w, ln_gamma, ln_beta):
  n, d = curr_h.shape
  m = next_h.shape[0]
  e = edge_index.shape[1]

  pt1 = -(-e // (NS * CH))
  pt3 = -(-e // (NS * CH3))
  pt3 = -(-pt3 // (2 * GROUP)) * (2 * GROUP)
  e_pad1 = NS * pt1 * CH
  e_pad3 = NS * pt3 * CH3
  e_pad = max(e_pad1, e_pad3)
  pt1 = e_pad // (NS * CH)
  pt3 = e_pad // (NS * CH3)
  pad = e_pad - e

  n_sh = -(-(n + 8) // (NS * CH)) * (NS * CH)
  n_trash = n_sh - n

  src = edge_index[0].astype(jnp.int32)
  dst = edge_index[1].astype(jnp.int32)
  ar = lax.iota(jnp.int32, pad)
  trash = n + (ar % n_trash)
  readp = ar % 8

  src_tr = jnp.concatenate([src, trash])
  dst_tr = jnp.concatenate([dst, trash])
  src_rd = jnp.concatenate([src, readp])

  idx_deg = jnp.concatenate([src_tr, dst_tr]).reshape(NC * NS, pt1, CH)
  gsrc = jnp.stack([src_rd, src_rd + n]).reshape(NC, NS, pt3, 1, CH3)
  sdst = jnp.broadcast_to(dst_tr.reshape(1, NS, pt3, 1, CH3),
                          (NC, NS, pt3, 1, CH3))
  idx2 = jnp.concatenate([gsrc, sdst], axis=3).reshape(-1, CH3)

  ones_c = jnp.ones((CH,), jnp.float32)
  zeros1 = jnp.zeros((n_sh // NS,), jnp.float32)
  zeros2 = jnp.zeros((CH3, d), jnp.float32)

  deg = _make_deg_kernel(n_sh, pt1)(idx_deg, ones_c, zeros1)
  deg = deg.reshape(NC, n_sh)[:, :n]
  deg_out_col = deg[0].reshape(n, 1)
  deg_in_col = deg[1].reshape(n, 1)

  ycat = _fused_matmul(curr_inc.T, next_h, curr_h, deg_out_col, n, m, d, 512)

  agg = _make_agg_kernel(n_sh, pt3, d)(
      ycat.reshape(NC * n, d), idx2, zeros2)

  return _finalize(agg, ycat, deg_in_col, W_conv, W_fusion,
                   conv_w.reshape(1, d), topDown_w.reshape(1, d),
                   b_conv.reshape(1, d), b_fusion.reshape(1, d),
                   ln_gamma.reshape(1, d), ln_beta.reshape(1, d),
                   n, d, 400)

# --- scband reference (transcript-rebuilt; emitter-appended) ---
"""Pipeline reference for scband-lgcore-23613730193937 (READ-ONLY COPY).

The authoritative reference and input builder live on the scoring server;
editing this copy changes nothing except your own understanding.
"""

import jax, jax.numpy as jnp
import numpy as np

N = 10000
M = 5000
E = 320000
D = 128


def setup_inputs(seed: int = 0) -> dict:
    key = jax.random.key(seed)
    ks = jax.random.split(key, 12)
    curr_h = jax.random.normal(ks[0], (N, D), dtype=jnp.float32)
    next_h = jax.random.normal(ks[1], (M, D), dtype=jnp.float32)
    curr_inc = jax.random.normal(ks[2], (N, M), dtype=jnp.float32) * 0.01
    edge_index = jax.random.randint(ks[3], (2, E), 0, N, dtype=jnp.int64)
    W_conv = jax.random.normal(ks[4], (D, D), dtype=jnp.float32) * (1.0 / np.sqrt(D))
    b_conv = jnp.zeros((D,), dtype=jnp.float32)
    W_fusion = jax.random.normal(ks[5], (D, D), dtype=jnp.float32) * (1.0 / np.sqrt(D))
    b_fusion = jnp.zeros((D,), dtype=jnp.float32)
    conv_w = jax.random.uniform(ks[6], (D,), dtype=jnp.float32)
    topDown_w = jax.random.uniform(ks[7], (D,), dtype=jnp.float32)
    ln_gamma = jnp.ones((D,), dtype=jnp.float32)
    ln_beta = jnp.zeros((D,), dtype=jnp.float32)
    return {
        'curr_h': curr_h, 'next_h': next_h, 'curr_inc': curr_inc,
        'edge_index': edge_index,
        'W_conv': W_conv, 'b_conv': b_conv,
        'W_fusion': W_fusion, 'b_fusion': b_fusion,
        'conv_w': conv_w, 'topDown_w': topDown_w,
        'ln_gamma': ln_gamma, 'ln_beta': ln_beta,
    }


def _graph_conv(src, dst, n_nodes, x, W, b):
    # DGL GraphConv with norm='both': D_out^{-1/2} A D_in^{-1/2} X W + b
    deg_out = jnp.bincount(src, length=n_nodes).astype(jnp.float32)
    deg_in = jnp.bincount(dst, length=n_nodes).astype(jnp.float32)
    norm_src = jnp.where(deg_out > 0, deg_out ** -0.5, 0.0)
    norm_dst = jnp.where(deg_in > 0, deg_in ** -0.5, 0.0)
    h = x * norm_src[:, None]
    agg = jnp.zeros((n_nodes, x.shape[1]), dtype=x.dtype).at[dst].add(h[src])
    agg = agg * norm_dst[:, None]
    return agg @ W + b


def _layer_norm(x, gamma, beta, eps=1e-5):
    mu = jnp.mean(x, axis=-1, keepdims=True)
    var = jnp.var(x, axis=-1, keepdims=True)
    return (x - mu) / jnp.sqrt(var + eps) * gamma + beta


def reference(curr_h, next_h, curr_inc, edge_index,
              W_conv, b_conv, W_fusion, b_fusion,
              conv_w, topDown_w, ln_gamma, ln_beta):
    # dgl.add_self_loop(g)
    loops = jnp.arange(N, dtype=edge_index.dtype)
    src = jnp.concatenate([edge_index[0], loops])
    dst = jnp.concatenate([edge_index[1], loops])
    # agg_type == 'top_down'
    conv_layer = _graph_conv(src, dst, N, curr_h, W_conv, b_conv) * conv_w[None, :]
    fused_in = curr_inc @ next_h  # torch.mm(curr_inc, next_h)
    top_down_layer = _graph_conv(src, dst, N, fused_in, W_fusion, b_fusion) * topDown_w[None, :]
    # update == 'SUM'
    result = conv_layer + top_down_layer
    result = _layer_norm(result, ln_gamma, ln_beta)
    # activation == 'RELU'
    result = jax.nn.relu(result)
    # dropout p=0.0 -> identity
    return result

if __name__ == "__main__":
    import jax
    _d = setup_inputs()
    print(jax.jit(kernel)(*tuple(_d.values())))

</pallas_src>

<mosaic_0001>
#map = affine_map<(d0, d1) -> (0, 0, 0)>
#map1 = affine_map<(d0, d1) -> (0)>
#map2 = affine_map<(d0, d1) -> (0, 0)>
module attributes {stable_mosaic.version = 14 : i64} {
  func.func @_deg_body(%arg0: i32, %arg1: i32, %arg2: memref<32x160x128xi32, #tpu.memory_space<hbm>>, %arg3: memref<128xf32, #tpu.memory_space<hbm>>, %arg4: memref<640xf32, #tpu.memory_space<hbm>>, %arg5: memref<32x640xf32, #tpu.memory_space<hbm>>, %arg6: memref<160x128xi32, #tpu.memory_space<vmem>>, %arg7: memref<128xf32, #tpu.memory_space<vmem>>, %arg8: memref<640xf32, #tpu.memory_space<vmem>>, %arg9: memref<10240xf32, #tpu.memory_space<vmem_shared>>, %arg10: memref<!tpu.dma_semaphore, #tpu.memory_space<semaphore_mem>>) attributes {dimension_semantics = [#tpu.dimension_semantics<core_parallel>, #tpu.dimension_semantics<subcore_parallel>], iteration_bounds = array<i64: 2, 16>, scalar_prefetch = 0 : i64, scratch_operands = 5 : i64, tpu.core_type = #tpu.core_type<sc_vector_subcore>, window_params = [{transform_indices = #map}, {transform_indices = #map1}, {transform_indices = #map1}, {transform_indices = #map2}]} {
    %mul3A = arith.constant 16 : i32
    %mul3A_0 = arith.muli %arg0, %mul3A : i32
    %add3A = arith.addi %mul3A_0, %arg1 : i32
    "tpu.region"() ({
      %run_scoped3A = tpu.sem_alloc : memref<!tpu.dma_semaphore, #tpu.memory_space<semaphore_mem>>
      tpu.enqueue_dma source(%arg3 : memref<128xf32, #tpu.memory_space<hbm>>) target(%arg7 : memref<128xf32, #tpu.memory_space<vmem>>) target_semaphore(%run_scoped3A : memref<!tpu.dma_semaphore, #tpu.memory_space<semaphore_mem>>)
      tpu.wait_dma2 semaphore(%run_scoped3A : memref<!tpu.dma_semaphore, #tpu.memory_space<semaphore_mem>>) src(%arg3 : memref<128xf32, #tpu.memory_space<hbm>>) dst(%arg7 : memref<128xf32, #tpu.memory_space<vmem>>)
      tpu.yield
    }) : () -> ()
    "tpu.region"() ({
      %run_scoped3A = tpu.sem_alloc : memref<!tpu.dma_semaphore, #tpu.memory_space<semaphore_mem>>
      tpu.enqueue_dma source(%arg4 : memref<640xf32, #tpu.memory_space<hbm>>) target(%arg8 : memref<640xf32, #tpu.memory_space<vmem>>) target_semaphore(%run_scoped3A : memref<!tpu.dma_semaphore, #tpu.memory_space<semaphore_mem>>)
      tpu.wait_dma2 semaphore(%run_scoped3A : memref<!tpu.dma_semaphore, #tpu.memory_space<semaphore_mem>>) src(%arg4 : memref<640xf32, #tpu.memory_space<hbm>>) dst(%arg8 : memref<640xf32, #tpu.memory_space<vmem>>)
      tpu.yield
    }) : () -> ()
    %mul3A_1 = arith.constant 640 : i32
    %mul3A_2 = arith.muli %arg1, %mul3A_1 : i32
    "tpu.region"() ({
      %run_scoped3A = tpu.sem_alloc : memref<!tpu.dma_semaphore, #tpu.memory_space<semaphore_mem>>
      %dma_start3A = tpu.memref_slice %arg9[%mul3A_2] : memref<10240xf32, #tpu.memory_space<vmem_shared>> -> memref<640xf32, #tpu.memory_space<vmem_shared>>
      %dma_start3A_11 = tpu.memref_slice %arg9[%mul3A_2] : memref<10240xf32, #tpu.memory_space<vmem_shared>> -> memref<640xf32, #tpu.memory_space<vmem_shared>>
      tpu.enqueue_dma source(%arg8 : memref<640xf32, #tpu.memory_space<vmem>>) target(%dma_start3A_11 : memref<640xf32, #tpu.memory_space<vmem_shared>>) target_semaphore(%run_scoped3A : memref<!tpu.dma_semaphore, #tpu.memory_space<semaphore_mem>>)
      %dma_wait3A = tpu.memref_slice %arg9[%mul3A_2] : memref<10240xf32, #tpu.memory_space<vmem_shared>> -> memref<640xf32, #tpu.memory_space<vmem_shared>>
      %dma_wait3A_12 = tpu.memref_slice %arg9[%mul3A_2] : memref<10240xf32, #tpu.memory_space<vmem_shared>> -> memref<640xf32, #tpu.memory_space<vmem_shared>>
      tpu.wait_dma2 semaphore(%run_scoped3A : memref<!tpu.dma_semaphore, #tpu.memory_space<semaphore_mem>>) src(%arg8 : memref<640xf32, #tpu.memory_space<vmem>>) dst(%dma_wait3A_12 : memref<640xf32, #tpu.memory_space<vmem_shared>>)
      tpu.yield
    }) : () -> ()
    %barrier3A = arith.constant 0 : index
    tpu.barrier barrier_id(%barrier3A)
    "tpu.region"() ({
      %run_scoped3A = tpu.sem_alloc : memref<!tpu.dma_semaphore, #tpu.memory_space<semaphore_mem>>
      %dma_start3A = arith.constant 0 : i32
      %dma_start3A_11 = arith.constant 0 : i32
      %dma_start3A_12 = tpu.memref_slice %arg2[%add3A, %dma_start3A, %dma_start3A_11] : memref<32x160x128xi32, #tpu.memory_space<hbm>> -> memref<1x160x128xi32, #tpu.memory_space<hbm>>
      %dma_start3A_13 = tpu.memref_squeeze %dma_start3A_12 : memref<1x160x128xi32, #tpu.memory_space<hbm>> -> memref<160x128xi32, #tpu.memory_space<hbm>>
      %dma_start3A_14 = arith.constant 0 : i32
      %dma_start3A_15 = arith.constant 0 : i32
      %dma_start3A_16 = tpu.memref_slice %arg2[%add3A, %dma_start3A_14, %dma_start3A_15] : memref<32x160x128xi32, #tpu.memory_space<hbm>> -> memref<1x160x128xi32, #tpu.memory_space<hbm>>
      %dma_start3A_17 = tpu.memref_squeeze %dma_start3A_16 : memref<1x160x128xi32, #tpu.memory_space<hbm>> -> memref<160x128xi32, #tpu.memory_space<hbm>>
      tpu.enqueue_dma source(%dma_start3A_17 : memref<160x128xi32, #tpu.memory_space<hbm>>) target(%arg6 : memref<160x128xi32, #tpu.memory_space<vmem>>) target_semaphore(%run_scoped3A : memref<!tpu.dma_semaphore, #tpu.memory_space<semaphore_mem>>)
      %dma_wait3A = arith.constant 0 : i32
      %dma_wait3A_18 = arith.constant 0 : i32
      %dma_wait3A_19 = tpu.memref_slice %arg2[%add3A, %dma_wait3A, %dma_wait3A_18] : memref<32x160x128xi32, #tpu.memory_space<hbm>> -> memref<1x160x128xi32, #tpu.memory_space<hbm>>
      %dma_wait3A_20 = tpu.memref_squeeze %dma_wait3A_19 : memref<1x160x128xi32, #tpu.memory_space<hbm>> -> memref<160x128xi32, #tpu.memory_space<hbm>>
      %dma_wait3A_21 = arith.constant 0 : i32
      %dma_wait3A_22 = arith.constant 0 : i32
      %dma_wait3A_23 = tpu.memref_slice %arg2[%add3A, %dma_wait3A_21, %dma_wait3A_22] : memref<32x160x128xi32, #tpu.memory_space<hbm>> -> memref<1x160x128xi32, #tpu.memory_space<hbm>>
      %dma_wait3A_24 = tpu.memref_squeeze %dma_wait3A_23 : memref<1x160x128xi32, #tpu.memory_space<hbm>> -> memref<160x128xi32, #tpu.memory_space<hbm>>
      tpu.wait_dma2 semaphore(%run_scoped3A : memref<!tpu.dma_semaphore, #tpu.memory_space<semaphore_mem>>) src(%dma_wait3A_24 : memref<160x128xi32, #tpu.memory_space<hbm>>) dst(%arg6 : memref<160x128xi32, #tpu.memory_space<vmem>>)
      tpu.yield
    }) : () -> ()
    %scan3A = arith.constant 0 : i32
    %scan3A_3 = arith.constant 0 : i32
    %scan3A_4 = arith.constant 20 : i32
    %scan3A_5 = arith.addi %scan3A_3, %scan3A_4 : i32
    %scan3A_6 = arith.constant 1 : i32
    scf.for %scan3A_11 = %scan3A_3 to %scan3A_5 step %scan3A_6  : i32 {
      %mul3A_12 = arith.constant 8 : i32
      %mul3A_13 = arith.muli %mul3A_12, %scan3A_11 : i32
      %add3A_14 = arith.constant 0 : i32
      %add3A_15 = arith.addi %mul3A_13, %add3A_14 : i32
      %dma_start3A = arith.constant 0 : i32
      %dma_start3A_16 = tpu.memref_slice %arg6[%add3A_15, %dma_start3A] : memref<160x128xi32, #tpu.memory_space<vmem>> -> memref<1x128xi32, #tpu.memory_space<vmem>>
      %dma_start3A_17 = tpu.memref_squeeze %dma_start3A_16 : memref<1x128xi32, #tpu.memory_space<vmem>> -> memref<128xi32, #tpu.memory_space<vmem>>
      %dma_start3A_18 = arith.constant 0 : i32
      %dma_start3A_19 = tpu.memref_slice %arg9[%dma_start3A_18] : memref<10240xf32, #tpu.memory_space<vmem_shared>> -> memref<10240xf32, #tpu.memory_space<vmem_shared>>
      tpu.enqueue_indirect_dma source(%arg7 : memref<128xf32, #tpu.memory_space<vmem>>) target(%dma_start3A_19 : memref<10240xf32, #tpu.memory_space<vmem_shared>>) offsets(%dma_start3A_17 : memref<128xi32, #tpu.memory_space<vmem>>) semaphore(%arg10 : memref<!tpu.dma_semaphore, #tpu.memory_space<semaphore_mem>>) {add = true}
      %mul3A_20 = arith.constant 8 : i32
      %mul3A_21 = arith.muli %mul3A_20, %scan3A_11 : i32
      %add3A_22 = arith.constant 1 : i32
      %add3A_23 = arith.addi %mul3A_21, %add3A_22 : i32
      %dma_start3A_24 = arith.constant 0 : i32
      %dma_start3A_25 = tpu.memref_slice %arg6[%add3A_23, %dma_start3A_24] : memref<160x128xi32, #tpu.memory_space<vmem>> -> memref<1x128xi32, #tpu.memory_space<vmem>>
      %dma_start3A_26 = tpu.memref_squeeze %dma_start3A_25 : memref<1x128xi32, #tpu.memory_space<vmem>> -> memref<128xi32, #tpu.memory_space<vmem>>
      %dma_start3A_27 = arith.constant 0 : i32
      %dma_start3A_28 = tpu.memref_slice %arg9[%dma_start3A_27] : memref<10240xf32, #tpu.memory_space<vmem_shared>> -> memref<10240xf32, #tpu.memory_space<vmem_shared>>
      tpu.enqueue_indirect_dma source(%arg7 : memref<128xf32, #tpu.memory_space<vmem>>) target(%dma_start3A_28 : memref<10240xf32, #tpu.memory_space<vmem_shared>>) offsets(%dma_start3A_26 : memref<128xi32, #tpu.memory_space<vmem>>) semaphore(%arg10 : memref<!tpu.dma_semaphore, #tpu.memory_space<semaphore_mem>>) {add = true}
      %mul3A_29 = arith.constant 8 : i32
      %mul3A_30 = arith.muli %mul3A_29, %scan3A_11 : i32
      %add3A_31 = arith.constant 2 : i32
      %add3A_32 = arith.addi %mul3A_30, %add3A_31 : i32
      %dma_start3A_33 = arith.constant 0 : i32
      %dma_start3A_34 = tpu.memref_slice %arg6[%add3A_32, %dma_start3A_33] : memref<160x128xi32, #tpu.memory_space<vmem>> -> memref<1x128xi32, #tpu.memory_space<vmem>>
      %dma_start3A_35 = tpu.memref_squeeze %dma_start3A_34 : memref<1x128xi32, #tpu.memory_space<vmem>> -> memref<128xi32, #tpu.memory_space<vmem>>
      %dma_start3A_36 = arith.constant 0 : i32
      %dma_start3A_37 = tpu.memref_slice %arg9[%dma_start3A_36] : memref<10240xf32, #tpu.memory_space<vmem_shared>> -> memref<10240xf32, #tpu.memory_space<vmem_shared>>
      tpu.enqueue_indirect_dma source(%arg7 : memref<128xf32, #tpu.memory_space<vmem>>) target(%dma_start3A_37 : memref<10240xf32, #tpu.memory_space<vmem_shared>>) offsets(%dma_start3A_35 : memref<128xi32, #tpu.memory_space<vmem>>) semaphore(%arg10 : memref<!tpu.dma_semaphore, #tpu.memory_space<semaphore_mem>>) {add = true}
      %mul3A_38 = arith.constant 8 : i32
      %mul3A_39 = arith.muli %mul3A_38, %scan3A_11 : i32
      %add3A_40 = arith.constant 3 : i32
      %add3A_41 = arith.addi %mul3A_39, %add3A_40 : i32
      %dma_start3A_42 = arith.constant 0 : i32
      %dma_start3A_43 = tpu.memref_slice %arg6[%add3A_41, %dma_start3A_42] : memref<160x128xi32, #tpu.memory_space<vmem>> -> memref<1x128xi32, #tpu.memory_space<vmem>>
      %dma_start3A_44 = tpu.memref_squeeze %dma_start3A_43 : memref<1x128xi32, #tpu.memory_space<vmem>> -> memref<128xi32, #tpu.memory_space<vmem>>
      %dma_start3A_45 = arith.constant 0 : i32
      %dma_start3A_46 = tpu.memref_slice %arg9[%dma_start3A_45] : memref<10240xf32, #tpu.memory_space<vmem_shared>> -> memref<10240xf32, #tpu.memory_space<vmem_shared>>
      tpu.enqueue_indirect_dma source(%arg7 : memref<128xf32, #tpu.memory_space<vmem>>) target(%dma_start3A_46 : memref<10240xf32, #tpu.memory_space<vmem_shared>>) offsets(%dma_start3A_44 : memref<128xi32, #tpu.memory_space<vmem>>) semaphore(%arg10 : memref<!tpu.dma_semaphore, #tpu.memory_space<semaphore_mem>>) {add = true}
      %mul3A_47 = arith.constant 8 : i32
      %mul3A_48 = arith.muli %mul3A_47, %scan3A_11 : i32
      %add3A_49 = arith.constant 4 : i32
      %add3A_50 = arith.addi %mul3A_48, %add3A_49 : i32
      %dma_start3A_51 = arith.constant 0 : i32
      %dma_start3A_52 = tpu.memref_slice %arg6[%add3A_50, %dma_start3A_51] : memref<160x128xi32, #tpu.memory_space<vmem>> -> memref<1x128xi32, #tpu.memory_space<vmem>>
      %dma_start3A_53 = tpu.memref_squeeze %dma_start3A_52 : memref<1x128xi32, #tpu.memory_space<vmem>> -> memref<128xi32, #tpu.memory_space<vmem>>
      %dma_start3A_54 = arith.constant 0 : i32
      %dma_start3A_55 = tpu.memref_slice %arg9[%dma_start3A_54] : memref<10240xf32, #tpu.memory_space<vmem_shared>> -> memref<10240xf32, #tpu.memory_space<vmem_shared>>
      tpu.enqueue_indirect_dma source(%arg7 : memref<128xf32, #tpu.memory_space<vmem>>) target(%dma_start3A_55 : memref<10240xf32, #tpu.memory_space<vmem_shared>>) offsets(%dma_start3A_53 : memref<128xi32, #tpu.memory_space<vmem>>) semaphore(%arg10 : memref<!tpu.dma_semaphore, #tpu.memory_space<semaphore_mem>>) {add = true}
      %mul3A_56 = arith.constant 8 : i32
      %mul3A_57 = arith.muli %mul3A_56, %scan3A_11 : i32
      %add3A_58 = arith.constant 5 : i32
      %add3A_59 = arith.addi %mul3A_57, %add3A_58 : i32
      %dma_start3A_60 = arith.constant 0 : i32
      %dma_start3A_61 = tpu.memref_slice %arg6[%add3A_59, %dma_start3A_60] : memref<160x128xi32, #tpu.memory_space<vmem>> -> memref<1x128xi32, #tpu.memory_space<vmem>>
      %dma_start3A_62 = tpu.memref_squeeze %dma_start3A_61 : memref<1x128xi32, #tpu.memory_space<vmem>> -> memref<128xi32, #tpu.memory_space<vmem>>
      %dma_start3A_63 = arith.constant 0 : i32
      %dma_start3A_64 = tpu.memref_slice %arg9[%dma_start3A_63] : memref<10240xf32, #tpu.memory_space<vmem_shared>> -> memref<10240xf32, #tpu.memory_space<vmem_shared>>
      tpu.enqueue_indirect_dma source(%arg7 : memref<128xf32, #tpu.memory_space<vmem>>) target(%dma_start3A_64 : memref<10240xf32, #tpu.memory_space<vmem_shared>>) offsets(%dma_start3A_62 : memref<128xi32, #tpu.memory_space<vmem>>) semaphore(%arg10 : memref<!tpu.dma_semaphore, #tpu.memory_space<semaphore_mem>>) {add = true}
      %mul3A_65 = arith.constant 8 : i32
      %mul3A_66 = arith.muli %mul3A_65, %scan3A_11 : i32
      %add3A_67 = arith.constant 6 : i32
      %add3A_68 = arith.addi %mul3A_66, %add3A_67 : i32
      %dma_start3A_69 = arith.constant 0 : i32
      %dma_start3A_70 = tpu.memref_slice %arg6[%add3A_68, %dma_start3A_69] : memref<160x128xi32, #tpu.memory_space<vmem>> -> memref<1x128xi32, #tpu.memory_space<vmem>>
      %dma_start3A_71 = tpu.memref_squeeze %dma_start3A_70 : memref<1x128xi32, #tpu.memory_space<vmem>> -> memref<128xi32, #tpu.memory_space<vmem>>
      %dma_start3A_72 = arith.constant 0 : i32
      %dma_start3A_73 = tpu.memref_slice %arg9[%dma_start3A_72] : memref<10240xf32, #tpu.memory_space<vmem_shared>> -> memref<10240xf32, #tpu.memory_space<vmem_shared>>
      tpu.enqueue_indirect_dma source(%arg7 : memref<128xf32, #tpu.memory_space<vmem>>) target(%dma_start3A_73 : memref<10240xf32, #tpu.memory_space<vmem_shared>>) offsets(%dma_start3A_71 : memref<128xi32, #tpu.memory_space<vmem>>) semaphore(%arg10 : memref<!tpu.dma_semaphore, #tpu.memory_space<semaphore_mem>>) {add = true}
      %mul3A_74 = arith.constant 8 : i32
      %mul3A_75 = arith.muli %mul3A_74, %scan3A_11 : i32
      %add3A_76 = arith.constant 7 : i32
      %add3A_77 = arith.addi %mul3A_75, %add3A_76 : i32
      %dma_start3A_78 = arith.constant 0 : i32
      %dma_start3A_79 = tpu.memref_slice %arg6[%add3A_77, %dma_start3A_78] : memref<160x128xi32, #tpu.memory_space<vmem>> -> memref<1x128xi32, #tpu.memory_space<vmem>>
      %dma_start3A_80 = tpu.memref_squeeze %dma_start3A_79 : memref<1x128xi32, #tpu.memory_space<vmem>> -> memref<128xi32, #tpu.memory_space<vmem>>
      %dma_start3A_81 = arith.constant 0 : i32
      %dma_start3A_82 = tpu.memref_slice %arg9[%dma_start3A_81] : memref<10240xf32, #tpu.memory_space<vmem_shared>> -> memref<10240xf32, #tpu.memory_space<vmem_shared>>
      tpu.enqueue_indirect_dma source(%arg7 : memref<128xf32, #tpu.memory_space<vmem>>) target(%dma_start3A_82 : memref<10240xf32, #tpu.memory_space<vmem_shared>>) offsets(%dma_start3A_80 : memref<128xi32, #tpu.memory_space<vmem>>) semaphore(%arg10 : memref<!tpu.dma_semaphore, #tpu.memory_space<semaphore_mem>>) {add = true}
      %mul3A_83 = arith.constant 8 : i32
      %mul3A_84 = arith.muli %mul3A_83, %scan3A_11 : i32
      %add3A_85 = arith.constant 0 : i32
      %add3A_86 = arith.addi %mul3A_84, %add3A_85 : i32
      %dma_wait3A = arith.constant 0 : i32
      %dma_wait3A_87 = tpu.memref_slice %arg6[%add3A_86, %dma_wait3A] : memref<160x128xi32, #tpu.memory_space<vmem>> -> memref<1x128xi32, #tpu.memory_space<vmem>>
      %dma_wait3A_88 = tpu.memref_squeeze %dma_wait3A_87 : memref<1x128xi32, #tpu.memory_space<vmem>> -> memref<128xi32, #tpu.memory_space<vmem>>
      %dma_wait3A_89 = arith.constant 0 : i32
      %dma_wait3A_90 = tpu.memref_slice %arg9[%dma_wait3A_89] : memref<10240xf32, #tpu.memory_space<vmem_shared>> -> memref<10240xf32, #tpu.memory_space<vmem_shared>>
      tpu.wait_indirect_dma semaphore(%arg10 : memref<!tpu.dma_semaphore, #tpu.memory_space<semaphore_mem>>) src(%arg7 : memref<128xf32, #tpu.memory_space<vmem>>) dst(%dma_wait3A_90 : memref<10240xf32, #tpu.memory_space<vmem_shared>>)
      %mul3A_91 = arith.constant 8 : i32
      %mul3A_92 = arith.muli %mul3A_91, %scan3A_11 : i32
      %add3A_93 = arith.constant 1 : i32
      %add3A_94 = arith.addi %mul3A_92, %add3A_93 : i32
      %dma_wait3A_95 = arith.constant 0 : i32
      %dma_wait3A_96 = tpu.memref_slice %arg6[%add3A_94, %dma_wait3A_95] : memref<160x128xi32, #tpu.memory_space<vmem>> -> memref<1x128xi32, #tpu.memory_space<vmem>>
      %dma_wait3A_97 = tpu.memref_squeeze %dma_wait3A_96 : memref<1x128xi32, #tpu.memory_space<vmem>> -> memref<128xi32, #tpu.memory_space<vmem>>
      %dma_wait3A_98 = arith.constant 0 : i32
      %dma_wait3A_99 = tpu.memref_slice %arg9[%dma_wait3A_98] : memref<10240xf32, #tpu.memory_space<vmem_shared>> -> memref<10240xf32, #tpu.memory_space<vmem_shared>>
      tpu.wait_indirect_dma semaphore(%arg10 : memref<!tpu.dma_semaphore, #tpu.memory_space<semaphore_mem>>) src(%arg7 : memref<128xf32, #tpu.memory_space<vmem>>) dst(%dma_wait3A_99 : memref<10240xf32, #tpu.memory_space<vmem_shared>>)
      %mul3A_100 = arith.constant 8 : i32
      %mul3A_101 = arith.muli %mul3A_100, %scan3A_11 : i32
      %add3A_102 = arith.constant 2 : i32
      %add3A_103 = arith.addi %mul3A_101, %add3A_102 : i32
      %dma_wait3A_104 = arith.constant 0 : i32
      %dma_wait3A_105 = tpu.memref_slice %arg6[%add3A_103, %dma_wait3A_104] : memref<160x128xi32, #tpu.memory_space<vmem>> -> memref<1x128xi32, #tpu.memory_space<vmem>>
      %dma_wait3A_106 = tpu.memref_squeeze %dma_wait3A_105 : memref<1x128xi32, #tpu.memory_space<vmem>> -> memref<128xi32, #tpu.memory_space<vmem>>
      %dma_wait3A_107 = arith.constant 0 : i32
      %dma_wait3A_108 = tpu.memref_slice %arg9[%dma_wait3A_107] : memref<10240xf32, #tpu.memory_space<vmem_shared>> -> memref<10240xf32, #tpu.memory_space<vmem_shared>>
      tpu.wait_indirect_dma semaphore(%arg10 : memref<!tpu.dma_semaphore, #tpu.memory_space<semaphore_mem>>) src(%arg7 : memref<128xf32, #tpu.memory_space<vmem>>) dst(%dma_wait3A_108 : memref<10240xf32, #tpu.memory_space<vmem_shared>>)
      %mul3A_109 = arith.constant 8 : i32
      %mul3A_110 = arith.muli %mul3A_109, %scan3A_11 : i32
      %add3A_111 = arith.constant 3 : i32
      %add3A_112 = arith.addi %mul3A_110, %add3A_111 : i32
      %dma_wait3A_113 = arith.constant 0 : i32
      %dma_wait3A_114 = tpu.memref_slice %arg6[%add3A_112, %dma_wait3A_113] : memref<160x128xi32, #tpu.memory_space<vmem>> -> memref<1x128xi32, #tpu.memory_space<vmem>>
      %dma_wait3A_115 = tpu.memref_squeeze %dma_wait3A_114 : memref<1x128xi32, #tpu.memory_space<vmem>> -> memref<128xi32, #tpu.memory_space<vmem>>
      %dma_wait3A_116 = arith.constant 0 : i32
      %dma_wait3A_117 = tpu.memref_slice %arg9[%dma_wait3A_116] : memref<10240xf32, #tpu.memory_space<vmem_shared>> -> memref<10240xf32, #tpu.memory_space<vmem_shared>>
      tpu.wait_indirect_dma semaphore(%arg10 : memref<!tpu.dma_semaphore, #tpu.memory_space<semaphore_mem>>) src(%arg7 : memref<128xf32, #tpu.memory_space<vmem>>) dst(%dma_wait3A_117 : memref<10240xf32, #tpu.memory_space<vmem_shared>>)
      %mul3A_118 = arith.constant 8 : i32
      %mul3A_119 = arith.muli %mul3A_118, %scan3A_11 : i32
      %add3A_120 = arith.constant 4 : i32
      %add3A_121 = arith.addi %mul3A_119, %add3A_120 : i32
      %dma_wait3A_122 = arith.constant 0 : i32
      %dma_wait3A_123 = tpu.memref_slice %arg6[%add3A_121, %dma_wait3A_122] : memref<160x128xi32, #tpu.memory_space<vmem>> -> memref<1x128xi32, #tpu.memory_space<vmem>>
      %dma_wait3A_124 = tpu.memref_squeeze %dma_wait3A_123 : memref<1x128xi32, #tpu.memory_space<vmem>> -> memref<128xi32, #tpu.memory_space<vmem>>
      %dma_wait3A_125 = arith.constant 0 : i32
      %dma_wait3A_126 = tpu.memref_slice %arg9[%dma_wait3A_125] : memref<10240xf32, #tpu.memory_space<vmem_shared>> -> memref<10240xf32, #tpu.memory_space<vmem_shared>>
      tpu.wait_indirect_dma semaphore(%arg10 : memref<!tpu.dma_semaphore, #tpu.memory_space<semaphore_mem>>) src(%arg7 : memref<128xf32, #tpu.memory_space<vmem>>) dst(%dma_wait3A_126 : memref<10240xf32, #tpu.memory_space<vmem_shared>>)
      %mul3A_127 = arith.constant 8 : i32
      %mul3A_128 = arith.muli %mul3A_127, %scan3A_11 : i32
      %add3A_129 = arith.constant 5 : i32
      %add3A_130 = arith.addi %mul3A_128, %add3A_129 : i32
      %dma_wait3A_131 = arith.constant 0 : i32
      %dma_wait3A_132 = tpu.memref_slice %arg6[%add3A_130, %dma_wait3A_131] : memref<160x128xi32, #tpu.memory_space<vmem>> -> memref<1x128xi32, #tpu.memory_space<vmem>>
      %dma_wait3A_133 = tpu.memref_squeeze %dma_wait3A_132 : memref<1x128xi32, #tpu.memory_space<vmem>> -> memref<128xi32, #tpu.memory_space<vmem>>
      %dma_wait3A_134 = arith.constant 0 : i32
      %dma_wait3A_135 = tpu.memref_slice %arg9[%dma_wait3A_134] : memref<10240xf32, #tpu.memory_space<vmem_shared>> -> memref<10240xf32, #tpu.memory_space<vmem_shared>>
      tpu.wait_indirect_dma semaphore(%arg10 : memref<!tpu.dma_semaphore, #tpu.memory_space<semaphore_mem>>) src(%arg7 : memref<128xf32, #tpu.memory_space<vmem>>) dst(%dma_wait3A_135 : memref<10240xf32, #tpu.memory_space<vmem_shared>>)
      %mul3A_136 = arith.constant 8 : i32
      %mul3A_137 = arith.muli %mul3A_136, %scan3A_11 : i32
      %add3A_138 = arith.constant 6 : i32
      %add3A_139 = arith.addi %mul3A_137, %add3A_138 : i32
      %dma_wait3A_140 = arith.constant 0 : i32
      %dma_wait3A_141 = tpu.memref_slice %arg6[%add3A_139, %dma_wait3A_140] : memref<160x128xi32, #tpu.memory_space<vmem>> -> memref<1x128xi32, #tpu.memory_space<vmem>>
      %dma_wait3A_142 = tpu.memref_squeeze %dma_wait3A_141 : memref<1x128xi32, #tpu.memory_space<vmem>> -> memref<128xi32, #tpu.memory_space<vmem>>
      %dma_wait3A_143 = arith.constant 0 : i32
      %dma_wait3A_144 = tpu.memref_slice %arg9[%dma_wait3A_143] : memref<10240xf32, #tpu.memory_space<vmem_shared>> -> memref<10240xf32, #tpu.memory_space<vmem_shared>>
      tpu.wait_indirect_dma semaphore(%arg10 : memref<!tpu.dma_semaphore, #tpu.memory_space<semaphore_mem>>) src(%arg7 : memref<128xf32, #tpu.memory_space<vmem>>) dst(%dma_wait3A_144 : memref<10240xf32, #tpu.memory_space<vmem_shared>>)
      %mul3A_145 = arith.constant 8 : i32
      %mul3A_146 = arith.muli %mul3A_145, %scan3A_11 : i32
      %add3A_147 = arith.constant 7 : i32
      %add3A_148 = arith.addi %mul3A_146, %add3A_147 : i32
      %dma_wait3A_149 = arith.constant 0 : i32
      %dma_wait3A_150 = tpu.memref_slice %arg6[%add3A_148, %dma_wait3A_149] : memref<160x128xi32, #tpu.memory_space<vmem>> -> memref<1x128xi32, #tpu.memory_space<vmem>>
      %dma_wait3A_151 = tpu.memref_squeeze %dma_wait3A_150 : memref<1x128xi32, #tpu.memory_space<vmem>> -> memref<128xi32, #tpu.memory_space<vmem>>
      %dma_wait3A_152 = arith.constant 0 : i32
      %dma_wait3A_153 = tpu.memref_slice %arg9[%dma_wait3A_152] : memref<10240xf32, #tpu.memory_space<vmem_shared>> -> memref<10240xf32, #tpu.memory_space<vmem_shared>>
      tpu.wait_indirect_dma semaphore(%arg10 : memref<!tpu.dma_semaphore, #tpu.memory_space<semaphore_mem>>) src(%arg7 : memref<128xf32, #tpu.memory_space<vmem>>) dst(%dma_wait3A_153 : memref<10240xf32, #tpu.memory_space<vmem_shared>>)
    }
    %scan3A_7 = arith.constant 20 : i32
    %barrier3A_8 = arith.constant 0 : index
    tpu.barrier barrier_id(%barrier3A_8)
    %mul3A_9 = arith.constant 640 : i32
    %mul3A_10 = arith.muli %arg1, %mul3A_9 : i32
    "tpu.region"() ({
      %run_scoped3A = tpu.sem_alloc : memref<!tpu.dma_semaphore, #tpu.memory_space<semaphore_mem>>
      %dma_start3A = tpu.memref_slice %arg9[%mul3A_10] : memref<10240xf32, #tpu.memory_space<vmem_shared>> -> memref<640xf32, #tpu.memory_space<vmem_shared>>
      %dma_start3A_11 = tpu.memref_slice %arg9[%mul3A_10] : memref<10240xf32, #tpu.memory_space<vmem_shared>> -> memref<640xf32, #tpu.memory_space<vmem_shared>>
      tpu.enqueue_dma source(%dma_start3A_11 : memref<640xf32, #tpu.memory_space<vmem_shared>>) target(%arg8 : memref<640xf32, #tpu.memory_space<vmem>>) target_semaphore(%run_scoped3A : memref<!tpu.dma_semaphore, #tpu.memory_space<semaphore_mem>>)
      %dma_wait3A = tpu.memref_slice %arg9[%mul3A_10] : memref<10240xf32, #tpu.memory_space<vmem_shared>> -> memref<640xf32, #tpu.memory_space<vmem_shared>>
      %dma_wait3A_12 = tpu.memref_slice %arg9[%mul3A_10] : memref<10240xf32, #tpu.memory_space<vmem_shared>> -> memref<640xf32, #tpu.memory_space<vmem_shared>>
      tpu.wait_dma2 semaphore(%run_scoped3A : memref<!tpu.dma_semaphore, #tpu.memory_space<semaphore_mem>>) src(%dma_wait3A_12 : memref<640xf32, #tpu.memory_space<vmem_shared>>) dst(%arg8 : memref<640xf32, #tpu.memory_space<vmem>>)
      tpu.yield
    }) : () -> ()
    "tpu.region"() ({
      %run_scoped3A = tpu.sem_alloc : memref<!tpu.dma_semaphore, #tpu.memory_space<semaphore_mem>>
      %dma_start3A = arith.constant 0 : i32
      %dma_start3A_11 = tpu.memref_slice %arg5[%add3A, %dma_start3A] : memref<32x640xf32, #tpu.memory_space<hbm>> -> memref<1x640xf32, #tpu.memory_space<hbm>>
      %dma_start3A_12 = tpu.memref_squeeze %dma_start3A_11 : memref<1x640xf32, #tpu.memory_space<hbm>> -> memref<640xf32, #tpu.memory_space<hbm>>
      %dma_start3A_13 = arith.constant 0 : i32
      %dma_start3A_14 = tpu.memref_slice %arg5[%add3A, %dma_start3A_13] : memref<32x640xf32, #tpu.memory_space<hbm>> -> memref<1x640xf32, #tpu.memory_space<hbm>>
      %dma_start3A_15 = tpu.memref_squeeze %dma_start3A_14 : memref<1x640xf32, #tpu.memory_space<hbm>> -> memref<640xf32, #tpu.memory_space<hbm>>
      tpu.enqueue_dma source(%arg8 : memref<640xf32, #tpu.memory_space<vmem>>) target(%dma_start3A_15 : memref<640xf32, #tpu.memory_space<hbm>>) target_semaphore(%run_scoped3A : memref<!tpu.dma_semaphore, #tpu.memory_space<semaphore_mem>>)
      %dma_wait3A = arith.constant 0 : i32
      %dma_wait3A_16 = tpu.memref_slice %arg5[%add3A, %dma_wait3A] : memref<32x640xf32, #tpu.memory_space<hbm>> -> memref<1x640xf32, #tpu.memory_space<hbm>>
      %dma_wait3A_17 = tpu.memref_squeeze %dma_wait3A_16 : memref<1x640xf32, #tpu.memory_space<hbm>> -> memref<640xf32, #tpu.memory_space<hbm>>
      %dma_wait3A_18 = arith.constant 0 : i32
      %dma_wait3A_19 = tpu.memref_slice %arg5[%add3A, %dma_wait3A_18] : memref<32x640xf32, #tpu.memory_space<hbm>> -> memref<1x640xf32, #tpu.memory_space<hbm>>
      %dma_wait3A_20 = tpu.memref_squeeze %dma_wait3A_19 : memref<1x640xf32, #tpu.memory_space<hbm>> -> memref<640xf32, #tpu.memory_space<hbm>>
      tpu.wait_dma2 semaphore(%run_scoped3A : memref<!tpu.dma_semaphore, #tpu.memory_space<semaphore_mem>>) src(%arg8 : memref<640xf32, #tpu.memory_space<vmem>>) dst(%dma_wait3A_20 : memref<640xf32, #tpu.memory_space<hbm>>)
      tpu.yield
    }) : () -> ()
    return
  }
}

#map = affine_map<(d0, d1) -> (0, 0)>
#map1 = affine_map<(d0, d1) -> (0, 0, 0)>
module attributes {stable_mosaic.version = 14 : i64} {
  func.func @_agg_body(%arg0: i32, %arg1: i32, %arg2: memref<20000x128xf32, #tpu.memory_space<hbm>>, %arg3: memref<16384x80xi32, #tpu.memory_space<hbm>>, %arg4: memref<80x128xf32, #tpu.memory_space<hbm>>, %arg5: memref<2x10240x128xf32, #tpu.memory_space<hbm>>, %arg6: memref<16x80xi32, #tpu.memory_space<vmem>>, %arg7: memref<16x80xi32, #tpu.memory_space<vmem>>, %arg8: memref<80x128xf32, #tpu.memory_space<vmem>>, %arg9: memref<80x128xf32, #tpu.memory_space<vmem>>, %arg10: memref<80x128xf32, #tpu.memory_space<vmem>>, %arg11: memref<80x128xf32, #tpu.memory_space<vmem>>, %arg12: memref<10240x128xf32, #tpu.memory_space<vmem_shared>>, %arg13: memref<!tpu.dma_semaphore, #tpu.memory_space<semaphore_mem>>, %arg14: memref<!tpu.dma_semaphore, #tpu.memory_space<semaphore_mem>>, %arg15: memref<!tpu.dma_semaphore, #tpu.memory_space<semaphore_mem>>, %arg16: memref<!tpu.dma_semaphore, #tpu.memory_space<semaphore_mem>>, %arg17: memref<!tpu.dma_semaphore, #tpu.memory_space<semaphore_mem>>, %arg18: memref<!tpu.dma_semaphore, #tpu.memory_space<semaphore_mem>>, %arg19: memref<!tpu.dma_semaphore, #tpu.memory_space<semaphore_mem>>, %arg20: memref<!tpu.dma_semaphore, #tpu.memory_space<semaphore_mem>>, %arg21: memref<!tpu.dma_semaphore, #tpu.memory_space<semaphore_mem>>, %arg22: memref<!tpu.dma_semaphore, #tpu.memory_space<semaphore_mem>>) attributes {dimension_semantics = [#tpu.dimension_semantics<core_parallel>, #tpu.dimension_semantics<subcore_parallel>], iteration_bounds = array<i64: 2, 16>, scalar_prefetch = 0 : i64, scratch_operands = 17 : i64, tpu.core_type = #tpu.core_type<sc_vector_subcore>, window_params = [{transform_indices = #map}, {transform_indices = #map}, {transform_indices = #map}, {transform_indices = #map1}]} {
    %mul3A = arith.constant 16 : i32
    %mul3A_0 = arith.muli %arg0, %mul3A : i32
    %add3A = arith.addi %mul3A_0, %arg1 : i32
    %mul3A_1 = arith.constant 512 : i32
    %mul3A_2 = arith.muli %add3A, %mul3A_1 : i32
    "tpu.region"() ({
      %run_scoped3A = tpu.sem_alloc : memref<!tpu.dma_semaphore, #tpu.memory_space<semaphore_mem>>
      tpu.enqueue_dma source(%arg4 : memref<80x128xf32, #tpu.memory_space<hbm>>) target(%arg8 : memref<80x128xf32, #tpu.memory_space<vmem>>) target_semaphore(%run_scoped3A : memref<!tpu.dma_semaphore, #tpu.memory_space<semaphore_mem>>)
      tpu.wait_dma2 semaphore(%run_scoped3A : memref<!tpu.dma_semaphore, #tpu.memory_space<semaphore_mem>>) src(%arg4 : memref<80x128xf32, #tpu.memory_space<hbm>>) dst(%arg8 : memref<80x128xf32, #tpu.memory_space<vmem>>)
      tpu.yield
    }) : () -> ()
    %mul3A_3 = arith.constant 640 : i32
    %mul3A_4 = arith.muli %arg1, %mul3A_3 : i32
    %add3A_5 = arith.constant 0 : i32
    %add3A_6 = arith.addi %mul3A_4, %add3A_5 : i32
    "tpu.region"() ({
      %run_scoped3A = tpu.sem_alloc : memref<!tpu.dma_semaphore, #tpu.memory_space<semaphore_mem>>
      %dma_start3A_71 = arith.constant 0 : i32
      %dma_start3A_72 = tpu.memref_slice %arg12[%add3A_6, %dma_start3A_71] : memref<10240x128xf32, #tpu.memory_space<vmem_shared>> -> memref<80x128xf32, #tpu.memory_space<vmem_shared>>
      %dma_start3A_73 = arith.constant 0 : i32
      %dma_start3A_74 = tpu.memref_slice %arg12[%add3A_6, %dma_start3A_73] : memref<10240x128xf32, #tpu.memory_space<vmem_shared>> -> memref<80x128xf32, #tpu.memory_space<vmem_shared>>
      tpu.enqueue_dma source(%arg8 : memref<80x128xf32, #tpu.memory_space<vmem>>) target(%dma_start3A_74 : memref<80x128xf32, #tpu.memory_space<vmem_shared>>) target_semaphore(%run_scoped3A : memref<!tpu.dma_semaphore, #tpu.memory_space<semaphore_mem>>)
      %dma_wait3A_75 = arith.constant 0 : i32
      %dma_wait3A_76 = tpu.memref_slice %arg12[%add3A_6, %dma_wait3A_75] : memref<10240x128xf32, #tpu.memory_space<vmem_shared>> -> memref<80x128xf32, #tpu.memory_space<vmem_shared>>
      %dma_wait3A_77 = arith.constant 0 : i32
      %dma_wait3A_78 = tpu.memref_slice %arg12[%add3A_6, %dma_wait3A_77] : memref<10240x128xf32, #tpu.memory_space<vmem_shared>> -> memref<80x128xf32, #tpu.memory_space<vmem_shared>>
      tpu.wait_dma2 semaphore(%run_scoped3A : memref<!tpu.dma_semaphore, #tpu.memory_space<semaphore_mem>>) src(%arg8 : memref<80x128xf32, #tpu.memory_space<vmem>>) dst(%dma_wait3A_78 : memref<80x128xf32, #tpu.memory_space<vmem_shared>>)
      tpu.yield
    }) : () -> ()
    %mul3A_7 = arith.constant 640 : i32
    %mul3A_8 = arith.muli %arg1, %mul3A_7 : i32
    %add3A_9 = arith.constant 80 : i32
    %add3A_10 = arith.addi %mul3A_8, %add3A_9 : i32
    "tpu.region"() ({
      %run_scoped3A = tpu.sem_alloc : memref<!tpu.dma_semaphore, #tpu.memory_space<semaphore_mem>>
      %dma_start3A_71 = arith.constant 0 : i32
      %dma_start3A_72 = tpu.memref_slice %arg12[%add3A_10, %dma_start3A_71] : memref<10240x128xf32, #tpu.memory_space<vmem_shared>> -> memref<80x128xf32, #tpu.memory_space<vmem_shared>>
      %dma_start3A_73 = arith.constant 0 : i32
      %dma_start3A_74 = tpu.memref_slice %arg12[%add3A_10, %dma_start3A_73] : memref<10240x128xf32, #tpu.memory_space<vmem_shared>> -> memref<80x128xf32, #tpu.memory_space<vmem_shared>>
      tpu.enqueue_dma source(%arg8 : memref<80x128xf32, #tpu.memory_space<vmem>>) target(%dma_start3A_74 : memref<80x128xf32, #tpu.memory_space<vmem_shared>>) target_semaphore(%run_scoped3A : memref<!tpu.dma_semaphore, #tpu.memory_space<semaphore_mem>>)
      %dma_wait3A_75 = arith.constant 0 : i32
      %dma_wait3A_76 = tpu.memref_slice %arg12[%add3A_10, %dma_wait3A_75] : memref<10240x128xf32, #tpu.memory_space<vmem_shared>> -> memref<80x128xf32, #tpu.memory_space<vmem_shared>>
      %dma_wait3A_77 = arith.constant 0 : i32
      %dma_wait3A_78 = tpu.memref_slice %arg12[%add3A_10, %dma_wait3A_77] : memref<10240x128xf32, #tpu.memory_space<vmem_shared>> -> memref<80x128xf32, #tpu.memory_space<vmem_shared>>
      tpu.wait_dma2 semaphore(%run_scoped3A : memref<!tpu.dma_semaphore, #tpu.memory_space<semaphore_mem>>) src(%arg8 : memref<80x128xf32, #tpu.memory_space<vmem>>) dst(%dma_wait3A_78 : memref<80x128xf32, #tpu.memory_space<vmem_shared>>)
      tpu.yield
    }) : () -> ()
    %mul3A_11 = arith.constant 640 : i32
    %mul3A_12 = arith.muli %arg1, %mul3A_11 : i32
    %add3A_13 = arith.constant 160 : i32
    %add3A_14 = arith.addi %mul3A_12, %add3A_13 : i32
    "tpu.region"() ({
      %run_scoped3A = tpu.sem_alloc : memref<!tpu.dma_semaphore, #tpu.memory_space<semaphore_mem>>
      %dma_start3A_71 = arith.constant 0 : i32
      %dma_start3A_72 = tpu.memref_slice %arg12[%add3A_14, %dma_start3A_71] : memref<10240x128xf32, #tpu.memory_space<vmem_shared>> -> memref<80x128xf32, #tpu.memory_space<vmem_shared>>
      %dma_start3A_73 = arith.constant 0 : i32
      %dma_start3A_74 = tpu.memref_slice %arg12[%add3A_14, %dma_start3A_73] : memref<10240x128xf32, #tpu.memory_space<vmem_shared>> -> memref<80x128xf32, #tpu.memory_space<vmem_shared>>
      tpu.enqueue_dma source(%arg8 : memref<80x128xf32, #tpu.memory_space<vmem>>) target(%dma_start3A_74 : memref<80x128xf32, #tpu.memory_space<vmem_shared>>) target_semaphore(%run_scoped3A : memref<!tpu.dma_semaphore, #tpu.memory_space<semaphore_mem>>)
      %dma_wait3A_75 = arith.constant 0 : i32
      %dma_wait3A_76 = tpu.memref_slice %arg12[%add3A_14, %dma_wait3A_75] : memref<10240x128xf32, #tpu.memory_space<vmem_shared>> -> memref<80x128xf32, #tpu.memory_space<vmem_shared>>
      %dma_wait3A_77 = arith.constant 0 : i32
      %dma_wait3A_78 = tpu.memref_slice %arg12[%add3A_14, %dma_wait3A_77] : memref<10240x128xf32, #tpu.memory_space<vmem_shared>> -> memref<80x128xf32, #tpu.memory_space<vmem_shared>>
      tpu.wait_dma2 semaphore(%run_scoped3A : memref<!tpu.dma_semaphore, #tpu.memory_space<semaphore_mem>>) src(%arg8 : memref<80x128xf32, #tpu.memory_space<vmem>>) dst(%dma_wait3A_78 : memref<80x128xf32, #tpu.memory_space<vmem_shared>>)
      tpu.yield
    }) : () -> ()
    %mul3A_15 = arith.constant 640 : i32
    %mul3A_16 = arith.muli %arg1, %mul3A_15 : i32
    %add3A_17 = arith.constant 240 : i32
    %add3A_18 = arith.addi %mul3A_16, %add3A_17 : i32
    "tpu.region"() ({
      %run_scoped3A = tpu.sem_alloc : memref<!tpu.dma_semaphore, #tpu.memory_space<semaphore_mem>>
      %dma_start3A_71 = arith.constant 0 : i32
      %dma_start3A_72 = tpu.memref_slice %arg12[%add3A_18, %dma_start3A_71] : memref<10240x128xf32, #tpu.memory_space<vmem_shared>> -> memref<80x128xf32, #tpu.memory_space<vmem_shared>>
      %dma_start3A_73 = arith.constant 0 : i32
      %dma_start3A_74 = tpu.memref_slice %arg12[%add3A_18, %dma_start3A_73] : memref<10240x128xf32, #tpu.memory_space<vmem_shared>> -> memref<80x128xf32, #tpu.memory_space<vmem_shared>>
      tpu.enqueue_dma source(%arg8 : memref<80x128xf32, #tpu.memory_space<vmem>>) target(%dma_start3A_74 : memref<80x128xf32, #tpu.memory_space<vmem_shared>>) target_semaphore(%run_scoped3A : memref<!tpu.dma_semaphore, #tpu.memory_space<semaphore_mem>>)
      %dma_wait3A_75 = arith.constant 0 : i32
      %dma_wait3A_76 = tpu.memref_slice %arg12[%add3A_18, %dma_wait3A_75] : memref<10240x128xf32, #tpu.memory_space<vmem_shared>> -> memref<80x128xf32, #tpu.memory_space<vmem_shared>>
      %dma_wait3A_77 = arith.constant 0 : i32
      %dma_wait3A_78 = tpu.memref_slice %arg12[%add3A_18, %dma_wait3A_77] : memref<10240x128xf32, #tpu.memory_space<vmem_shared>> -> memref<80x128xf32, #tpu.memory_space<vmem_shared>>
      tpu.wait_dma2 semaphore(%run_scoped3A : memref<!tpu.dma_semaphore, #tpu.memory_space<semaphore_mem>>) src(%arg8 : memref<80x128xf32, #tpu.memory_space<vmem>>) dst(%dma_wait3A_78 : memref<80x128xf32, #tpu.memory_space<vmem_shared>>)
      tpu.yield
    }) : () -> ()
    %mul3A_19 = arith.constant 640 : i32
    %mul3A_20 = arith.muli %arg1, %mul3A_19 : i32
    %add3A_21 = arith.constant 320 : i32
    %add3A_22 = arith.addi %mul3A_20, %add3A_21 : i32
    "tpu.region"() ({
      %run_scoped3A = tpu.sem_alloc : memref<!tpu.dma_semaphore, #tpu.memory_space<semaphore_mem>>
      %dma_start3A_71 = arith.constant 0 : i32
      %dma_start3A_72 = tpu.memref_slice %arg12[%add3A_22, %dma_start3A_71] : memref<10240x128xf32, #tpu.memory_space<vmem_shared>> -> memref<80x128xf32, #tpu.memory_space<vmem_shared>>
      %dma_start3A_73 = arith.constant 0 : i32
      %dma_start3A_74 = tpu.memref_slice %arg12[%add3A_22, %dma_start3A_73] : memref<10240x128xf32, #tpu.memory_space<vmem_shared>> -> memref<80x128xf32, #tpu.memory_space<vmem_shared>>
      tpu.enqueue_dma source(%arg8 : memref<80x128xf32, #tpu.memory_space<vmem>>) target(%dma_start3A_74 : memref<80x128xf32, #tpu.memory_space<vmem_shared>>) target_semaphore(%run_scoped3A : memref<!tpu.dma_semaphore, #tpu.memory_space<semaphore_mem>>)
      %dma_wait3A_75 = arith.constant 0 : i32
      %dma_wait3A_76 = tpu.memref_slice %arg12[%add3A_22, %dma_wait3A_75] : memref<10240x128xf32, #tpu.memory_space<vmem_shared>> -> memref<80x128xf32, #tpu.memory_space<vmem_shared>>
      %dma_wait3A_77 = arith.constant 0 : i32
      %dma_wait3A_78 = tpu.memref_slice %arg12[%add3A_22, %dma_wait3A_77] : memref<10240x128xf32, #tpu.memory_space<vmem_shared>> -> memref<80x128xf32, #tpu.memory_space<vmem_shared>>
      tpu.wait_dma2 semaphore(%run_scoped3A : memref<!tpu.dma_semaphore, #tpu.memory_space<semaphore_mem>>) src(%arg8 : memref<80x128xf32, #tpu.memory_space<vmem>>) dst(%dma_wait3A_78 : memref<80x128xf32, #tpu.memory_space<vmem_shared>>)
      tpu.yield
    }) : () -> ()
    %mul3A_23 = arith.constant 640 : i32
    %mul3A_24 = arith.muli %arg1, %mul3A_23 : i32
    %add3A_25 = arith.constant 400 : i32
    %add3A_26 = arith.addi %mul3A_24, %add3A_25 : i32
    "tpu.region"() ({
      %run_scoped3A = tpu.sem_alloc : memref<!tpu.dma_semaphore, #tpu.memory_space<semaphore_mem>>
      %dma_start3A_71 = arith.constant 0 : i32
      %dma_start3A_72 = tpu.memref_slice %arg12[%add3A_26, %dma_start3A_71] : memref<10240x128xf32, #tpu.memory_space<vmem_shared>> -> memref<80x128xf32, #tpu.memory_space<vmem_shared>>
      %dma_start3A_73 = arith.constant 0 : i32
      %dma_start3A_74 = tpu.memref_slice %arg12[%add3A_26, %dma_start3A_73] : memref<10240x128xf32, #tpu.memory_space<vmem_shared>> -> memref<80x128xf32, #tpu.memory_space<vmem_shared>>
      tpu.enqueue_dma source(%arg8 : memref<80x128xf32, #tpu.memory_space<vmem>>) target(%dma_start3A_74 : memref<80x128xf32, #tpu.memory_space<vmem_shared>>) target_semaphore(%run_scoped3A : memref<!tpu.dma_semaphore, #tpu.memory_space<semaphore_mem>>)
      %dma_wait3A_75 = arith.constant 0 : i32
      %dma_wait3A_76 = tpu.memref_slice %arg12[%add3A_26, %dma_wait3A_75] : memref<10240x128xf32, #tpu.memory_space<vmem_shared>> -> memref<80x128xf32, #tpu.memory_space<vmem_shared>>
      %dma_wait3A_77 = arith.constant 0 : i32
      %dma_wait3A_78 = tpu.memref_slice %arg12[%add3A_26, %dma_wait3A_77] : memref<10240x128xf32, #tpu.memory_space<vmem_shared>> -> memref<80x128xf32, #tpu.memory_space<vmem_shared>>
      tpu.wait_dma2 semaphore(%run_scoped3A : memref<!tpu.dma_semaphore, #tpu.memory_space<semaphore_mem>>) src(%arg8 : memref<80x128xf32, #tpu.memory_space<vmem>>) dst(%dma_wait3A_78 : memref<80x128xf32, #tpu.memory_space<vmem_shared>>)
      tpu.yield
    }) : () -> ()
    %mul3A_27 = arith.constant 640 : i32
    %mul3A_28 = arith.muli %arg1, %mul3A_27 : i32
    %add3A_29 = arith.constant 480 : i32
    %add3A_30 = arith.addi %mul3A_28, %add3A_29 : i32
    "tpu.region"() ({
      %run_scoped3A = tpu.sem_alloc : memref<!tpu.dma_semaphore, #tpu.memory_space<semaphore_mem>>
      %dma_start3A_71 = arith.constant 0 : i32
      %dma_start3A_72 = tpu.memref_slice %arg12[%add3A_30, %dma_start3A_71] : memref<10240x128xf32, #tpu.memory_space<vmem_shared>> -> memref<80x128xf32, #tpu.memory_space<vmem_shared>>
      %dma_start3A_73 = arith.constant 0 : i32
      %dma_start3A_74 = tpu.memref_slice %arg12[%add3A_30, %dma_start3A_73] : memref<10240x128xf32, #tpu.memory_space<vmem_shared>> -> memref<80x128xf32, #tpu.memory_space<vmem_shared>>
      tpu.enqueue_dma source(%arg8 : memref<80x128xf32, #tpu.memory_space<vmem>>) target(%dma_start3A_74 : memref<80x128xf32, #tpu.memory_space<vmem_shared>>) target_semaphore(%run_scoped3A : memref<!tpu.dma_semaphore, #tpu.memory_space<semaphore_mem>>)
      %dma_wait3A_75 = arith.constant 0 : i32
      %dma_wait3A_76 = tpu.memref_slice %arg12[%add3A_30, %dma_wait3A_75] : memref<10240x128xf32, #tpu.memory_space<vmem_shared>> -> memref<80x128xf32, #tpu.memory_space<vmem_shared>>
      %dma_wait3A_77 = arith.constant 0 : i32
      %dma_wait3A_78 = tpu.memref_slice %arg12[%add3A_30, %dma_wait3A_77] : memref<10240x128xf32, #tpu.memory_space<vmem_shared>> -> memref<80x128xf32, #tpu.memory_space<vmem_shared>>
      tpu.wait_dma2 semaphore(%run_scoped3A : memref<!tpu.dma_semaphore, #tpu.memory_space<semaphore_mem>>) src(%arg8 : memref<80x128xf32, #tpu.memory_space<vmem>>) dst(%dma_wait3A_78 : memref<80x128xf32, #tpu.memory_space<vmem_shared>>)
      tpu.yield
    }) : () -> ()
    %mul3A_31 = arith.constant 640 : i32
    %mul3A_32 = arith.muli %arg1, %mul3A_31 : i32
    %add3A_33 = arith.constant 560 : i32
    %add3A_34 = arith.addi %mul3A_32, %add3A_33 : i32
    "tpu.region"() ({
      %run_scoped3A = tpu.sem_alloc : memref<!tpu.dma_semaphore, #tpu.memory_space<semaphore_mem>>
      %dma_start3A_71 = arith.constant 0 : i32
      %dma_start3A_72 = tpu.memref_slice %arg12[%add3A_34, %dma_start3A_71] : memref<10240x128xf32, #tpu.memory_space<vmem_shared>> -> memref<80x128xf32, #tpu.memory_space<vmem_shared>>
      %dma_start3A_73 = arith.constant 0 : i32
      %dma_start3A_74 = tpu.memref_slice %arg12[%add3A_34, %dma_start3A_73] : memref<10240x128xf32, #tpu.memory_space<vmem_shared>> -> memref<80x128xf32, #tpu.memory_space<vmem_shared>>
      tpu.enqueue_dma source(%arg8 : memref<80x128xf32, #tpu.memory_space<vmem>>) target(%dma_start3A_74 : memref<80x128xf32, #tpu.memory_space<vmem_shared>>) target_semaphore(%run_scoped3A : memref<!tpu.dma_semaphore, #tpu.memory_space<semaphore_mem>>)
      %dma_wait3A_75 = arith.constant 0 : i32
      %dma_wait3A_76 = tpu.memref_slice %arg12[%add3A_34, %dma_wait3A_75] : memref<10240x128xf32, #tpu.memory_space<vmem_shared>> -> memref<80x128xf32, #tpu.memory_space<vmem_shared>>
      %dma_wait3A_77 = arith.constant 0 : i32
      %dma_wait3A_78 = tpu.memref_slice %arg12[%add3A_34, %dma_wait3A_77] : memref<10240x128xf32, #tpu.memory_space<vmem_shared>> -> memref<80x128xf32, #tpu.memory_space<vmem_shared>>
      tpu.wait_dma2 semaphore(%run_scoped3A : memref<!tpu.dma_semaphore, #tpu.memory_space<semaphore_mem>>) src(%arg8 : memref<80x128xf32, #tpu.memory_space<vmem>>) dst(%dma_wait3A_78 : memref<80x128xf32, #tpu.memory_space<vmem_shared>>)
      tpu.yield
    }) : () -> ()
    %barrier3A = arith.constant 0 : index
    tpu.barrier barrier_id(%barrier3A)
    "tpu.region"() ({
      %run_scoped3A = tpu.sem_alloc : memref<!tpu.dma_semaphore, #tpu.memory_space<semaphore_mem>>
      %dma_start3A_71 = arith.constant 0 : i32
      %dma_start3A_72 = tpu.memref_slice %arg3[%mul3A_2, %dma_start3A_71] : memref<16384x80xi32, #tpu.memory_space<hbm>> -> memref<16x80xi32, #tpu.memory_space<hbm>>
      %dma_start3A_73 = arith.constant 0 : i32
      %dma_start3A_74 = tpu.memref_slice %arg3[%mul3A_2, %dma_start3A_73] : memref<16384x80xi32, #tpu.memory_space<hbm>> -> memref<16x80xi32, #tpu.memory_space<hbm>>
      tpu.enqueue_dma source(%dma_start3A_74 : memref<16x80xi32, #tpu.memory_space<hbm>>) target(%arg6 : memref<16x80xi32, #tpu.memory_space<vmem>>) target_semaphore(%run_scoped3A : memref<!tpu.dma_semaphore, #tpu.memory_space<semaphore_mem>>)
      %dma_wait3A_75 = arith.constant 0 : i32
      %dma_wait3A_76 = tpu.memref_slice %arg3[%mul3A_2, %dma_wait3A_75] : memref<16384x80xi32, #tpu.memory_space<hbm>> -> memref<16x80xi32, #tpu.memory_space<hbm>>
      %dma_wait3A_77 = arith.constant 0 : i32
      %dma_wait3A_78 = tpu.memref_slice %arg3[%mul3A_2, %dma_wait3A_77] : memref<16384x80xi32, #tpu.memory_space<hbm>> -> memref<16x80xi32, #tpu.memory_space<hbm>>
      tpu.wait_dma2 semaphore(%run_scoped3A : memref<!tpu.dma_semaphore, #tpu.memory_space<semaphore_mem>>) src(%dma_wait3A_78 : memref<16x80xi32, #tpu.memory_space<hbm>>) dst(%arg6 : memref<16x80xi32, #tpu.memory_space<vmem>>)
      tpu.yield
    }) : () -> ()
    %dma_start3A = arith.constant 0 : i32
    %dma_start3A_35 = arith.constant 0 : i32
    %dma_start3A_36 = tpu.memref_slice %arg6[%dma_start3A, %dma_start3A_35] : memref<16x80xi32, #tpu.memory_space<vmem>> -> memref<1x80xi32, #tpu.memory_space<vmem>>
    %dma_start3A_37 = tpu.memref_squeeze %dma_start3A_36 : memref<1x80xi32, #tpu.memory_space<vmem>> -> memref<80xi32, #tpu.memory_space<vmem>>
    %dma_start3A_38 = arith.constant 0 : i32
    %dma_start3A_39 = arith.constant 0 : i32
    %dma_start3A_40 = tpu.memref_slice %arg2[%dma_start3A_38, %dma_start3A_39] : memref<20000x128xf32, #tpu.memory_space<hbm>> -> memref<20000x128xf32, #tpu.memory_space<hbm>>
    tpu.enqueue_indirect_dma source(%dma_start3A_40 : memref<20000x128xf32, #tpu.memory_space<hbm>>) target(%arg8 : memref<80x128xf32, #tpu.memory_space<vmem>>) offsets(%dma_start3A_37 : memref<80xi32, #tpu.memory_space<vmem>>) semaphore(%arg13 : memref<!tpu.dma_semaphore, #tpu.memory_space<semaphore_mem>>)
    %dma_start3A_41 = arith.constant 2 : i32
    %dma_start3A_42 = arith.constant 0 : i32
    %dma_start3A_43 = tpu.memref_slice %arg6[%dma_start3A_41, %dma_start3A_42] : memref<16x80xi32, #tpu.memory_space<vmem>> -> memref<1x80xi32, #tpu.memory_space<vmem>>
    %dma_start3A_44 = tpu.memref_squeeze %dma_start3A_43 : memref<1x80xi32, #tpu.memory_space<vmem>> -> memref<80xi32, #tpu.memory_space<vmem>>
    %dma_start3A_45 = arith.constant 0 : i32
    %dma_start3A_46 = arith.constant 0 : i32
    %dma_start3A_47 = tpu.memref_slice %arg2[%dma_start3A_45, %dma_start3A_46] : memref<20000x128xf32, #tpu.memory_space<hbm>> -> memref<20000x128xf32, #tpu.memory_space<hbm>>
    tpu.enqueue_indirect_dma source(%dma_start3A_47 : memref<20000x128xf32, #tpu.memory_space<hbm>>) target(%arg9 : memref<80x128xf32, #tpu.memory_space<vmem>>) offsets(%dma_start3A_44 : memref<80xi32, #tpu.memory_space<vmem>>) semaphore(%arg14 : memref<!tpu.dma_semaphore, #tpu.memory_space<semaphore_mem>>)
    %scan3A = arith.constant 0 : i32
    %scan3A_48 = arith.constant 0 : i32
    %scan3A_49 = arith.constant 16 : i32
    %scan3A_50 = arith.addi %scan3A_48, %scan3A_49 : i32
    %scan3A_51 = arith.constant 1 : i32
    scf.for %scan3A_71 = %scan3A_48 to %scan3A_50 step %scan3A_51  : i32 {
      %mul3A_72 = arith.constant 2 : i32
      %mul3A_73 = arith.muli %mul3A_72, %scan3A_71 : i32
      %add3A_74 = arith.constant 0 : i32
      %add3A_75 = arith.addi %mul3A_73, %add3A_74 : i32
      %gt3A = arith.constant 0 : i32
      %gt3A_76 = arith.cmpi sgt, %scan3A_71, %gt3A : i32
      %convert_element_type3A = arith.extui %gt3A_76 : i1 to i32
      %cond3A = arith.constant 13 : i32
      %cond3A_77 = arith.constant 0 : i32
      %cond3A_78 = arith.cmpi ne, %convert_element_type3A, %cond3A_77 : i32
      scf.if %cond3A_78 {
        %dma_wait3A_547 = arith.constant 0 : i32
        %dma_wait3A_548 = tpu.memref_slice %arg7[%cond3A, %dma_wait3A_547] : memref<16x80xi32, #tpu.memory_space<vmem>> -> memref<1x80xi32, #tpu.memory_space<vmem>>
        %dma_wait3A_549 = tpu.memref_squeeze %dma_wait3A_548 : memref<1x80xi32, #tpu.memory_space<vmem>> -> memref<80xi32, #tpu.memory_space<vmem>>
        %dma_wait3A_550 = arith.constant 0 : i32
        %dma_wait3A_551 = arith.constant 0 : i32
        %dma_wait3A_552 = tpu.memref_slice %arg12[%dma_wait3A_550, %dma_wait3A_551] : memref<10240x128xf32, #tpu.memory_space<vmem_shared>> -> memref<10240x128xf32, #tpu.memory_space<vmem_shared>>
        tpu.wait_indirect_dma semaphore(%arg19 : memref<!tpu.dma_semaphore, #tpu.memory_space<semaphore_mem>>) src(%arg10 : memref<80x128xf32, #tpu.memory_space<vmem>>) dst(%dma_wait3A_552 : memref<10240x128xf32, #tpu.memory_space<vmem_shared>>)
      } else {
      }
      %dma_start3A_79 = arith.constant 4 : i32
      %dma_start3A_80 = arith.constant 0 : i32
      %dma_start3A_81 = tpu.memref_slice %arg6[%dma_start3A_79, %dma_start3A_80] : memref<16x80xi32, #tpu.memory_space<vmem>> -> memref<1x80xi32, #tpu.memory_space<vmem>>
      %dma_start3A_82 = tpu.memref_squeeze %dma_start3A_81 : memref<1x80xi32, #tpu.memory_space<vmem>> -> memref<80xi32, #tpu.memory_space<vmem>>
      %dma_start3A_83 = arith.constant 0 : i32
      %dma_start3A_84 = arith.constant 0 : i32
      %dma_start3A_85 = tpu.memref_slice %arg2[%dma_start3A_83, %dma_start3A_84] : memref<20000x128xf32, #tpu.memory_space<hbm>> -> memref<20000x128xf32, #tpu.memory_space<hbm>>
      tpu.enqueue_indirect_dma source(%dma_start3A_85 : memref<20000x128xf32, #tpu.memory_space<hbm>>) target(%arg10 : memref<80x128xf32, #tpu.memory_space<vmem>>) offsets(%dma_start3A_82 : memref<80xi32, #tpu.memory_space<vmem>>) semaphore(%arg15 : memref<!tpu.dma_semaphore, #tpu.memory_space<semaphore_mem>>)
      %dma_wait3A_86 = arith.constant 0 : i32
      %dma_wait3A_87 = arith.constant 0 : i32
      %dma_wait3A_88 = tpu.memref_slice %arg6[%dma_wait3A_86, %dma_wait3A_87] : memref<16x80xi32, #tpu.memory_space<vmem>> -> memref<1x80xi32, #tpu.memory_space<vmem>>
      %dma_wait3A_89 = tpu.memref_squeeze %dma_wait3A_88 : memref<1x80xi32, #tpu.memory_space<vmem>> -> memref<80xi32, #tpu.memory_space<vmem>>
      %dma_wait3A_90 = arith.constant 0 : i32
      %dma_wait3A_91 = arith.constant 0 : i32
      %dma_wait3A_92 = tpu.memref_slice %arg2[%dma_wait3A_90, %dma_wait3A_91] : memref<20000x128xf32, #tpu.memory_space<hbm>> -> memref<20000x128xf32, #tpu.memory_space<hbm>>
      tpu.wait_indirect_dma semaphore(%arg13 : memref<!tpu.dma_semaphore, #tpu.memory_space<semaphore_mem>>) src(%dma_wait3A_92 : memref<20000x128xf32, #tpu.memory_space<hbm>>) dst(%arg8 : memref<80x128xf32, #tpu.memory_space<vmem>>)
      %dma_start3A_93 = arith.constant 1 : i32
      %dma_start3A_94 = arith.constant 0 : i32
      %dma_start3A_95 = tpu.memref_slice %arg6[%dma_start3A_93, %dma_start3A_94] : memref<16x80xi32, #tpu.memory_space<vmem>> -> memref<1x80xi32, #tpu.memory_space<vmem>>
      %dma_start3A_96 = tpu.memref_squeeze %dma_start3A_95 : memref<1x80xi32, #tpu.memory_space<vmem>> -> memref<80xi32, #tpu.memory_space<vmem>>
      %dma_start3A_97 = arith.constant 0 : i32
      %dma_start3A_98 = arith.constant 0 : i32
      %dma_start3A_99 = tpu.memref_slice %arg12[%dma_start3A_97, %dma_start3A_98] : memref<10240x128xf32, #tpu.memory_space<vmem_shared>> -> memref<10240x128xf32, #tpu.memory_space<vmem_shared>>
      tpu.enqueue_indirect_dma source(%arg8 : memref<80x128xf32, #tpu.memory_space<vmem>>) target(%dma_start3A_99 : memref<10240x128xf32, #tpu.memory_space<vmem_shared>>) offsets(%dma_start3A_96 : memref<80xi32, #tpu.memory_space<vmem>>) semaphore(%arg17 : memref<!tpu.dma_semaphore, #tpu.memory_space<semaphore_mem>>) {add = true}
      %gt3A_100 = arith.constant 0 : i32
      %gt3A_101 = arith.cmpi sgt, %scan3A_71, %gt3A_100 : i32
      %convert_element_type3A_102 = arith.extui %gt3A_101 : i1 to i32
      %cond3A_103 = arith.constant 15 : i32
      %cond3A_104 = arith.constant 0 : i32
      %cond3A_105 = arith.cmpi ne, %convert_element_type3A_102, %cond3A_104 : i32
      scf.if %cond3A_105 {
        %dma_wait3A_547 = arith.constant 0 : i32
        %dma_wait3A_548 = tpu.memref_slice %arg7[%cond3A_103, %dma_wait3A_547] : memref<16x80xi32, #tpu.memory_space<vmem>> -> memref<1x80xi32, #tpu.memory_space<vmem>>
        %dma_wait3A_549 = tpu.memref_squeeze %dma_wait3A_548 : memref<1x80xi32, #tpu.memory_space<vmem>> -> memref<80xi32, #tpu.memory_space<vmem>>
        %dma_wait3A_550 = arith.constant 0 : i32
        %dma_wait3A_551 = arith.constant 0 : i32
        %dma_wait3A_552 = tpu.memref_slice %arg12[%dma_wait3A_550, %dma_wait3A_551] : memref<10240x128xf32, #tpu.memory_space<vmem_shared>> -> memref<10240x128xf32, #tpu.memory_space<vmem_shared>>
        tpu.wait_indirect_dma semaphore(%arg20 : memref<!tpu.dma_semaphore, #tpu.memory_space<semaphore_mem>>) src(%arg11 : memref<80x128xf32, #tpu.memory_space<vmem>>) dst(%dma_wait3A_552 : memref<10240x128xf32, #tpu.memory_space<vmem_shared>>)
      } else {
      }
      %dma_start3A_106 = arith.constant 6 : i32
      %dma_start3A_107 = arith.constant 0 : i32
      %dma_start3A_108 = tpu.memref_slice %arg6[%dma_start3A_106, %dma_start3A_107] : memref<16x80xi32, #tpu.memory_space<vmem>> -> memref<1x80xi32, #tpu.memory_space<vmem>>
      %dma_start3A_109 = tpu.memref_squeeze %dma_start3A_108 : memref<1x80xi32, #tpu.memory_space<vmem>> -> memref<80xi32, #tpu.memory_space<vmem>>
      %dma_start3A_110 = arith.constant 0 : i32
      %dma_start3A_111 = arith.constant 0 : i32
      %dma_start3A_112 = tpu.memref_slice %arg2[%dma_start3A_110, %dma_start3A_111] : memref<20000x128xf32, #tpu.memory_space<hbm>> -> memref<20000x128xf32, #tpu.memory_space<hbm>>
      tpu.enqueue_indirect_dma source(%dma_start3A_112 : memref<20000x128xf32, #tpu.memory_space<hbm>>) target(%arg11 : memref<80x128xf32, #tpu.memory_space<vmem>>) offsets(%dma_start3A_109 : memref<80xi32, #tpu.memory_space<vmem>>) semaphore(%arg16 : memref<!tpu.dma_semaphore, #tpu.memory_space<semaphore_mem>>)
      %dma_wait3A_113 = arith.constant 2 : i32
      %dma_wait3A_114 = arith.constant 0 : i32
      %dma_wait3A_115 = tpu.memref_slice %arg6[%dma_wait3A_113, %dma_wait3A_114] : memref<16x80xi32, #tpu.memory_space<vmem>> -> memref<1x80xi32, #tpu.memory_space<vmem>>
      %dma_wait3A_116 = tpu.memref_squeeze %dma_wait3A_115 : memref<1x80xi32, #tpu.memory_space<vmem>> -> memref<80xi32, #tpu.memory_space<vmem>>
      %dma_wait3A_117 = arith.constant 0 : i32
      %dma_wait3A_118 = arith.constant 0 : i32
      %dma_wait3A_119 = tpu.memref_slice %arg2[%dma_wait3A_117, %dma_wait3A_118] : memref<20000x128xf32, #tpu.memory_space<hbm>> -> memref<20000x128xf32, #tpu.memory_space<hbm>>
      tpu.wait_indirect_dma semaphore(%arg14 : memref<!tpu.dma_semaphore, #tpu.memory_space<semaphore_mem>>) src(%dma_wait3A_119 : memref<20000x128xf32, #tpu.memory_space<hbm>>) dst(%arg9 : memref<80x128xf32, #tpu.memory_space<vmem>>)
      %dma_start3A_120 = arith.constant 3 : i32
      %dma_start3A_121 = arith.constant 0 : i32
      %dma_start3A_122 = tpu.memref_slice %arg6[%dma_start3A_120, %dma_start3A_121] : memref<16x80xi32, #tpu.memory_space<vmem>> -> memref<1x80xi32, #tpu.memory_space<vmem>>
      %dma_start3A_123 = tpu.memref_squeeze %dma_start3A_122 : memref<1x80xi32, #tpu.memory_space<vmem>> -> memref<80xi32, #tpu.memory_space<vmem>>
      %dma_start3A_124 = arith.constant 0 : i32
      %dma_start3A_125 = arith.constant 0 : i32
      %dma_start3A_126 = tpu.memref_slice %arg12[%dma_start3A_124, %dma_start3A_125] : memref<10240x128xf32, #tpu.memory_space<vmem_shared>> -> memref<10240x128xf32, #tpu.memory_space<vmem_shared>>
      tpu.enqueue_indirect_dma source(%arg9 : memref<80x128xf32, #tpu.memory_space<vmem>>) target(%dma_start3A_126 : memref<10240x128xf32, #tpu.memory_space<vmem_shared>>) offsets(%dma_start3A_123 : memref<80xi32, #tpu.memory_space<vmem>>) semaphore(%arg18 : memref<!tpu.dma_semaphore, #tpu.memory_space<semaphore_mem>>) {add = true}
      %dma_wait3A_127 = arith.constant 1 : i32
      %dma_wait3A_128 = arith.constant 0 : i32
      %dma_wait3A_129 = tpu.memref_slice %arg6[%dma_wait3A_127, %dma_wait3A_128] : memref<16x80xi32, #tpu.memory_space<vmem>> -> memref<1x80xi32, #tpu.memory_space<vmem>>
      %dma_wait3A_130 = tpu.memref_squeeze %dma_wait3A_129 : memref<1x80xi32, #tpu.memory_space<vmem>> -> memref<80xi32, #tpu.memory_space<vmem>>
      %dma_wait3A_131 = arith.constant 0 : i32
      %dma_wait3A_132 = arith.constant 0 : i32
      %dma_wait3A_133 = tpu.memref_slice %arg12[%dma_wait3A_131, %dma_wait3A_132] : memref<10240x128xf32, #tpu.memory_space<vmem_shared>> -> memref<10240x128xf32, #tpu.memory_space<vmem_shared>>
      tpu.wait_indirect_dma semaphore(%arg17 : memref<!tpu.dma_semaphore, #tpu.memory_space<semaphore_mem>>) src(%arg8 : memref<80x128xf32, #tpu.memory_space<vmem>>) dst(%dma_wait3A_133 : memref<10240x128xf32, #tpu.memory_space<vmem_shared>>)
      %dma_start3A_134 = arith.constant 8 : i32
      %dma_start3A_135 = arith.constant 0 : i32
      %dma_start3A_136 = tpu.memref_slice %arg6[%dma_start3A_134, %dma_start3A_135] : memref<16x80xi32, #tpu.memory_space<vmem>> -> memref<1x80xi32, #tpu.memory_space<vmem>>
      %dma_start3A_137 = tpu.memref_squeeze %dma_start3A_136 : memref<1x80xi32, #tpu.memory_space<vmem>> -> memref<80xi32, #tpu.memory_space<vmem>>
      %dma_start3A_138 = arith.constant 0 : i32
      %dma_start3A_139 = arith.constant 0 : i32
      %dma_start3A_140 = tpu.memref_slice %arg2[%dma_start3A_138, %dma_start3A_139] : memref<20000x128xf32, #tpu.memory_space<hbm>> -> memref<20000x128xf32, #tpu.memory_space<hbm>>
      tpu.enqueue_indirect_dma source(%dma_start3A_140 : memref<20000x128xf32, #tpu.memory_space<hbm>>) target(%arg8 : memref<80x128xf32, #tpu.memory_space<vmem>>) offsets(%dma_start3A_137 : memref<80xi32, #tpu.memory_space<vmem>>) semaphore(%arg13 : memref<!tpu.dma_semaphore, #tpu.memory_space<semaphore_mem>>)
      %dma_wait3A_141 = arith.constant 4 : i32
      %dma_wait3A_142 = arith.constant 0 : i32
      %dma_wait3A_143 = tpu.memref_slice %arg6[%dma_wait3A_141, %dma_wait3A_142] : memref<16x80xi32, #tpu.memory_space<vmem>> -> memref<1x80xi32, #tpu.memory_space<vmem>>
      %dma_wait3A_144 = tpu.memref_squeeze %dma_wait3A_143 : memref<1x80xi32, #tpu.memory_space<vmem>> -> memref<80xi32, #tpu.memory_space<vmem>>
      %dma_wait3A_145 = arith.constant 0 : i32
      %dma_wait3A_146 = arith.constant 0 : i32
      %dma_wait3A_147 = tpu.memref_slice %arg2[%dma_wait3A_145, %dma_wait3A_146] : memref<20000x128xf32, #tpu.memory_space<hbm>> -> memref<20000x128xf32, #tpu.memory_space<hbm>>
      tpu.wait_indirect_dma semaphore(%arg15 : memref<!tpu.dma_semaphore, #tpu.memory_space<semaphore_mem>>) src(%dma_wait3A_147 : memref<20000x128xf32, #tpu.memory_space<hbm>>) dst(%arg10 : memref<80x128xf32, #tpu.memory_space<vmem>>)
      %dma_start3A_148 = arith.constant 5 : i32
      %dma_start3A_149 = arith.constant 0 : i32
      %dma_start3A_150 = tpu.memref_slice %arg6[%dma_start3A_148, %dma_start3A_149] : memref<16x80xi32, #tpu.memory_space<vmem>> -> memref<1x80xi32, #tpu.memory_space<vmem>>
      %dma_start3A_151 = tpu.memref_squeeze %dma_start3A_150 : memref<1x80xi32, #tpu.memory_space<vmem>> -> memref<80xi32, #tpu.memory_space<vmem>>
      %dma_start3A_152 = arith.constant 0 : i32
      %dma_start3A_153 = arith.constant 0 : i32
      %dma_start3A_154 = tpu.memref_slice %arg12[%dma_start3A_152, %dma_start3A_153] : memref<10240x128xf32, #tpu.memory_space<vmem_shared>> -> memref<10240x128xf32, #tpu.memory_space<vmem_shared>>
      tpu.enqueue_indirect_dma source(%arg10 : memref<80x128xf32, #tpu.memory_space<vmem>>) target(%dma_start3A_154 : memref<10240x128xf32, #tpu.memory_space<vmem_shared>>) offsets(%dma_start3A_151 : memref<80xi32, #tpu.memory_space<vmem>>) semaphore(%arg19 : memref<!tpu.dma_semaphore, #tpu.memory_space<semaphore_mem>>) {add = true}
      %add3A_155 = arith.constant 1 : i32
      %add3A_156 = arith.addi %add3A_75, %add3A_155 : i32
      %mul3A_157 = arith.constant 16 : i32
      %mul3A_158 = arith.muli %add3A_156, %mul3A_157 : i32
      %add3A_159 = arith.addi %mul3A_2, %mul3A_158 : i32
      %dma_start3A_160 = arith.constant 0 : i32
      %dma_start3A_161 = tpu.memref_slice %arg3[%add3A_159, %dma_start3A_160] : memref<16384x80xi32, #tpu.memory_space<hbm>> -> memref<16x80xi32, #tpu.memory_space<hbm>>
      %dma_start3A_162 = arith.constant 0 : i32
      %dma_start3A_163 = tpu.memref_slice %arg3[%add3A_159, %dma_start3A_162] : memref<16384x80xi32, #tpu.memory_space<hbm>> -> memref<16x80xi32, #tpu.memory_space<hbm>>
      tpu.enqueue_dma source(%dma_start3A_163 : memref<16x80xi32, #tpu.memory_space<hbm>>) target(%arg7 : memref<16x80xi32, #tpu.memory_space<vmem>>) target_semaphore(%arg22 : memref<!tpu.dma_semaphore, #tpu.memory_space<semaphore_mem>>)
      %dma_wait3A_164 = arith.constant 3 : i32
      %dma_wait3A_165 = arith.constant 0 : i32
      %dma_wait3A_166 = tpu.memref_slice %arg6[%dma_wait3A_164, %dma_wait3A_165] : memref<16x80xi32, #tpu.memory_space<vmem>> -> memref<1x80xi32, #tpu.memory_space<vmem>>
      %dma_wait3A_167 = tpu.memref_squeeze %dma_wait3A_166 : memref<1x80xi32, #tpu.memory_space<vmem>> -> memref<80xi32, #tpu.memory_space<vmem>>
      %dma_wait3A_168 = arith.constant 0 : i32
      %dma_wait3A_169 = arith.constant 0 : i32
      %dma_wait3A_170 = tpu.memref_slice %arg12[%dma_wait3A_168, %dma_wait3A_169] : memref<10240x128xf32, #tpu.memory_space<vmem_shared>> -> memref<10240x128xf32, #tpu.memory_space<vmem_shared>>
      tpu.wait_indirect_dma semaphore(%arg18 : memref<!tpu.dma_semaphore, #tpu.memory_space<semaphore_mem>>) src(%arg9 : memref<80x128xf32, #tpu.memory_space<vmem>>) dst(%dma_wait3A_170 : memref<10240x128xf32, #tpu.memory_space<vmem_shared>>)
      %dma_start3A_171 = arith.constant 10 : i32
      %dma_start3A_172 = arith.constant 0 : i32
      %dma_start3A_173 = tpu.memref_slice %arg6[%dma_start3A_171, %dma_start3A_172] : memref<16x80xi32, #tpu.memory_space<vmem>> -> memref<1x80xi32, #tpu.memory_space<vmem>>
      %dma_start3A_174 = tpu.memref_squeeze %dma_start3A_173 : memref<1x80xi32, #tpu.memory_space<vmem>> -> memref<80xi32, #tpu.memory_space<vmem>>
      %dma_start3A_175 = arith.constant 0 : i32
      %dma_start3A_176 = arith.constant 0 : i32
      %dma_start3A_177 = tpu.memref_slice %arg2[%dma_start3A_175, %dma_start3A_176] : memref<20000x128xf32, #tpu.memory_space<hbm>> -> memref<20000x128xf32, #tpu.memory_space<hbm>>
      tpu.enqueue_indirect_dma source(%dma_start3A_177 : memref<20000x128xf32, #tpu.memory_space<hbm>>) target(%arg9 : memref<80x128xf32, #tpu.memory_space<vmem>>) offsets(%dma_start3A_174 : memref<80xi32, #tpu.memory_space<vmem>>) semaphore(%arg14 : memref<!tpu.dma_semaphore, #tpu.memory_space<semaphore_mem>>)
      %dma_wait3A_178 = arith.constant 6 : i32
      %dma_wait3A_179 = arith.constant 0 : i32
      %dma_wait3A_180 = tpu.memref_slice %arg6[%dma_wait3A_178, %dma_wait3A_179] : memref<16x80xi32, #tpu.memory_space<vmem>> -> memref<1x80xi32, #tpu.memory_space<vmem>>
      %dma_wait3A_181 = tpu.memref_squeeze %dma_wait3A_180 : memref<1x80xi32, #tpu.memory_space<vmem>> -> memref<80xi32, #tpu.memory_space<vmem>>
      %dma_wait3A_182 = arith.constant 0 : i32
      %dma_wait3A_183 = arith.constant 0 : i32
      %dma_wait3A_184 = tpu.memref_slice %arg2[%dma_wait3A_182, %dma_wait3A_183] : memref<20000x128xf32, #tpu.memory_space<hbm>> -> memref<20000x128xf32, #tpu.memory_space<hbm>>
      tpu.wait_indirect_dma semaphore(%arg16 : memref<!tpu.dma_semaphore, #tpu.memory_space<semaphore_mem>>) src(%dma_wait3A_184 : memref<20000x128xf32, #tpu.memory_space<hbm>>) dst(%arg11 : memref<80x128xf32, #tpu.memory_space<vmem>>)
      %dma_start3A_185 = arith.constant 7 : i32
      %dma_start3A_186 = arith.constant 0 : i32
      %dma_start3A_187 = tpu.memref_slice %arg6[%dma_start3A_185, %dma_start3A_186] : memref<16x80xi32, #tpu.memory_space<vmem>> -> memref<1x80xi32, #tpu.memory_space<vmem>>
      %dma_start3A_188 = tpu.memref_squeeze %dma_start3A_187 : memref<1x80xi32, #tpu.memory_space<vmem>> -> memref<80xi32, #tpu.memory_space<vmem>>
      %dma_start3A_189 = arith.constant 0 : i32
      %dma_start3A_190 = arith.constant 0 : i32
      %dma_start3A_191 = tpu.memref_slice %arg12[%dma_start3A_189, %dma_start3A_190] : memref<10240x128xf32, #tpu.memory_space<vmem_shared>> -> memref<10240x128xf32, #tpu.memory_space<vmem_shared>>
      tpu.enqueue_indirect_dma source(%arg11 : memref<80x128xf32, #tpu.memory_space<vmem>>) target(%dma_start3A_191 : memref<10240x128xf32, #tpu.memory_space<vmem_shared>>) offsets(%dma_start3A_188 : memref<80xi32, #tpu.memory_space<vmem>>) semaphore(%arg20 : memref<!tpu.dma_semaphore, #tpu.memory_space<semaphore_mem>>) {add = true}
      %dma_wait3A_192 = arith.constant 5 : i32
      %dma_wait3A_193 = arith.constant 0 : i32
      %dma_wait3A_194 = tpu.memref_slice %arg6[%dma_wait3A_192, %dma_wait3A_193] : memref<16x80xi32, #tpu.memory_space<vmem>> -> memref<1x80xi32, #tpu.memory_space<vmem>>
      %dma_wait3A_195 = tpu.memref_squeeze %dma_wait3A_194 : memref<1x80xi32, #tpu.memory_space<vmem>> -> memref<80xi32, #tpu.memory_space<vmem>>
      %dma_wait3A_196 = arith.constant 0 : i32
      %dma_wait3A_197 = arith.constant 0 : i32
      %dma_wait3A_198 = tpu.memref_slice %arg12[%dma_wait3A_196, %dma_wait3A_197] : memref<10240x128xf32, #tpu.memory_space<vmem_shared>> -> memref<10240x128xf32, #tpu.memory_space<vmem_shared>>
      tpu.wait_indirect_dma semaphore(%arg19 : memref<!tpu.dma_semaphore, #tpu.memory_space<semaphore_mem>>) src(%arg10 : memref<80x128xf32, #tpu.memory_space<vmem>>) dst(%dma_wait3A_198 : memref<10240x128xf32, #tpu.memory_space<vmem_shared>>)
      %dma_start3A_199 = arith.constant 12 : i32
      %dma_start3A_200 = arith.constant 0 : i32
      %dma_start3A_201 = tpu.memref_slice %arg6[%dma_start3A_199, %dma_start3A_200] : memref<16x80xi32, #tpu.memory_space<vmem>> -> memref<1x80xi32, #tpu.memory_space<vmem>>
      %dma_start3A_202 = tpu.memref_squeeze %dma_start3A_201 : memref<1x80xi32, #tpu.memory_space<vmem>> -> memref<80xi32, #tpu.memory_space<vmem>>
      %dma_start3A_203 = arith.constant 0 : i32
      %dma_start3A_204 = arith.constant 0 : i32
      %dma_start3A_205 = tpu.memref_slice %arg2[%dma_start3A_203, %dma_start3A_204] : memref<20000x128xf32, #tpu.memory_space<hbm>> -> memref<20000x128xf32, #tpu.memory_space<hbm>>
      tpu.enqueue_indirect_dma source(%dma_start3A_205 : memref<20000x128xf32, #tpu.memory_space<hbm>>) target(%arg10 : memref<80x128xf32, #tpu.memory_space<vmem>>) offsets(%dma_start3A_202 : memref<80xi32, #tpu.memory_space<vmem>>) semaphore(%arg15 : memref<!tpu.dma_semaphore, #tpu.memory_space<semaphore_mem>>)
      %dma_wait3A_206 = arith.constant 8 : i32
      %dma_wait3A_207 = arith.constant 0 : i32
      %dma_wait3A_208 = tpu.memref_slice %arg6[%dma_wait3A_206, %dma_wait3A_207] : memref<16x80xi32, #tpu.memory_space<vmem>> -> memref<1x80xi32, #tpu.memory_space<vmem>>
      %dma_wait3A_209 = tpu.memref_squeeze %dma_wait3A_208 : memref<1x80xi32, #tpu.memory_space<vmem>> -> memref<80xi32, #tpu.memory_space<vmem>>
      %dma_wait3A_210 = arith.constant 0 : i32
      %dma_wait3A_211 = arith.constant 0 : i32
      %dma_wait3A_212 = tpu.memref_slice %arg2[%dma_wait3A_210, %dma_wait3A_211] : memref<20000x128xf32, #tpu.memory_space<hbm>> -> memref<20000x128xf32, #tpu.memory_space<hbm>>
      tpu.wait_indirect_dma semaphore(%arg13 : memref<!tpu.dma_semaphore, #tpu.memory_space<semaphore_mem>>) src(%dma_wait3A_212 : memref<20000x128xf32, #tpu.memory_space<hbm>>) dst(%arg8 : memref<80x128xf32, #tpu.memory_space<vmem>>)
      %dma_start3A_213 = arith.constant 9 : i32
      %dma_start3A_214 = arith.constant 0 : i32
      %dma_start3A_215 = tpu.memref_slice %arg6[%dma_start3A_213, %dma_start3A_214] : memref<16x80xi32, #tpu.memory_space<vmem>> -> memref<1x80xi32, #tpu.memory_space<vmem>>
      %dma_start3A_216 = tpu.memref_squeeze %dma_start3A_215 : memref<1x80xi32, #tpu.memory_space<vmem>> -> memref<80xi32, #tpu.memory_space<vmem>>
      %dma_start3A_217 = arith.constant 0 : i32
      %dma_start3A_218 = arith.constant 0 : i32
      %dma_start3A_219 = tpu.memref_slice %arg12[%dma_start3A_217, %dma_start3A_218] : memref<10240x128xf32, #tpu.memory_space<vmem_shared>> -> memref<10240x128xf32, #tpu.memory_space<vmem_shared>>
      tpu.enqueue_indirect_dma source(%arg8 : memref<80x128xf32, #tpu.memory_space<vmem>>) target(%dma_start3A_219 : memref<10240x128xf32, #tpu.memory_space<vmem_shared>>) offsets(%dma_start3A_216 : memref<80xi32, #tpu.memory_space<vmem>>) semaphore(%arg17 : memref<!tpu.dma_semaphore, #tpu.memory_space<semaphore_mem>>) {add = true}
      %dma_wait3A_220 = arith.constant 7 : i32
      %dma_wait3A_221 = arith.constant 0 : i32
      %dma_wait3A_222 = tpu.memref_slice %arg6[%dma_wait3A_220, %dma_wait3A_221] : memref<16x80xi32, #tpu.memory_space<vmem>> -> memref<1x80xi32, #tpu.memory_space<vmem>>
      %dma_wait3A_223 = tpu.memref_squeeze %dma_wait3A_222 : memref<1x80xi32, #tpu.memory_space<vmem>> -> memref<80xi32, #tpu.memory_space<vmem>>
      %dma_wait3A_224 = arith.constant 0 : i32
      %dma_wait3A_225 = arith.constant 0 : i32
      %dma_wait3A_226 = tpu.memref_slice %arg12[%dma_wait3A_224, %dma_wait3A_225] : memref<10240x128xf32, #tpu.memory_space<vmem_shared>> -> memref<10240x128xf32, #tpu.memory_space<vmem_shared>>
      tpu.wait_indirect_dma semaphore(%arg20 : memref<!tpu.dma_semaphore, #tpu.memory_space<semaphore_mem>>) src(%arg11 : memref<80x128xf32, #tpu.memory_space<vmem>>) dst(%dma_wait3A_226 : memref<10240x128xf32, #tpu.memory_space<vmem_shared>>)
      %dma_start3A_227 = arith.constant 14 : i32
      %dma_start3A_228 = arith.constant 0 : i32
      %dma_start3A_229 = tpu.memref_slice %arg6[%dma_start3A_227, %dma_start3A_228] : memref<16x80xi32, #tpu.memory_space<vmem>> -> memref<1x80xi32, #tpu.memory_space<vmem>>
      %dma_start3A_230 = tpu.memref_squeeze %dma_start3A_229 : memref<1x80xi32, #tpu.memory_space<vmem>> -> memref<80xi32, #tpu.memory_space<vmem>>
      %dma_start3A_231 = arith.constant 0 : i32
      %dma_start3A_232 = arith.constant 0 : i32
      %dma_start3A_233 = tpu.memref_slice %arg2[%dma_start3A_231, %dma_start3A_232] : memref<20000x128xf32, #tpu.memory_space<hbm>> -> memref<20000x128xf32, #tpu.memory_space<hbm>>
      tpu.enqueue_indirect_dma source(%dma_start3A_233 : memref<20000x128xf32, #tpu.memory_space<hbm>>) target(%arg11 : memref<80x128xf32, #tpu.memory_space<vmem>>) offsets(%dma_start3A_230 : memref<80xi32, #tpu.memory_space<vmem>>) semaphore(%arg16 : memref<!tpu.dma_semaphore, #tpu.memory_space<semaphore_mem>>)
      %dma_wait3A_234 = arith.constant 10 : i32
      %dma_wait3A_235 = arith.constant 0 : i32
      %dma_wait3A_236 = tpu.memref_slice %arg6[%dma_wait3A_234, %dma_wait3A_235] : memref<16x80xi32, #tpu.memory_space<vmem>> -> memref<1x80xi32, #tpu.memory_space<vmem>>
      %dma_wait3A_237 = tpu.memref_squeeze %dma_wait3A_236 : memref<1x80xi32, #tpu.memory_space<vmem>> -> memref<80xi32, #tpu.memory_space<vmem>>
      %dma_wait3A_238 = arith.constant 0 : i32
      %dma_wait3A_239 = arith.constant 0 : i32
      %dma_wait3A_240 = tpu.memref_slice %arg2[%dma_wait3A_238, %dma_wait3A_239] : memref<20000x128xf32, #tpu.memory_space<hbm>> -> memref<20000x128xf32, #tpu.memory_space<hbm>>
      tpu.wait_indirect_dma semaphore(%arg14 : memref<!tpu.dma_semaphore, #tpu.memory_space<semaphore_mem>>) src(%dma_wait3A_240 : memref<20000x128xf32, #tpu.memory_space<hbm>>) dst(%arg9 : memref<80x128xf32, #tpu.memory_space<vmem>>)
      %dma_start3A_241 = arith.constant 11 : i32
      %dma_start3A_242 = arith.constant 0 : i32
      %dma_start3A_243 = tpu.memref_slice %arg6[%dma_start3A_241, %dma_start3A_242] : memref<16x80xi32, #tpu.memory_space<vmem>> -> memref<1x80xi32, #tpu.memory_space<vmem>>
      %dma_start3A_244 = tpu.memref_squeeze %dma_start3A_243 : memref<1x80xi32, #tpu.memory_space<vmem>> -> memref<80xi32, #tpu.memory_space<vmem>>
      %dma_start3A_245 = arith.constant 0 : i32
      %dma_start3A_246 = arith.constant 0 : i32
      %dma_start3A_247 = tpu.memref_slice %arg12[%dma_start3A_245, %dma_start3A_246] : memref<10240x128xf32, #tpu.memory_space<vmem_shared>> -> memref<10240x128xf32, #tpu.memory_space<vmem_shared>>
      tpu.enqueue_indirect_dma source(%arg9 : memref<80x128xf32, #tpu.memory_space<vmem>>) target(%dma_start3A_247 : memref<10240x128xf32, #tpu.memory_space<vmem_shared>>) offsets(%dma_start3A_244 : memref<80xi32, #tpu.memory_space<vmem>>) semaphore(%arg18 : memref<!tpu.dma_semaphore, #tpu.memory_space<semaphore_mem>>) {add = true}
      %dma_wait3A_248 = arith.constant 9 : i32
      %dma_wait3A_249 = arith.constant 0 : i32
      %dma_wait3A_250 = tpu.memref_slice %arg6[%dma_wait3A_248, %dma_wait3A_249] : memref<16x80xi32, #tpu.memory_space<vmem>> -> memref<1x80xi32, #tpu.memory_space<vmem>>
      %dma_wait3A_251 = tpu.memref_squeeze %dma_wait3A_250 : memref<1x80xi32, #tpu.memory_space<vmem>> -> memref<80xi32, #tpu.memory_space<vmem>>
      %dma_wait3A_252 = arith.constant 0 : i32
      %dma_wait3A_253 = arith.constant 0 : i32
      %dma_wait3A_254 = tpu.memref_slice %arg12[%dma_wait3A_252, %dma_wait3A_253] : memref<10240x128xf32, #tpu.memory_space<vmem_shared>> -> memref<10240x128xf32, #tpu.memory_space<vmem_shared>>
      tpu.wait_indirect_dma semaphore(%arg17 : memref<!tpu.dma_semaphore, #tpu.memory_space<semaphore_mem>>) src(%arg8 : memref<80x128xf32, #tpu.memory_space<vmem>>) dst(%dma_wait3A_254 : memref<10240x128xf32, #tpu.memory_space<vmem_shared>>)
      %add3A_255 = arith.constant 1 : i32
      %add3A_256 = arith.addi %add3A_75, %add3A_255 : i32
      %mul3A_257 = arith.constant 16 : i32
      %mul3A_258 = arith.muli %add3A_256, %mul3A_257 : i32
      %add3A_259 = arith.addi %mul3A_2, %mul3A_258 : i32
      %dma_wait3A_260 = arith.constant 0 : i32
      %dma_wait3A_261 = tpu.memref_slice %arg3[%add3A_259, %dma_wait3A_260] : memref<16384x80xi32, #tpu.memory_space<hbm>> -> memref<16x80xi32, #tpu.memory_space<hbm>>
      %dma_wait3A_262 = arith.constant 0 : i32
      %dma_wait3A_263 = tpu.memref_slice %arg3[%add3A_259, %dma_wait3A_262] : memref<16384x80xi32, #tpu.memory_space<hbm>> -> memref<16x80xi32, #tpu.memory_space<hbm>>
      tpu.wait_dma2 semaphore(%arg22 : memref<!tpu.dma_semaphore, #tpu.memory_space<semaphore_mem>>) src(%dma_wait3A_263 : memref<16x80xi32, #tpu.memory_space<hbm>>) dst(%arg7 : memref<16x80xi32, #tpu.memory_space<vmem>>)
      %dma_start3A_264 = arith.constant 0 : i32
      %dma_start3A_265 = arith.constant 0 : i32
      %dma_start3A_266 = tpu.memref_slice %arg7[%dma_start3A_264, %dma_start3A_265] : memref<16x80xi32, #tpu.memory_space<vmem>> -> memref<1x80xi32, #tpu.memory_space<vmem>>
      %dma_start3A_267 = tpu.memref_squeeze %dma_start3A_266 : memref<1x80xi32, #tpu.memory_space<vmem>> -> memref<80xi32, #tpu.memory_space<vmem>>
      %dma_start3A_268 = arith.constant 0 : i32
      %dma_start3A_269 = arith.constant 0 : i32
      %dma_start3A_270 = tpu.memref_slice %arg2[%dma_start3A_268, %dma_start3A_269] : memref<20000x128xf32, #tpu.memory_space<hbm>> -> memref<20000x128xf32, #tpu.memory_space<hbm>>
      tpu.enqueue_indirect_dma source(%dma_start3A_270 : memref<20000x128xf32, #tpu.memory_space<hbm>>) target(%arg8 : memref<80x128xf32, #tpu.memory_space<vmem>>) offsets(%dma_start3A_267 : memref<80xi32, #tpu.memory_space<vmem>>) semaphore(%arg13 : memref<!tpu.dma_semaphore, #tpu.memory_space<semaphore_mem>>)
      %dma_wait3A_271 = arith.constant 12 : i32
      %dma_wait3A_272 = arith.constant 0 : i32
      %dma_wait3A_273 = tpu.memref_slice %arg6[%dma_wait3A_271, %dma_wait3A_272] : memref<16x80xi32, #tpu.memory_space<vmem>> -> memref<1x80xi32, #tpu.memory_space<vmem>>
      %dma_wait3A_274 = tpu.memref_squeeze %dma_wait3A_273 : memref<1x80xi32, #tpu.memory_space<vmem>> -> memref<80xi32, #tpu.memory_space<vmem>>
      %dma_wait3A_275 = arith.constant 0 : i32
      %dma_wait3A_276 = arith.constant 0 : i32
      %dma_wait3A_277 = tpu.memref_slice %arg2[%dma_wait3A_275, %dma_wait3A_276] : memref<20000x128xf32, #tpu.memory_space<hbm>> -> memref<20000x128xf32, #tpu.memory_space<hbm>>
      tpu.wait_indirect_dma semaphore(%arg15 : memref<!tpu.dma_semaphore, #tpu.memory_space<semaphore_mem>>) src(%dma_wait3A_277 : memref<20000x128xf32, #tpu.memory_space<hbm>>) dst(%arg10 : memref<80x128xf32, #tpu.memory_space<vmem>>)
      %dma_start3A_278 = arith.constant 13 : i32
      %dma_start3A_279 = arith.constant 0 : i32
      %dma_start3A_280 = tpu.memref_slice %arg6[%dma_start3A_278, %dma_start3A_279] : memref<16x80xi32, #tpu.memory_space<vmem>> -> memref<1x80xi32, #tpu.memory_space<vmem>>
      %dma_start3A_281 = tpu.memref_squeeze %dma_start3A_280 : memref<1x80xi32, #tpu.memory_space<vmem>> -> memref<80xi32, #tpu.memory_space<vmem>>
      %dma_start3A_282 = arith.constant 0 : i32
      %dma_start3A_283 = arith.constant 0 : i32
      %dma_start3A_284 = tpu.memref_slice %arg12[%dma_start3A_282, %dma_start3A_283] : memref<10240x128xf32, #tpu.memory_space<vmem_shared>> -> memref<10240x128xf32, #tpu.memory_space<vmem_shared>>
      tpu.enqueue_indirect_dma source(%arg10 : memref<80x128xf32, #tpu.memory_space<vmem>>) target(%dma_start3A_284 : memref<10240x128xf32, #tpu.memory_space<vmem_shared>>) offsets(%dma_start3A_281 : memref<80xi32, #tpu.memory_space<vmem>>) semaphore(%arg19 : memref<!tpu.dma_semaphore, #tpu.memory_space<semaphore_mem>>) {add = true}
      %dma_wait3A_285 = arith.constant 11 : i32
      %dma_wait3A_286 = arith.constant 0 : i32
      %dma_wait3A_287 = tpu.memref_slice %arg6[%dma_wait3A_285, %dma_wait3A_286] : memref<16x80xi32, #tpu.memory_space<vmem>> -> memref<1x80xi32, #tpu.memory_space<vmem>>
      %dma_wait3A_288 = tpu.memref_squeeze %dma_wait3A_287 : memref<1x80xi32, #tpu.memory_space<vmem>> -> memref<80xi32, #tpu.memory_space<vmem>>
      %dma_wait3A_289 = arith.constant 0 : i32
      %dma_wait3A_290 = arith.constant 0 : i32
      %dma_wait3A_291 = tpu.memref_slice %arg12[%dma_wait3A_289, %dma_wait3A_290] : memref<10240x128xf32, #tpu.memory_space<vmem_shared>> -> memref<10240x128xf32, #tpu.memory_space<vmem_shared>>
      tpu.wait_indirect_dma semaphore(%arg18 : memref<!tpu.dma_semaphore, #tpu.memory_space<semaphore_mem>>) src(%arg9 : memref<80x128xf32, #tpu.memory_space<vmem>>) dst(%dma_wait3A_291 : memref<10240x128xf32, #tpu.memory_space<vmem_shared>>)
      %dma_start3A_292 = arith.constant 2 : i32
      %dma_start3A_293 = arith.constant 0 : i32
      %dma_start3A_294 = tpu.memref_slice %arg7[%dma_start3A_292, %dma_start3A_293] : memref<16x80xi32, #tpu.memory_space<vmem>> -> memref<1x80xi32, #tpu.memory_space<vmem>>
      %dma_start3A_295 = tpu.memref_squeeze %dma_start3A_294 : memref<1x80xi32, #tpu.memory_space<vmem>> -> memref<80xi32, #tpu.memory_space<vmem>>
      %dma_start3A_296 = arith.constant 0 : i32
      %dma_start3A_297 = arith.constant 0 : i32
      %dma_start3A_298 = tpu.memref_slice %arg2[%dma_start3A_296, %dma_start3A_297] : memref<20000x128xf32, #tpu.memory_space<hbm>> -> memref<20000x128xf32, #tpu.memory_space<hbm>>
      tpu.enqueue_indirect_dma source(%dma_start3A_298 : memref<20000x128xf32, #tpu.memory_space<hbm>>) target(%arg9 : memref<80x128xf32, #tpu.memory_space<vmem>>) offsets(%dma_start3A_295 : memref<80xi32, #tpu.memory_space<vmem>>) semaphore(%arg14 : memref<!tpu.dma_semaphore, #tpu.memory_space<semaphore_mem>>)
      %dma_wait3A_299 = arith.constant 14 : i32
      %dma_wait3A_300 = arith.constant 0 : i32
      %dma_wait3A_301 = tpu.memref_slice %arg6[%dma_wait3A_299, %dma_wait3A_300] : memref<16x80xi32, #tpu.memory_space<vmem>> -> memref<1x80xi32, #tpu.memory_space<vmem>>
      %dma_wait3A_302 = tpu.memref_squeeze %dma_wait3A_301 : memref<1x80xi32, #tpu.memory_space<vmem>> -> memref<80xi32, #tpu.memory_space<vmem>>
      %dma_wait3A_303 = arith.constant 0 : i32
      %dma_wait3A_304 = arith.constant 0 : i32
      %dma_wait3A_305 = tpu.memref_slice %arg2[%dma_wait3A_303, %dma_wait3A_304] : memref<20000x128xf32, #tpu.memory_space<hbm>> -> memref<20000x128xf32, #tpu.memory_space<hbm>>
      tpu.wait_indirect_dma semaphore(%arg16 : memref<!tpu.dma_semaphore, #tpu.memory_space<semaphore_mem>>) src(%dma_wait3A_305 : memref<20000x128xf32, #tpu.memory_space<hbm>>) dst(%arg11 : memref<80x128xf32, #tpu.memory_space<vmem>>)
      %dma_start3A_306 = arith.constant 15 : i32
      %dma_start3A_307 = arith.constant 0 : i32
      %dma_start3A_308 = tpu.memref_slice %arg6[%dma_start3A_306, %dma_start3A_307] : memref<16x80xi32, #tpu.memory_space<vmem>> -> memref<1x80xi32, #tpu.memory_space<vmem>>
      %dma_start3A_309 = tpu.memref_squeeze %dma_start3A_308 : memref<1x80xi32, #tpu.memory_space<vmem>> -> memref<80xi32, #tpu.memory_space<vmem>>
      %dma_start3A_310 = arith.constant 0 : i32
      %dma_start3A_311 = arith.constant 0 : i32
      %dma_start3A_312 = tpu.memref_slice %arg12[%dma_start3A_310, %dma_start3A_311] : memref<10240x128xf32, #tpu.memory_space<vmem_shared>> -> memref<10240x128xf32, #tpu.memory_space<vmem_shared>>
      tpu.enqueue_indirect_dma source(%arg11 : memref<80x128xf32, #tpu.memory_space<vmem>>) target(%dma_start3A_312 : memref<10240x128xf32, #tpu.memory_space<vmem_shared>>) offsets(%dma_start3A_309 : memref<80xi32, #tpu.memory_space<vmem>>) semaphore(%arg20 : memref<!tpu.dma_semaphore, #tpu.memory_space<semaphore_mem>>) {add = true}
      %mul3A_313 = arith.constant 2 : i32
      %mul3A_314 = arith.muli %mul3A_313, %scan3A_71 : i32
      %add3A_315 = arith.constant 1 : i32
      %add3A_316 = arith.addi %mul3A_314, %add3A_315 : i32
      %dma_wait3A_317 = arith.constant 13 : i32
      %dma_wait3A_318 = arith.constant 0 : i32
      %dma_wait3A_319 = tpu.memref_slice %arg6[%dma_wait3A_317, %dma_wait3A_318] : memref<16x80xi32, #tpu.memory_space<vmem>> -> memref<1x80xi32, #tpu.memory_space<vmem>>
      %dma_wait3A_320 = tpu.memref_squeeze %dma_wait3A_319 : memref<1x80xi32, #tpu.memory_space<vmem>> -> memref<80xi32, #tpu.memory_space<vmem>>
      %dma_wait3A_321 = arith.constant 0 : i32
      %dma_wait3A_322 = arith.constant 0 : i32
      %dma_wait3A_323 = tpu.memref_slice %arg12[%dma_wait3A_321, %dma_wait3A_322] : memref<10240x128xf32, #tpu.memory_space<vmem_shared>> -> memref<10240x128xf32, #tpu.memory_space<vmem_shared>>
      tpu.wait_indirect_dma semaphore(%arg19 : memref<!tpu.dma_semaphore, #tpu.memory_space<semaphore_mem>>) src(%arg10 : memref<80x128xf32, #tpu.memory_space<vmem>>) dst(%dma_wait3A_323 : memref<10240x128xf32, #tpu.memory_space<vmem_shared>>)
      %dma_start3A_324 = arith.constant 4 : i32
      %dma_start3A_325 = arith.constant 0 : i32
      %dma_start3A_326 = tpu.memref_slice %arg7[%dma_start3A_324, %dma_start3A_325] : memref<16x80xi32, #tpu.memory_space<vmem>> -> memref<1x80xi32, #tpu.memory_space<vmem>>
      %dma_start3A_327 = tpu.memref_squeeze %dma_start3A_326 : memref<1x80xi32, #tpu.memory_space<vmem>> -> memref<80xi32, #tpu.memory_space<vmem>>
      %dma_start3A_328 = arith.constant 0 : i32
      %dma_start3A_329 = arith.constant 0 : i32
      %dma_start3A_330 = tpu.memref_slice %arg2[%dma_start3A_328, %dma_start3A_329] : memref<20000x128xf32, #tpu.memory_space<hbm>> -> memref<20000x128xf32, #tpu.memory_space<hbm>>
      tpu.enqueue_indirect_dma source(%dma_start3A_330 : memref<20000x128xf32, #tpu.memory_space<hbm>>) target(%arg10 : memref<80x128xf32, #tpu.memory_space<vmem>>) offsets(%dma_start3A_327 : memref<80xi32, #tpu.memory_space<vmem>>) semaphore(%arg15 : memref<!tpu.dma_semaphore, #tpu.memory_space<semaphore_mem>>)
      %dma_wait3A_331 = arith.constant 0 : i32
      %dma_wait3A_332 = arith.constant 0 : i32
      %dma_wait3A_333 = tpu.memref_slice %arg7[%dma_wait3A_331, %dma_wait3A_332] : memref<16x80xi32, #tpu.memory_space<vmem>> -> memref<1x80xi32, #tpu.memory_space<vmem>>
      %dma_wait3A_334 = tpu.memref_squeeze %dma_wait3A_333 : memref<1x80xi32, #tpu.memory_space<vmem>> -> memref<80xi32, #tpu.memory_space<vmem>>
      %dma_wait3A_335 = arith.constant 0 : i32
      %dma_wait3A_336 = arith.constant 0 : i32
      %dma_wait3A_337 = tpu.memref_slice %arg2[%dma_wait3A_335, %dma_wait3A_336] : memref<20000x128xf32, #tpu.memory_space<hbm>> -> memref<20000x128xf32, #tpu.memory_space<hbm>>
      tpu.wait_indirect_dma semaphore(%arg13 : memref<!tpu.dma_semaphore, #tpu.memory_space<semaphore_mem>>) src(%dma_wait3A_337 : memref<20000x128xf32, #tpu.memory_space<hbm>>) dst(%arg8 : memref<80x128xf32, #tpu.memory_space<vmem>>)
      %dma_start3A_338 = arith.constant 1 : i32
      %dma_start3A_339 = arith.constant 0 : i32
      %dma_start3A_340 = tpu.memref_slice %arg7[%dma_start3A_338, %dma_start3A_339] : memref<16x80xi32, #tpu.memory_space<vmem>> -> memref<1x80xi32, #tpu.memory_space<vmem>>
      %dma_start3A_341 = tpu.memref_squeeze %dma_start3A_340 : memref<1x80xi32, #tpu.memory_space<vmem>> -> memref<80xi32, #tpu.memory_space<vmem>>
      %dma_start3A_342 = arith.constant 0 : i32
      %dma_start3A_343 = arith.constant 0 : i32
      %dma_start3A_344 = tpu.memref_slice %arg12[%dma_start3A_342, %dma_start3A_343] : memref<10240x128xf32, #tpu.memory_space<vmem_shared>> -> memref<10240x128xf32, #tpu.memory_space<vmem_shared>>
      tpu.enqueue_indirect_dma source(%arg8 : memref<80x128xf32, #tpu.memory_space<vmem>>) target(%dma_start3A_344 : memref<10240x128xf32, #tpu.memory_space<vmem_shared>>) offsets(%dma_start3A_341 : memref<80xi32, #tpu.memory_space<vmem>>) semaphore(%arg17 : memref<!tpu.dma_semaphore, #tpu.memory_space<semaphore_mem>>) {add = true}
      %dma_wait3A_345 = arith.constant 15 : i32
      %dma_wait3A_346 = arith.constant 0 : i32
      %dma_wait3A_347 = tpu.memref_slice %arg6[%dma_wait3A_345, %dma_wait3A_346] : memref<16x80xi32, #tpu.memory_space<vmem>> -> memref<1x80xi32, #tpu.memory_space<vmem>>
      %dma_wait3A_348 = tpu.memref_squeeze %dma_wait3A_347 : memref<1x80xi32, #tpu.memory_space<vmem>> -> memref<80xi32, #tpu.memory_space<vmem>>
      %dma_wait3A_349 = arith.constant 0 : i32
      %dma_wait3A_350 = arith.constant 0 : i32
      %dma_wait3A_351 = tpu.memref_slice %arg12[%dma_wait3A_349, %dma_wait3A_350] : memref<10240x128xf32, #tpu.memory_space<vmem_shared>> -> memref<10240x128xf32, #tpu.memory_space<vmem_shared>>
      tpu.wait_indirect_dma semaphore(%arg20 : memref<!tpu.dma_semaphore, #tpu.memory_space<semaphore_mem>>) src(%arg11 : memref<80x128xf32, #tpu.memory_space<vmem>>) dst(%dma_wait3A_351 : memref<10240x128xf32, #tpu.memory_space<vmem_shared>>)
      %dma_start3A_352 = arith.constant 6 : i32
      %dma_start3A_353 = arith.constant 0 : i32
      %dma_start3A_354 = tpu.memref_slice %arg7[%dma_start3A_352, %dma_start3A_353] : memref<16x80xi32, #tpu.memory_space<vmem>> -> memref<1x80xi32, #tpu.memory_space<vmem>>
      %dma_start3A_355 = tpu.memref_squeeze %dma_start3A_354 : memref<1x80xi32, #tpu.memory_space<vmem>> -> memref<80xi32, #tpu.memory_space<vmem>>
      %dma_start3A_356 = arith.constant 0 : i32
      %dma_start3A_357 = arith.constant 0 : i32
      %dma_start3A_358 = tpu.memref_slice %arg2[%dma_start3A_356, %dma_start3A_357] : memref<20000x128xf32, #tpu.memory_space<hbm>> -> memref<20000x128xf32, #tpu.memory_space<hbm>>
      tpu.enqueue_indirect_dma source(%dma_start3A_358 : memref<20000x128xf32, #tpu.memory_space<hbm>>) target(%arg11 : memref<80x128xf32, #tpu.memory_space<vmem>>) offsets(%dma_start3A_355 : memref<80xi32, #tpu.memory_space<vmem>>) semaphore(%arg16 : memref<!tpu.dma_semaphore, #tpu.memory_space<semaphore_mem>>)
      %dma_wait3A_359 = arith.constant 2 : i32
      %dma_wait3A_360 = arith.constant 0 : i32
      %dma_wait3A_361 = tpu.memref_slice %arg7[%dma_wait3A_359, %dma_wait3A_360] : memref<16x80xi32, #tpu.memory_space<vmem>> -> memref<1x80xi32, #tpu.memory_space<vmem>>
      %dma_wait3A_362 = tpu.memref_squeeze %dma_wait3A_361 : memref<1x80xi32, #tpu.memory_space<vmem>> -> memref<80xi32, #tpu.memory_space<vmem>>
      %dma_wait3A_363 = arith.constant 0 : i32
      %dma_wait3A_364 = arith.constant 0 : i32
      %dma_wait3A_365 = tpu.memref_slice %arg2[%dma_wait3A_363, %dma_wait3A_364] : memref<20000x128xf32, #tpu.memory_space<hbm>> -> memref<20000x128xf32, #tpu.memory_space<hbm>>
      tpu.wait_indirect_dma semaphore(%arg14 : memref<!tpu.dma_semaphore, #tpu.memory_space<semaphore_mem>>) src(%dma_wait3A_365 : memref<20000x128xf32, #tpu.memory_space<hbm>>) dst(%arg9 : memref<80x128xf32, #tpu.memory_space<vmem>>)
      %dma_start3A_366 = arith.constant 3 : i32
      %dma_start3A_367 = arith.constant 0 : i32
      %dma_start3A_368 = tpu.memref_slice %arg7[%dma_start3A_366, %dma_start3A_367] : memref<16x80xi32, #tpu.memory_space<vmem>> -> memref<1x80xi32, #tpu.memory_space<vmem>>
      %dma_start3A_369 = tpu.memref_squeeze %dma_start3A_368 : memref<1x80xi32, #tpu.memory_space<vmem>> -> memref<80xi32, #tpu.memory_space<vmem>>
      %dma_start3A_370 = arith.constant 0 : i32
      %dma_start3A_371 = arith.constant 0 : i32
      %dma_start3A_372 = tpu.memref_slice %arg12[%dma_start3A_370, %dma_start3A_371] : memref<10240x128xf32, #tpu.memory_space<vmem_shared>> -> memref<10240x128xf32, #tpu.memory_space<vmem_shared>>
      tpu.enqueue_indirect_dma source(%arg9 : memref<80x128xf32, #tpu.memory_space<vmem>>) target(%dma_start3A_372 : memref<10240x128xf32, #tpu.memory_space<vmem_shared>>) offsets(%dma_start3A_369 : memref<80xi32, #tpu.memory_space<vmem>>) semaphore(%arg18 : memref<!tpu.dma_semaphore, #tpu.memory_space<semaphore_mem>>) {add = true}
      %dma_wait3A_373 = arith.constant 1 : i32
      %dma_wait3A_374 = arith.constant 0 : i32
      %dma_wait3A_375 = tpu.memref_slice %arg7[%dma_wait3A_373, %dma_wait3A_374] : memref<16x80xi32, #tpu.memory_space<vmem>> -> memref<1x80xi32, #tpu.memory_space<vmem>>
      %dma_wait3A_376 = tpu.memref_squeeze %dma_wait3A_375 : memref<1x80xi32, #tpu.memory_space<vmem>> -> memref<80xi32, #tpu.memory_space<vmem>>
      %dma_wait3A_377 = arith.constant 0 : i32
      %dma_wait3A_378 = arith.constant 0 : i32
      %dma_wait3A_379 = tpu.memref_slice %arg12[%dma_wait3A_377, %dma_wait3A_378] : memref<10240x128xf32, #tpu.memory_space<vmem_shared>> -> memref<10240x128xf32, #tpu.memory_space<vmem_shared>>
      tpu.wait_indirect_dma semaphore(%arg17 : memref<!tpu.dma_semaphore, #tpu.memory_space<semaphore_mem>>) src(%arg8 : memref<80x128xf32, #tpu.memory_space<vmem>>) dst(%dma_wait3A_379 : memref<10240x128xf32, #tpu.memory_space<vmem_shared>>)
      %dma_start3A_380 = arith.constant 8 : i32
      %dma_start3A_381 = arith.constant 0 : i32
      %dma_start3A_382 = tpu.memref_slice %arg7[%dma_start3A_380, %dma_start3A_381] : memref<16x80xi32, #tpu.memory_space<vmem>> -> memref<1x80xi32, #tpu.memory_space<vmem>>
      %dma_start3A_383 = tpu.memref_squeeze %dma_start3A_382 : memref<1x80xi32, #tpu.memory_space<vmem>> -> memref<80xi32, #tpu.memory_space<vmem>>
      %dma_start3A_384 = arith.constant 0 : i32
      %dma_start3A_385 = arith.constant 0 : i32
      %dma_start3A_386 = tpu.memref_slice %arg2[%dma_start3A_384, %dma_start3A_385] : memref<20000x128xf32, #tpu.memory_space<hbm>> -> memref<20000x128xf32, #tpu.memory_space<hbm>>
      tpu.enqueue_indirect_dma source(%dma_start3A_386 : memref<20000x128xf32, #tpu.memory_space<hbm>>) target(%arg8 : memref<80x128xf32, #tpu.memory_space<vmem>>) offsets(%dma_start3A_383 : memref<80xi32, #tpu.memory_space<vmem>>) semaphore(%arg13 : memref<!tpu.dma_semaphore, #tpu.memory_space<semaphore_mem>>)
      %dma_wait3A_387 = arith.constant 4 : i32
      %dma_wait3A_388 = arith.constant 0 : i32
      %dma_wait3A_389 = tpu.memref_slice %arg7[%dma_wait3A_387, %dma_wait3A_388] : memref<16x80xi32, #tpu.memory_space<vmem>> -> memref<1x80xi32, #tpu.memory_space<vmem>>
      %dma_wait3A_390 = tpu.memref_squeeze %dma_wait3A_389 : memref<1x80xi32, #tpu.memory_space<vmem>> -> memref<80xi32, #tpu.memory_space<vmem>>
      %dma_wait3A_391 = arith.constant 0 : i32
      %dma_wait3A_392 = arith.constant 0 : i32
      %dma_wait3A_393 = tpu.memref_slice %arg2[%dma_wait3A_391, %dma_wait3A_392] : memref<20000x128xf32, #tpu.memory_space<hbm>> -> memref<20000x128xf32, #tpu.memory_space<hbm>>
      tpu.wait_indirect_dma semaphore(%arg15 : memref<!tpu.dma_semaphore, #tpu.memory_space<semaphore_mem>>) src(%dma_wait3A_393 : memref<20000x128xf32, #tpu.memory_space<hbm>>) dst(%arg10 : memref<80x128xf32, #tpu.memory_space<vmem>>)
      %dma_start3A_394 = arith.constant 5 : i32
      %dma_start3A_395 = arith.constant 0 : i32
      %dma_start3A_396 = tpu.memref_slice %arg7[%dma_start3A_394, %dma_start3A_395] : memref<16x80xi32, #tpu.memory_space<vmem>> -> memref<1x80xi32, #tpu.memory_space<vmem>>
      %dma_start3A_397 = tpu.memref_squeeze %dma_start3A_396 : memref<1x80xi32, #tpu.memory_space<vmem>> -> memref<80xi32, #tpu.memory_space<vmem>>
      %dma_start3A_398 = arith.constant 0 : i32
      %dma_start3A_399 = arith.constant 0 : i32
      %dma_start3A_400 = tpu.memref_slice %arg12[%dma_start3A_398, %dma_start3A_399] : memref<10240x128xf32, #tpu.memory_space<vmem_shared>> -> memref<10240x128xf32, #tpu.memory_space<vmem_shared>>
      tpu.enqueue_indirect_dma source(%arg10 : memref<80x128xf32, #tpu.memory_space<vmem>>) target(%dma_start3A_400 : memref<10240x128xf32, #tpu.memory_space<vmem_shared>>) offsets(%dma_start3A_397 : memref<80xi32, #tpu.memory_space<vmem>>) semaphore(%arg19 : memref<!tpu.dma_semaphore, #tpu.memory_space<semaphore_mem>>) {add = true}
      %add3A_401 = arith.constant 1 : i32
      %add3A_402 = arith.addi %add3A_316, %add3A_401 : i32
      %lt3A = arith.constant 32 : i32
      %lt3A_403 = arith.cmpi slt, %add3A_402, %lt3A : i32
      %convert_element_type3A_404 = arith.extui %lt3A_403 : i1 to i32
      %cond3A_405 = arith.constant 0 : i32
      %cond3A_406 = arith.cmpi ne, %convert_element_type3A_404, %cond3A_405 : i32
      scf.if %cond3A_406 {
        %add3A_547 = arith.constant 1 : i32
        %add3A_548 = arith.addi %add3A_316, %add3A_547 : i32
        %mul3A_549 = arith.constant 16 : i32
        %mul3A_550 = arith.muli %add3A_548, %mul3A_549 : i32
        %add3A_551 = arith.addi %mul3A_2, %mul3A_550 : i32
        %dma_start3A_552 = arith.constant 0 : i32
        %dma_start3A_553 = tpu.memref_slice %arg3[%add3A_551, %dma_start3A_552] : memref<16384x80xi32, #tpu.memory_space<hbm>> -> memref<16x80xi32, #tpu.memory_space<hbm>>
        %dma_start3A_554 = arith.constant 0 : i32
        %dma_start3A_555 = tpu.memref_slice %arg3[%add3A_551, %dma_start3A_554] : memref<16384x80xi32, #tpu.memory_space<hbm>> -> memref<16x80xi32, #tpu.memory_space<hbm>>
        tpu.enqueue_dma source(%dma_start3A_555 : memref<16x80xi32, #tpu.memory_space<hbm>>) target(%arg6 : memref<16x80xi32, #tpu.memory_space<vmem>>) target_semaphore(%arg21 : memref<!tpu.dma_semaphore, #tpu.memory_space<semaphore_mem>>)
      } else {
      }
      %dma_wait3A_407 = arith.constant 3 : i32
      %dma_wait3A_408 = arith.constant 0 : i32
      %dma_wait3A_409 = tpu.memref_slice %arg7[%dma_wait3A_407, %dma_wait3A_408] : memref<16x80xi32, #tpu.memory_space<vmem>> -> memref<1x80xi32, #tpu.memory_space<vmem>>
      %dma_wait3A_410 = tpu.memref_squeeze %dma_wait3A_409 : memref<1x80xi32, #tpu.memory_space<vmem>> -> memref<80xi32, #tpu.memory_space<vmem>>
      %dma_wait3A_411 = arith.constant 0 : i32
      %dma_wait3A_412 = arith.constant 0 : i32
      %dma_wait3A_413 = tpu.memref_slice %arg12[%dma_wait3A_411, %dma_wait3A_412] : memref<10240x128xf32, #tpu.memory_space<vmem_shared>> -> memref<10240x128xf32, #tpu.memory_space<vmem_shared>>
      tpu.wait_indirect_dma semaphore(%arg18 : memref<!tpu.dma_semaphore, #tpu.memory_space<semaphore_mem>>) src(%arg9 : memref<80x128xf32, #tpu.memory_space<vmem>>) dst(%dma_wait3A_413 : memref<10240x128xf32, #tpu.memory_space<vmem_shared>>)
      %dma_start3A_414 = arith.constant 10 : i32
      %dma_start3A_415 = arith.constant 0 : i32
      %dma_start3A_416 = tpu.memref_slice %arg7[%dma_start3A_414, %dma_start3A_415] : memref<16x80xi32, #tpu.memory_space<vmem>> -> memref<1x80xi32, #tpu.memory_space<vmem>>
      %dma_start3A_417 = tpu.memref_squeeze %dma_start3A_416 : memref<1x80xi32, #tpu.memory_space<vmem>> -> memref<80xi32, #tpu.memory_space<vmem>>
      %dma_start3A_418 = arith.constant 0 : i32
      %dma_start3A_419 = arith.constant 0 : i32
      %dma_start3A_420 = tpu.memref_slice %arg2[%dma_start3A_418, %dma_start3A_419] : memref<20000x128xf32, #tpu.memory_space<hbm>> -> memref<20000x128xf32, #tpu.memory_space<hbm>>
      tpu.enqueue_indirect_dma source(%dma_start3A_420 : memref<20000x128xf32, #tpu.memory_space<hbm>>) target(%arg9 : memref<80x128xf32, #tpu.memory_space<vmem>>) offsets(%dma_start3A_417 : memref<80xi32, #tpu.memory_space<vmem>>) semaphore(%arg14 : memref<!tpu.dma_semaphore, #tpu.memory_space<semaphore_mem>>)
      %dma_wait3A_421 = arith.constant 6 : i32
      %dma_wait3A_422 = arith.constant 0 : i32
      %dma_wait3A_423 = tpu.memref_slice %arg7[%dma_wait3A_421, %dma_wait3A_422] : memref<16x80xi32, #tpu.memory_space<vmem>> -> memref<1x80xi32, #tpu.memory_space<vmem>>
      %dma_wait3A_424 = tpu.memref_squeeze %dma_wait3A_423 : memref<1x80xi32, #tpu.memory_space<vmem>> -> memref<80xi32, #tpu.memory_space<vmem>>
      %dma_wait3A_425 = arith.constant 0 : i32
      %dma_wait3A_426 = arith.constant 0 : i32
      %dma_wait3A_427 = tpu.memref_slice %arg2[%dma_wait3A_425, %dma_wait3A_426] : memref<20000x128xf32, #tpu.memory_space<hbm>> -> memref<20000x128xf32, #tpu.memory_space<hbm>>
      tpu.wait_indirect_dma semaphore(%arg16 : memref<!tpu.dma_semaphore, #tpu.memory_space<semaphore_mem>>) src(%dma_wait3A_427 : memref<20000x128xf32, #tpu.memory_space<hbm>>) dst(%arg11 : memref<80x128xf32, #tpu.memory_space<vmem>>)
      %dma_start3A_428 = arith.constant 7 : i32
      %dma_start3A_429 = arith.constant 0 : i32
      %dma_start3A_430 = tpu.memref_slice %arg7[%dma_start3A_428, %dma_start3A_429] : memref<16x80xi32, #tpu.memory_space<vmem>> -> memref<1x80xi32, #tpu.memory_space<vmem>>
      %dma_start3A_431 = tpu.memref_squeeze %dma_start3A_430 : memref<1x80xi32, #tpu.memory_space<vmem>> -> memref<80xi32, #tpu.memory_space<vmem>>
      %dma_start3A_432 = arith.constant 0 : i32
      %dma_start3A_433 = arith.constant 0 : i32
      %dma_start3A_434 = tpu.memref_slice %arg12[%dma_start3A_432, %dma_start3A_433] : memref<10240x128xf32, #tpu.memory_space<vmem_shared>> -> memref<10240x128xf32, #tpu.memory_space<vmem_shared>>
      tpu.enqueue_indirect_dma source(%arg11 : memref<80x128xf32, #tpu.memory_space<vmem>>) target(%dma_start3A_434 : memref<10240x128xf32, #tpu.memory_space<vmem_shared>>) offsets(%dma_start3A_431 : memref<80xi32, #tpu.memory_space<vmem>>) semaphore(%arg20 : memref<!tpu.dma_semaphore, #tpu.memory_space<semaphore_mem>>) {add = true}
      %dma_wait3A_435 = arith.constant 5 : i32
      %dma_wait3A_436 = arith.constant 0 : i32
      %dma_wait3A_437 = tpu.memref_slice %arg7[%dma_wait3A_435, %dma_wait3A_436] : memref<16x80xi32, #tpu.memory_space<vmem>> -> memref<1x80xi32, #tpu.memory_space<vmem>>
      %dma_wait3A_438 = tpu.memref_squeeze %dma_wait3A_437 : memref<1x80xi32, #tpu.memory_space<vmem>> -> memref<80xi32, #tpu.memory_space<vmem>>
      %dma_wait3A_439 = arith.constant 0 : i32
      %dma_wait3A_440 = arith.constant 0 : i32
      %dma_wait3A_441 = tpu.memref_slice %arg12[%dma_wait3A_439, %dma_wait3A_440] : memref<10240x128xf32, #tpu.memory_space<vmem_shared>> -> memref<10240x128xf32, #tpu.memory_space<vmem_shared>>
      tpu.wait_indirect_dma semaphore(%arg19 : memref<!tpu.dma_semaphore, #tpu.memory_space<semaphore_mem>>) src(%arg10 : memref<80x128xf32, #tpu.memory_space<vmem>>) dst(%dma_wait3A_441 : memref<10240x128xf32, #tpu.memory_space<vmem_shared>>)
      %dma_start3A_442 = arith.constant 12 : i32
      %dma_start3A_443 = arith.constant 0 : i32
      %dma_start3A_444 = tpu.memref_slice %arg7[%dma_start3A_442, %dma_start3A_443] : memref<16x80xi32, #tpu.memory_space<vmem>> -> memref<1x80xi32, #tpu.memory_space<vmem>>
      %dma_start3A_445 = tpu.memref_squeeze %dma_start3A_444 : memref<1x80xi32, #tpu.memory_space<vmem>> -> memref<80xi32, #tpu.memory_space<vmem>>
      %dma_start3A_446 = arith.constant 0 : i32
      %dma_start3A_447 = arith.constant 0 : i32
      %dma_start3A_448 = tpu.memref_slice %arg2[%dma_start3A_446, %dma_start3A_447] : memref<20000x128xf32, #tpu.memory_space<hbm>> -> memref<20000x128xf32, #tpu.memory_space<hbm>>
      tpu.enqueue_indirect_dma source(%dma_start3A_448 : memref<20000x128xf32, #tpu.memory_space<hbm>>) target(%arg10 : memref<80x128xf32, #tpu.memory_space<vmem>>) offsets(%dma_start3A_445 : memref<80xi32, #tpu.memory_space<vmem>>) semaphore(%arg15 : memref<!tpu.dma_semaphore, #tpu.memory_space<semaphore_mem>>)
      %dma_wait3A_449 = arith.constant 8 : i32
      %dma_wait3A_450 = arith.constant 0 : i32
      %dma_wait3A_451 = tpu.memref_slice %arg7[%dma_wait3A_449, %dma_wait3A_450] : memref<16x80xi32, #tpu.memory_space<vmem>> -> memref<1x80xi32, #tpu.memory_space<vmem>>
      %dma_wait3A_452 = tpu.memref_squeeze %dma_wait3A_451 : memref<1x80xi32, #tpu.memory_space<vmem>> -> memref<80xi32, #tpu.memory_space<vmem>>
      %dma_wait3A_453 = arith.constant 0 : i32
      %dma_wait3A_454 = arith.constant 0 : i32
      %dma_wait3A_455 = tpu.memref_slice %arg2[%dma_wait3A_453, %dma_wait3A_454] : memref<20000x128xf32, #tpu.memory_space<hbm>> -> memref<20000x128xf32, #tpu.memory_space<hbm>>
      tpu.wait_indirect_dma semaphore(%arg13 : memref<!tpu.dma_semaphore, #tpu.memory_space<semaphore_mem>>) src(%dma_wait3A_455 : memref<20000x128xf32, #tpu.memory_space<hbm>>) dst(%arg8 : memref<80x128xf32, #tpu.memory_space<vmem>>)
      %dma_start3A_456 = arith.constant 9 : i32
      %dma_start3A_457 = arith.constant 0 : i32
      %dma_start3A_458 = tpu.memref_slice %arg7[%dma_start3A_456, %dma_start3A_457] : memref<16x80xi32, #tpu.memory_space<vmem>> -> memref<1x80xi32, #tpu.memory_space<vmem>>
      %dma_start3A_459 = tpu.memref_squeeze %dma_start3A_458 : memref<1x80xi32, #tpu.memory_space<vmem>> -> memref<80xi32, #tpu.memory_space<vmem>>
      %dma_start3A_460 = arith.constant 0 : i32
      %dma_start3A_461 = arith.constant 0 : i32
      %dma_start3A_462 = tpu.memref_slice %arg12[%dma_start3A_460, %dma_start3A_461] : memref<10240x128xf32, #tpu.memory_space<vmem_shared>> -> memref<10240x128xf32, #tpu.memory_space<vmem_shared>>
      tpu.enqueue_indirect_dma source(%arg8 : memref<80x128xf32, #tpu.memory_space<vmem>>) target(%dma_start3A_462 : memref<10240x128xf32, #tpu.memory_space<vmem_shared>>) offsets(%dma_start3A_459 : memref<80xi32, #tpu.memory_space<vmem>>) semaphore(%arg17 : memref<!tpu.dma_semaphore, #tpu.memory_space<semaphore_mem>>) {add = true}
      %dma_wait3A_463 = arith.constant 7 : i32
      %dma_wait3A_464 = arith.constant 0 : i32
      %dma_wait3A_465 = tpu.memref_slice %arg7[%dma_wait3A_463, %dma_wait3A_464] : memref<16x80xi32, #tpu.memory_space<vmem>> -> memref<1x80xi32, #tpu.memory_space<vmem>>
      %dma_wait3A_466 = tpu.memref_squeeze %dma_wait3A_465 : memref<1x80xi32, #tpu.memory_space<vmem>> -> memref<80xi32, #tpu.memory_space<vmem>>
      %dma_wait3A_467 = arith.constant 0 : i32
      %dma_wait3A_468 = arith.constant 0 : i32
      %dma_wait3A_469 = tpu.memref_slice %arg12[%dma_wait3A_467, %dma_wait3A_468] : memref<10240x128xf32, #tpu.memory_space<vmem_shared>> -> memref<10240x128xf32, #tpu.memory_space<vmem_shared>>
      tpu.wait_indirect_dma semaphore(%arg20 : memref<!tpu.dma_semaphore, #tpu.memory_space<semaphore_mem>>) src(%arg11 : memref<80x128xf32, #tpu.memory_space<vmem>>) dst(%dma_wait3A_469 : memref<10240x128xf32, #tpu.memory_space<vmem_shared>>)
      %dma_start3A_470 = arith.constant 14 : i32
      %dma_start3A_471 = arith.constant 0 : i32
      %dma_start3A_472 = tpu.memref_slice %arg7[%dma_start3A_470, %dma_start3A_471] : memref<16x80xi32, #tpu.memory_space<vmem>> -> memref<1x80xi32, #tpu.memory_space<vmem>>
      %dma_start3A_473 = tpu.memref_squeeze %dma_start3A_472 : memref<1x80xi32, #tpu.memory_space<vmem>> -> memref<80xi32, #tpu.memory_space<vmem>>
      %dma_start3A_474 = arith.constant 0 : i32
      %dma_start3A_475 = arith.constant 0 : i32
      %dma_start3A_476 = tpu.memref_slice %arg2[%dma_start3A_474, %dma_start3A_475] : memref<20000x128xf32, #tpu.memory_space<hbm>> -> memref<20000x128xf32, #tpu.memory_space<hbm>>
      tpu.enqueue_indirect_dma source(%dma_start3A_476 : memref<20000x128xf32, #tpu.memory_space<hbm>>) target(%arg11 : memref<80x128xf32, #tpu.memory_space<vmem>>) offsets(%dma_start3A_473 : memref<80xi32, #tpu.memory_space<vmem>>) semaphore(%arg16 : memref<!tpu.dma_semaphore, #tpu.memory_space<semaphore_mem>>)
      %dma_wait3A_477 = arith.constant 10 : i32
      %dma_wait3A_478 = arith.constant 0 : i32
      %dma_wait3A_479 = tpu.memref_slice %arg7[%dma_wait3A_477, %dma_wait3A_478] : memref<16x80xi32, #tpu.memory_space<vmem>> -> memref<1x80xi32, #tpu.memory_space<vmem>>
      %dma_wait3A_480 = tpu.memref_squeeze %dma_wait3A_479 : memref<1x80xi32, #tpu.memory_space<vmem>> -> memref<80xi32, #tpu.memory_space<vmem>>
      %dma_wait3A_481 = arith.constant 0 : i32
      %dma_wait3A_482 = arith.constant 0 : i32
      %dma_wait3A_483 = tpu.memref_slice %arg2[%dma_wait3A_481, %dma_wait3A_482] : memref<20000x128xf32, #tpu.memory_space<hbm>> -> memref<20000x128xf32, #tpu.memory_space<hbm>>
      tpu.wait_indirect_dma semaphore(%arg14 : memref<!tpu.dma_semaphore, #tpu.memory_space<semaphore_mem>>) src(%dma_wait3A_483 : memref<20000x128xf32, #tpu.memory_space<hbm>>) dst(%arg9 : memref<80x128xf32, #tpu.memory_space<vmem>>)
      %dma_start3A_484 = arith.constant 11 : i32
      %dma_start3A_485 = arith.constant 0 : i32
      %dma_start3A_486 = tpu.memref_slice %arg7[%dma_start3A_484, %dma_start3A_485] : memref<16x80xi32, #tpu.memory_space<vmem>> -> memref<1x80xi32, #tpu.memory_space<vmem>>
      %dma_start3A_487 = tpu.memref_squeeze %dma_start3A_486 : memref<1x80xi32, #tpu.memory_space<vmem>> -> memref<80xi32, #tpu.memory_space<vmem>>
      %dma_start3A_488 = arith.constant 0 : i32
      %dma_start3A_489 = arith.constant 0 : i32
      %dma_start3A_490 = tpu.memref_slice %arg12[%dma_start3A_488, %dma_start3A_489] : memref<10240x128xf32, #tpu.memory_space<vmem_shared>> -> memref<10240x128xf32, #tpu.memory_space<vmem_shared>>
      tpu.enqueue_indirect_dma source(%arg9 : memref<80x128xf32, #tpu.memory_space<vmem>>) target(%dma_start3A_490 : memref<10240x128xf32, #tpu.memory_space<vmem_shared>>) offsets(%dma_start3A_487 : memref<80xi32, #tpu.memory_space<vmem>>) semaphore(%arg18 : memref<!tpu.dma_semaphore, #tpu.memory_space<semaphore_mem>>) {add = true}
      %dma_wait3A_491 = arith.constant 9 : i32
      %dma_wait3A_492 = arith.constant 0 : i32
      %dma_wait3A_493 = tpu.memref_slice %arg7[%dma_wait3A_491, %dma_wait3A_492] : memref<16x80xi32, #tpu.memory_space<vmem>> -> memref<1x80xi32, #tpu.memory_space<vmem>>
      %dma_wait3A_494 = tpu.memref_squeeze %dma_wait3A_493 : memref<1x80xi32, #tpu.memory_space<vmem>> -> memref<80xi32, #tpu.memory_space<vmem>>
      %dma_wait3A_495 = arith.constant 0 : i32
      %dma_wait3A_496 = arith.constant 0 : i32
      %dma_wait3A_497 = tpu.memref_slice %arg12[%dma_wait3A_495, %dma_wait3A_496] : memref<10240x128xf32, #tpu.memory_space<vmem_shared>> -> memref<10240x128xf32, #tpu.memory_space<vmem_shared>>
      tpu.wait_indirect_dma semaphore(%arg17 : memref<!tpu.dma_semaphore, #tpu.memory_space<semaphore_mem>>) src(%arg8 : memref<80x128xf32, #tpu.memory_space<vmem>>) dst(%dma_wait3A_497 : memref<10240x128xf32, #tpu.memory_space<vmem_shared>>)
      %add3A_498 = arith.constant 1 : i32
      %add3A_499 = arith.addi %add3A_316, %add3A_498 : i32
      %lt3A_500 = arith.constant 32 : i32
      %lt3A_501 = arith.cmpi slt, %add3A_499, %lt3A_500 : i32
      %convert_element_type3A_502 = arith.extui %lt3A_501 : i1 to i32
      %cond3A_503 = arith.constant 0 : i32
      %cond3A_504 = arith.cmpi ne, %convert_element_type3A_502, %cond3A_503 : i32
      scf.if %cond3A_504 {
        %add3A_547 = arith.constant 1 : i32
        %add3A_548 = arith.addi %add3A_316, %add3A_547 : i32
        %mul3A_549 = arith.constant 16 : i32
        %mul3A_550 = arith.muli %add3A_548, %mul3A_549 : i32
        %add3A_551 = arith.addi %mul3A_2, %mul3A_550 : i32
        %dma_wait3A_552 = arith.constant 0 : i32
        %dma_wait3A_553 = tpu.memref_slice %arg3[%add3A_551, %dma_wait3A_552] : memref<16384x80xi32, #tpu.memory_space<hbm>> -> memref<16x80xi32, #tpu.memory_space<hbm>>
        %dma_wait3A_554 = arith.constant 0 : i32
        %dma_wait3A_555 = tpu.memref_slice %arg3[%add3A_551, %dma_wait3A_554] : memref<16384x80xi32, #tpu.memory_space<hbm>> -> memref<16x80xi32, #tpu.memory_space<hbm>>
        tpu.wait_dma2 semaphore(%arg21 : memref<!tpu.dma_semaphore, #tpu.memory_space<semaphore_mem>>) src(%dma_wait3A_555 : memref<16x80xi32, #tpu.memory_space<hbm>>) dst(%arg6 : memref<16x80xi32, #tpu.memory_space<vmem>>)
        %dma_start3A_556 = arith.constant 0 : i32
        %dma_start3A_557 = arith.constant 0 : i32
        %dma_start3A_558 = tpu.memref_slice %arg6[%dma_start3A_556, %dma_start3A_557] : memref<16x80xi32, #tpu.memory_space<vmem>> -> memref<1x80xi32, #tpu.memory_space<vmem>>
        %dma_start3A_559 = tpu.memref_squeeze %dma_start3A_558 : memref<1x80xi32, #tpu.memory_space<vmem>> -> memref<80xi32, #tpu.memory_space<vmem>>
        %dma_start3A_560 = arith.constant 0 : i32
        %dma_start3A_561 = arith.constant 0 : i32
        %dma_start3A_562 = tpu.memref_slice %arg2[%dma_start3A_560, %dma_start3A_561] : memref<20000x128xf32, #tpu.memory_space<hbm>> -> memref<20000x128xf32, #tpu.memory_space<hbm>>
        tpu.enqueue_indirect_dma source(%dma_start3A_562 : memref<20000x128xf32, #tpu.memory_space<hbm>>) target(%arg8 : memref<80x128xf32, #tpu.memory_space<vmem>>) offsets(%dma_start3A_559 : memref<80xi32, #tpu.memory_space<vmem>>) semaphore(%arg13 : memref<!tpu.dma_semaphore, #tpu.memory_space<semaphore_mem>>)
      } else {
      }
      %dma_wait3A_505 = arith.constant 12 : i32
      %dma_wait3A_506 = arith.constant 0 : i32
      %dma_wait3A_507 = tpu.memref_slice %arg7[%dma_wait3A_505, %dma_wait3A_506] : memref<16x80xi32, #tpu.memory_space<vmem>> -> memref<1x80xi32, #tpu.memory_space<vmem>>
      %dma_wait3A_508 = tpu.memref_squeeze %dma_wait3A_507 : memref<1x80xi32, #tpu.memory_space<vmem>> -> memref<80xi32, #tpu.memory_space<vmem>>
      %dma_wait3A_509 = arith.constant 0 : i32
      %dma_wait3A_510 = arith.constant 0 : i32
      %dma_wait3A_511 = tpu.memref_slice %arg2[%dma_wait3A_509, %dma_wait3A_510] : memref<20000x128xf32, #tpu.memory_space<hbm>> -> memref<20000x128xf32, #tpu.memory_space<hbm>>
      tpu.wait_indirect_dma semaphore(%arg15 : memref<!tpu.dma_semaphore, #tpu.memory_space<semaphore_mem>>) src(%dma_wait3A_511 : memref<20000x128xf32, #tpu.memory_space<hbm>>) dst(%arg10 : memref<80x128xf32, #tpu.memory_space<vmem>>)
      %dma_start3A_512 = arith.constant 13 : i32
      %dma_start3A_513 = arith.constant 0 : i32
      %dma_start3A_514 = tpu.memref_slice %arg7[%dma_start3A_512, %dma_start3A_513] : memref<16x80xi32, #tpu.memory_space<vmem>> -> memref<1x80xi32, #tpu.memory_space<vmem>>
      %dma_start3A_515 = tpu.memref_squeeze %dma_start3A_514 : memref<1x80xi32, #tpu.memory_space<vmem>> -> memref<80xi32, #tpu.memory_space<vmem>>
      %dma_start3A_516 = arith.constant 0 : i32
      %dma_start3A_517 = arith.constant 0 : i32
      %dma_start3A_518 = tpu.memref_slice %arg12[%dma_start3A_516, %dma_start3A_517] : memref<10240x128xf32, #tpu.memory_space<vmem_shared>> -> memref<10240x128xf32, #tpu.memory_space<vmem_shared>>
      tpu.enqueue_indirect_dma source(%arg10 : memref<80x128xf32, #tpu.memory_space<vmem>>) target(%dma_start3A_518 : memref<10240x128xf32, #tpu.memory_space<vmem_shared>>) offsets(%dma_start3A_515 : memref<80xi32, #tpu.memory_space<vmem>>) semaphore(%arg19 : memref<!tpu.dma_semaphore, #tpu.memory_space<semaphore_mem>>) {add = true}
      %dma_wait3A_519 = arith.constant 11 : i32
      %dma_wait3A_520 = arith.constant 0 : i32
      %dma_wait3A_521 = tpu.memref_slice %arg7[%dma_wait3A_519, %dma_wait3A_520] : memref<16x80xi32, #tpu.memory_space<vmem>> -> memref<1x80xi32, #tpu.memory_space<vmem>>
      %dma_wait3A_522 = tpu.memref_squeeze %dma_wait3A_521 : memref<1x80xi32, #tpu.memory_space<vmem>> -> memref<80xi32, #tpu.memory_space<vmem>>
      %dma_wait3A_523 = arith.constant 0 : i32
      %dma_wait3A_524 = arith.constant 0 : i32
      %dma_wait3A_525 = tpu.memref_slice %arg12[%dma_wait3A_523, %dma_wait3A_524] : memref<10240x128xf32, #tpu.memory_space<vmem_shared>> -> memref<10240x128xf32, #tpu.memory_space<vmem_shared>>
      tpu.wait_indirect_dma semaphore(%arg18 : memref<!tpu.dma_semaphore, #tpu.memory_space<semaphore_mem>>) src(%arg9 : memref<80x128xf32, #tpu.memory_space<vmem>>) dst(%dma_wait3A_525 : memref<10240x128xf32, #tpu.memory_space<vmem_shared>>)
      %add3A_526 = arith.constant 1 : i32
      %add3A_527 = arith.addi %add3A_316, %add3A_526 : i32
      %lt3A_528 = arith.constant 32 : i32
      %lt3A_529 = arith.cmpi slt, %add3A_527, %lt3A_528 : i32
      %convert_element_type3A_530 = arith.extui %lt3A_529 : i1 to i32
      %cond3A_531 = arith.constant 0 : i32
      %cond3A_532 = arith.cmpi ne, %convert_element_type3A_530, %cond3A_531 : i32
      scf.if %cond3A_532 {
        %dma_start3A_547 = arith.constant 2 : i32
        %dma_start3A_548 = arith.constant 0 : i32
        %dma_start3A_549 = tpu.memref_slice %arg6[%dma_start3A_547, %dma_start3A_548] : memref<16x80xi32, #tpu.memory_space<vmem>> -> memref<1x80xi32, #tpu.memory_space<vmem>>
        %dma_start3A_550 = tpu.memref_squeeze %dma_start3A_549 : memref<1x80xi32, #tpu.memory_space<vmem>> -> memref<80xi32, #tpu.memory_space<vmem>>
        %dma_start3A_551 = arith.constant 0 : i32
        %dma_start3A_552 = arith.constant 0 : i32
        %dma_start3A_553 = tpu.memref_slice %arg2[%dma_start3A_551, %dma_start3A_552] : memref<20000x128xf32, #tpu.memory_space<hbm>> -> memref<20000x128xf32, #tpu.memory_space<hbm>>
        tpu.enqueue_indirect_dma source(%dma_start3A_553 : memref<20000x128xf32, #tpu.memory_space<hbm>>) target(%arg9 : memref<80x128xf32, #tpu.memory_space<vmem>>) offsets(%dma_start3A_550 : memref<80xi32, #tpu.memory_space<vmem>>) semaphore(%arg14 : memref<!tpu.dma_semaphore, #tpu.memory_space<semaphore_mem>>)
      } else {
      }
      %dma_wait3A_533 = arith.constant 14 : i32
      %dma_wait3A_534 = arith.constant 0 : i32
      %dma_wait3A_535 = tpu.memref_slice %arg7[%dma_wait3A_533, %dma_wait3A_534] : memref<16x80xi32, #tpu.memory_space<vmem>> -> memref<1x80xi32, #tpu.memory_space<vmem>>
      %dma_wait3A_536 = tpu.memref_squeeze %dma_wait3A_535 : memref<1x80xi32, #tpu.memory_space<vmem>> -> memref<80xi32, #tpu.memory_space<vmem>>
      %dma_wait3A_537 = arith.constant 0 : i32
      %dma_wait3A_538 = arith.constant 0 : i32
      %dma_wait3A_539 = tpu.memref_slice %arg2[%dma_wait3A_537, %dma_wait3A_538] : memref<20000x128xf32, #tpu.memory_space<hbm>> -> memref<20000x128xf32, #tpu.memory_space<hbm>>
      tpu.wait_indirect_dma semaphore(%arg16 : memref<!tpu.dma_semaphore, #tpu.memory_space<semaphore_mem>>) src(%dma_wait3A_539 : memref<20000x128xf32, #tpu.memory_space<hbm>>) dst(%arg11 : memref<80x128xf32, #tpu.memory_space<vmem>>)
      %dma_start3A_540 = arith.constant 15 : i32
      %dma_start3A_541 = arith.constant 0 : i32
      %dma_start3A_542 = tpu.memref_slice %arg7[%dma_start3A_540, %dma_start3A_541] : memref<16x80xi32, #tpu.memory_space<vmem>> -> memref<1x80xi32, #tpu.memory_space<vmem>>
      %dma_start3A_543 = tpu.memref_squeeze %dma_start3A_542 : memref<1x80xi32, #tpu.memory_space<vmem>> -> memref<80xi32, #tpu.memory_space<vmem>>
      %dma_start3A_544 = arith.constant 0 : i32
      %dma_start3A_545 = arith.constant 0 : i32
      %dma_start3A_546 = tpu.memref_slice %arg12[%dma_start3A_544, %dma_start3A_545] : memref<10240x128xf32, #tpu.memory_space<vmem_shared>> -> memref<10240x128xf32, #tpu.memory_space<vmem_shared>>
      tpu.enqueue_indirect_dma source(%arg11 : memref<80x128xf32, #tpu.memory_space<vmem>>) target(%dma_start3A_546 : memref<10240x128xf32, #tpu.memory_space<vmem_shared>>) offsets(%dma_start3A_543 : memref<80xi32, #tpu.memory_space<vmem>>) semaphore(%arg20 : memref<!tpu.dma_semaphore, #tpu.memory_space<semaphore_mem>>) {add = true}
    }
    %scan3A_52 = arith.constant 16 : i32
    %dma_wait3A = arith.constant 13 : i32
    %dma_wait3A_53 = arith.constant 0 : i32
    %dma_wait3A_54 = tpu.memref_slice %arg7[%dma_wait3A, %dma_wait3A_53] : memref<16x80xi32, #tpu.memory_space<vmem>> -> memref<1x80xi32, #tpu.memory_space<vmem>>
    %dma_wait3A_55 = tpu.memref_squeeze %dma_wait3A_54 : memref<1x80xi32, #tpu.memory_space<vmem>> -> memref<80xi32, #tpu.memory_space<vmem>>
    %dma_wait3A_56 = arith.constant 0 : i32
    %dma_wait3A_57 = arith.constant 0 : i32
    %dma_wait3A_58 = tpu.memref_slice %arg12[%dma_wait3A_56, %dma_wait3A_57] : memref<10240x128xf32, #tpu.memory_space<vmem_shared>> -> memref<10240x128xf32, #tpu.memory_space<vmem_shared>>
    tpu.wait_indirect_dma semaphore(%arg19 : memref<!tpu.dma_semaphore, #tpu.memory_space<semaphore_mem>>) src(%arg10 : memref<80x128xf32, #tpu.memory_space<vmem>>) dst(%dma_wait3A_58 : memref<10240x128xf32, #tpu.memory_space<vmem_shared>>)
    %dma_wait3A_59 = arith.constant 15 : i32
    %dma_wait3A_60 = arith.constant 0 : i32
    %dma_wait3A_61 = tpu.memref_slice %arg7[%dma_wait3A_59, %dma_wait3A_60] : memref<16x80xi32, #tpu.memory_space<vmem>> -> memref<1x80xi32, #tpu.memory_space<vmem>>
    %dma_wait3A_62 = tpu.memref_squeeze %dma_wait3A_61 : memref<1x80xi32, #tpu.memory_space<vmem>> -> memref<80xi32, #tpu.memory_space<vmem>>
    %dma_wait3A_63 = arith.constant 0 : i32
    %dma_wait3A_64 = arith.constant 0 : i32
    %dma_wait3A_65 = tpu.memref_slice %arg12[%dma_wait3A_63, %dma_wait3A_64] : memref<10240x128xf32, #tpu.memory_space<vmem_shared>> -> memref<10240x128xf32, #tpu.memory_space<vmem_shared>>
    tpu.wait_indirect_dma semaphore(%arg20 : memref<!tpu.dma_semaphore, #tpu.memory_space<semaphore_mem>>) src(%arg11 : memref<80x128xf32, #tpu.memory_space<vmem>>) dst(%dma_wait3A_65 : memref<10240x128xf32, #tpu.memory_space<vmem_shared>>)
    %barrier3A_66 = arith.constant 0 : index
    tpu.barrier barrier_id(%barrier3A_66)
    %mul3A_67 = arith.constant 640 : i32
    %mul3A_68 = arith.muli %arg1, %mul3A_67 : i32
    %mul3A_69 = arith.constant 640 : i32
    %mul3A_70 = arith.muli %arg1, %mul3A_69 : i32
    "tpu.region"() ({
      %run_scoped3A = tpu.sem_alloc : memref<!tpu.dma_semaphore, #tpu.memory_space<semaphore_mem>>
      %dma_start3A_71 = arith.constant 0 : i32
      %dma_start3A_72 = tpu.memref_slice %arg5[%arg0, %mul3A_70, %dma_start3A_71] : memref<2x10240x128xf32, #tpu.memory_space<hbm>> -> memref<1x640x128xf32, #tpu.memory_space<hbm>>
      %dma_start3A_73 = tpu.memref_squeeze %dma_start3A_72 : memref<1x640x128xf32, #tpu.memory_space<hbm>> -> memref<640x128xf32, #tpu.memory_space<hbm>>
      %dma_start3A_74 = arith.constant 0 : i32
      %dma_start3A_75 = tpu.memref_slice %arg12[%mul3A_68, %dma_start3A_74] : memref<10240x128xf32, #tpu.memory_space<vmem_shared>> -> memref<640x128xf32, #tpu.memory_space<vmem_shared>>
      tpu.enqueue_dma source(%dma_start3A_75 : memref<640x128xf32, #tpu.memory_space<vmem_shared>>) target(%dma_start3A_73 : memref<640x128xf32, #tpu.memory_space<hbm>>) target_semaphore(%run_scoped3A : memref<!tpu.dma_semaphore, #tpu.memory_space<semaphore_mem>>)
      %dma_wait3A_76 = arith.constant 0 : i32
      %dma_wait3A_77 = tpu.memref_slice %arg5[%arg0, %mul3A_70, %dma_wait3A_76] : memref<2x10240x128xf32, #tpu.memory_space<hbm>> -> memref<1x640x128xf32, #tpu.memory_space<hbm>>
      %dma_wait3A_78 = tpu.memref_squeeze %dma_wait3A_77 : memref<1x640x128xf32, #tpu.memory_space<hbm>> -> memref<640x128xf32, #tpu.memory_space<hbm>>
      %dma_wait3A_79 = arith.constant 0 : i32
      %dma_wait3A_80 = tpu.memref_slice %arg12[%mul3A_68, %dma_wait3A_79] : memref<10240x128xf32, #tpu.memory_space<vmem_shared>> -> memref<640x128xf32, #tpu.memory_space<vmem_shared>>
      tpu.wait_dma2 semaphore(%run_scoped3A : memref<!tpu.dma_semaphore, #tpu.memory_space<semaphore_mem>>) src(%dma_wait3A_80 : memref<640x128xf32, #tpu.memory_space<vmem_shared>>) dst(%dma_wait3A_78 : memref<640x128xf32, #tpu.memory_space<hbm>>)
      tpu.yield
    }) : () -> ()
    return
  }
}

module attributes {stable_mosaic.version = 14 : i64} {
  func.func @_mm_body(%arg0: i32, %arg1: memref<5000x512xf32, #tpu.memory_space<vmem>>, %arg2: memref<5000x128xf32, #tpu.memory_space<vmem>>, %arg3: memref<512x128xf32, #tpu.memory_space<vmem>>, %arg4: memref<512x1xf32, #tpu.memory_space<vmem>>, %arg5: memref<2x512x128xf32, #tpu.memory_space<vmem>>) attributes {dimension_semantics = [#tpu.dimension_semantics<arbitrary>], iteration_bounds = array<i64: 20>, scalar_prefetch = 0 : i64, scratch_operands = 0 : i64, tpu.core_type = #tpu.core_type<tc>, window_params = [{transform_indices = @transform_0, window_bounds = array<i64: 5000, 512>}, {pipeline_mode = #tpu.pipeline_mode<synchronous>, transform_indices = @transform_1, window_bounds = array<i64: 5000, 128>}, {transform_indices = @transform_2, window_bounds = array<i64: 512, 128>}, {transform_indices = @transform_3, window_bounds = array<i64: 512, 1>}, {transform_indices = @transform_4, window_bounds = array<i64: 2, 512, 128>}]} {
    %get3A = arith.constant 0 : index
    %get3A_0 = arith.constant 0 : index
    %get3A_1 = vector.load %arg4[%get3A, %get3A_0] : memref<512x1xf32, #tpu.memory_space<vmem>>, vector<512x1xf32>
    %add3A = arith.constant 1.000000e+00 : f32
    %add3A_2 = vector.broadcast %add3A : f32 to vector<512x1xf32>
    %add3A_3 = arith.addf %get3A_1, %add3A_2 : vector<512x1xf32>
    %rsqrt3A = math.rsqrt %add3A_3 : vector<512x1xf32>
    %get3A_4 = arith.constant 0 : index
    %get3A_5 = arith.constant 0 : index
    %get3A_6 = vector.load %arg1[%get3A_4, %get3A_5] : memref<5000x512xf32, #tpu.memory_space<vmem>>, vector<5000x512xf32>
    %get3A_7 = arith.constant 0 : index
    %get3A_8 = arith.constant 0 : index
    %get3A_9 = vector.load %arg2[%get3A_7, %get3A_8] : memref<5000x128xf32, #tpu.memory_space<vmem>>, vector<5000x128xf32>
    %dot_general3A = arith.constant dense<0.000000e+00> : vector<512x128xf32>
    %dot_general3A_10 = tpu.matmul %get3A_6, %get3A_9, %dot_general3A {dimension_numbers = #tpu.dot_dimension_numbers<[0], [0], [1], [1], [0, 1, 1, 1], [], []>, transpose_lhs_hint = false} : vector<5000x512xf32>, vector<5000x128xf32>, vector<512x128xf32> -> vector<512x128xf32>
    %get3A_11 = arith.constant 0 : index
    %get3A_12 = arith.constant 0 : index
    %get3A_13 = vector.load %arg3[%get3A_11, %get3A_12] : memref<512x128xf32, #tpu.memory_space<vmem>>, vector<512x128xf32>
    %mul3A = vector.broadcast %rsqrt3A : vector<512x1xf32> to vector<512x128xf32>
    %mul3A_14 = arith.mulf %get3A_13, %mul3A : vector<512x128xf32>
    %swap3A = arith.constant 0 : index
    %swap3A_15 = arith.constant 0 : index
    %swap3A_16 = arith.constant 0 : index
    %swap3A_17 = vector.load %arg5[%swap3A, %swap3A_15, %swap3A_16] : memref<2x512x128xf32, #tpu.memory_space<vmem>>, vector<1x512x128xf32>
    %swap3A_18 = vector.shape_cast %swap3A_17 : vector<1x512x128xf32> to vector<512x128xf32>
    %swap3A_19 = vector.shape_cast %mul3A_14 : vector<512x128xf32> to vector<1x512x128xf32>
    tpu.vector_store %arg5[%swap3A, %swap3A_15, %swap3A_16], %swap3A_19 {strides = array<i32>} : memref<2x512x128xf32, #tpu.memory_space<vmem>>, vector<1x512x128xf32>,
    %mul3A_20 = vector.broadcast %rsqrt3A : vector<512x1xf32> to vector<512x128xf32>
    %mul3A_21 = arith.mulf %dot_general3A_10, %mul3A_20 : vector<512x128xf32>
    %swap3A_22 = arith.constant 1 : index
    %swap3A_23 = arith.constant 0 : index
    %swap3A_24 = arith.constant 0 : index
    %swap3A_25 = vector.load %arg5[%swap3A_22, %swap3A_23, %swap3A_24] : memref<2x512x128xf32, #tpu.memory_space<vmem>>, vector<1x512x128xf32>
    %swap3A_26 = vector.shape_cast %swap3A_25 : vector<1x512x128xf32> to vector<512x128xf32>
    %swap3A_27 = vector.shape_cast %mul3A_21 : vector<512x128xf32> to vector<1x512x128xf32>
    tpu.vector_store %arg5[%swap3A_22, %swap3A_23, %swap3A_24], %swap3A_27 {strides = array<i32>} : memref<2x512x128xf32, #tpu.memory_space<vmem>>, vector<1x512x128xf32>,
    return
  }
  func.func @transform_0(%arg0: i32) -> (i32, i32) {
    %c0_i32 = arith.constant 0 : i32
    %c0_i32_0 = arith.constant 0 : i32
    return %c0_i32, %arg0 : i32, i32
  }
  func.func @transform_1(%arg0: i32) -> (i32, i32) {
    %c0_i32 = arith.constant 0 : i32
    %c0_i32_0 = arith.constant 0 : i32
    %c0_i32_1 = arith.constant 0 : i32
    return %c0_i32, %c0_i32_0 : i32, i32
  }
  func.func @transform_2(%arg0: i32) -> (i32, i32) {
    %c0_i32 = arith.constant 0 : i32
    %c0_i32_0 = arith.constant 0 : i32
    return %arg0, %c0_i32 : i32, i32
  }
  func.func @transform_3(%arg0: i32) -> (i32, i32) {
    %c0_i32 = arith.constant 0 : i32
    %c0_i32_0 = arith.constant 0 : i32
    return %arg0, %c0_i32 : i32, i32
  }
  func.func @transform_4(%arg0: i32) -> (i32, i32, i32) {
    %c0_i32 = arith.constant 0 : i32
    %c0_i32_0 = arith.constant 0 : i32
    %c0_i32_1 = arith.constant 0 : i32
    return %c0_i32, %arg0, %c0_i32_0 : i32, i32, i32
  }
}

module attributes {stable_mosaic.version = 14 : i64} {
  func.func @_fin_body(%arg0: i32, %arg1: memref<2x400x128xf32, #tpu.memory_space<vmem>>, %arg2: memref<2x400x128xf32, #tpu.memory_space<vmem>>, %arg3: memref<400x1xf32, #tpu.memory_space<vmem>>, %arg4: memref<128x128xf32, #tpu.memory_space<vmem>>, %arg5: memref<128x128xf32, #tpu.memory_space<vmem>>, %arg6: memref<1x128xf32, #tpu.memory_space<vmem>>, %arg7: memref<1x128xf32, #tpu.memory_space<vmem>>, %arg8: memref<1x128xf32, #tpu.memory_space<vmem>>, %arg9: memref<1x128xf32, #tpu.memory_space<vmem>>, %arg10: memref<1x128xf32, #tpu.memory_space<vmem>>, %arg11: memref<1x128xf32, #tpu.memory_space<vmem>>, %arg12: memref<400x128xf32, #tpu.memory_space<vmem>>) attributes {dimension_semantics = [#tpu.dimension_semantics<arbitrary>], iteration_bounds = array<i64: 25>, scalar_prefetch = 0 : i64, scratch_operands = 0 : i64, tpu.core_type = #tpu.core_type<tc>, window_params = [{transform_indices = @transform_0, window_bounds = array<i64: 2, 400, 128>}, {transform_indices = @transform_1, window_bounds = array<i64: 2, 400, 128>}, {transform_indices = @transform_2, window_bounds = array<i64: 400, 1>}, {pipeline_mode = #tpu.pipeline_mode<synchronous>, transform_indices = @transform_3, window_bounds = array<i64: 128, 128>}, {pipeline_mode = #tpu.pipeline_mode<synchronous>, transform_indices = @transform_4, window_bounds = array<i64: 128, 128>}, {pipeline_mode = #tpu.pipeline_mode<synchronous>, transform_indices = @transform_5, window_bounds = array<i64: 1, 128>}, {pipeline_mode = #tpu.pipeline_mode<synchronous>, transform_indices = @transform_6, window_bounds = array<i64: 1, 128>}, {pipeline_mode = #tpu.pipeline_mode<synchronous>, transform_indices = @transform_7, window_bounds = array<i64: 1, 128>}, {pipeline_mode = #tpu.pipeline_mode<synchronous>, transform_indices = @transform_8, window_bounds = array<i64: 1, 128>}, {pipeline_mode = #tpu.pipeline_mode<synchronous>, transform_indices = @transform_9, window_bounds = array<i64: 1, 128>}, {pipeline_mode = #tpu.pipeline_mode<synchronous>, transform_indices = @transform_10, window_bounds = array<i64: 1, 128>}, {transform_indices = @transform_11, window_bounds = array<i64: 400, 128>}]} {
    %get3A = arith.constant 0 : index
    %get3A_0 = arith.constant 0 : index
    %get3A_1 = vector.load %arg3[%get3A, %get3A_0] : memref<400x1xf32, #tpu.memory_space<vmem>>, vector<400x1xf32>
    %add3A = arith.constant 1.000000e+00 : f32
    %add3A_2 = vector.broadcast %add3A : f32 to vector<400x1xf32>
    %add3A_3 = arith.addf %get3A_1, %add3A_2 : vector<400x1xf32>
    %rsqrt3A = math.rsqrt %add3A_3 : vector<400x1xf32>
    %get3A_4 = arith.constant 0 : index
    %get3A_5 = arith.constant 0 : index
    %get3A_6 = arith.constant 0 : index
    %get3A_7 = vector.load %arg1[%get3A_4, %get3A_5, %get3A_6] : memref<2x400x128xf32, #tpu.memory_space<vmem>>, vector<1x400x128xf32>
    %get3A_8 = vector.shape_cast %get3A_7 : vector<1x400x128xf32> to vector<400x128xf32>
    %get3A_9 = arith.constant 0 : index
    %get3A_10 = arith.constant 0 : index
    %get3A_11 = arith.constant 0 : index
    %get3A_12 = vector.load %arg2[%get3A_9, %get3A_10, %get3A_11] : memref<2x400x128xf32, #tpu.memory_space<vmem>>, vector<1x400x128xf32>
    %get3A_13 = vector.shape_cast %get3A_12 : vector<1x400x128xf32> to vector<400x128xf32>
    %add3A_14 = arith.addf %get3A_8, %get3A_13 : vector<400x128xf32>
    %mul3A = vector.broadcast %rsqrt3A : vector<400x1xf32> to vector<400x128xf32>
    %mul3A_15 = arith.mulf %add3A_14, %mul3A : vector<400x128xf32>
    %get3A_16 = arith.constant 1 : index
    %get3A_17 = arith.constant 0 : index
    %get3A_18 = arith.constant 0 : index
    %get3A_19 = vector.load %arg1[%get3A_16, %get3A_17, %get3A_18] : memref<2x400x128xf32, #tpu.memory_space<vmem>>, vector<1x400x128xf32>
    %get3A_20 = vector.shape_cast %get3A_19 : vector<1x400x128xf32> to vector<400x128xf32>
    %get3A_21 = arith.constant 1 : index
    %get3A_22 = arith.constant 0 : index
    %get3A_23 = arith.constant 0 : index
    %get3A_24 = vector.load %arg2[%get3A_21, %get3A_22, %get3A_23] : memref<2x400x128xf32, #tpu.memory_space<vmem>>, vector<1x400x128xf32>
    %get3A_25 = vector.shape_cast %get3A_24 : vector<1x400x128xf32> to vector<400x128xf32>
    %add3A_26 = arith.addf %get3A_20, %get3A_25 : vector<400x128xf32>
    %mul3A_27 = vector.broadcast %rsqrt3A : vector<400x1xf32> to vector<400x128xf32>
    %mul3A_28 = arith.mulf %add3A_26, %mul3A_27 : vector<400x128xf32>
    %get3A_29 = arith.constant 0 : index
    %get3A_30 = arith.constant 0 : index
    %get3A_31 = vector.load %arg4[%get3A_29, %get3A_30] : memref<128x128xf32, #tpu.memory_space<vmem>>, vector<128x128xf32>
    %get3A_32 = arith.constant 0 : index
    %get3A_33 = arith.constant 0 : index
    %get3A_34 = vector.load %arg6[%get3A_32, %get3A_33] : memref<1x128xf32, #tpu.memory_space<vmem>>, vector<1x128xf32>
    %mul3A_35 = vector.broadcast %get3A_34 : vector<1x128xf32> to vector<128x128xf32>
    %mul3A_36 = arith.mulf %get3A_31, %mul3A_35 : vector<128x128xf32>
    %get3A_37 = arith.constant 0 : index
    %get3A_38 = arith.constant 0 : index
    %get3A_39 = vector.load %arg5[%get3A_37, %get3A_38] : memref<128x128xf32, #tpu.memory_space<vmem>>, vector<128x128xf32>
    %get3A_40 = arith.constant 0 : index
    %get3A_41 = arith.constant 0 : index
    %get3A_42 = vector.load %arg7[%get3A_40, %get3A_41] : memref<1x128xf32, #tpu.memory_space<vmem>>, vector<1x128xf32>
    %mul3A_43 = vector.broadcast %get3A_42 : vector<1x128xf32> to vector<128x128xf32>
    %mul3A_44 = arith.mulf %get3A_39, %mul3A_43 : vector<128x128xf32>
    %dot_general3A = arith.constant dense<0.000000e+00> : vector<400x128xf32>
    %dot_general3A_45 = tpu.matmul %mul3A_15, %mul3A_36, %dot_general3A {dimension_numbers = #tpu.dot_dimension_numbers<[1], [0], [0], [1], [0, 0, 1, 1], [], []>, transpose_lhs_hint = false} : vector<400x128xf32>, vector<128x128xf32>, vector<400x128xf32> -> vector<400x128xf32>
    %dot_general3A_46 = arith.constant dense<0.000000e+00> : vector<400x128xf32>
    %dot_general3A_47 = tpu.matmul %mul3A_28, %mul3A_44, %dot_general3A_46 {dimension_numbers = #tpu.dot_dimension_numbers<[1], [0], [0], [1], [0, 0, 1, 1], [], []>, transpose_lhs_hint = false} : vector<400x128xf32>, vector<128x128xf32>, vector<400x128xf32> -> vector<400x128xf32>
    %add3A_48 = arith.addf %dot_general3A_45, %dot_general3A_47 : vector<400x128xf32>
    %get3A_49 = arith.constant 0 : index
    %get3A_50 = arith.constant 0 : index
    %get3A_51 = vector.load %arg8[%get3A_49, %get3A_50] : memref<1x128xf32, #tpu.memory_space<vmem>>, vector<1x128xf32>
    %get3A_52 = arith.constant 0 : index
    %get3A_53 = arith.constant 0 : index
    %get3A_54 = vector.load %arg6[%get3A_52, %get3A_53] : memref<1x128xf32, #tpu.memory_space<vmem>>, vector<1x128xf32>
    %mul3A_55 = arith.mulf %get3A_51, %get3A_54 : vector<1x128xf32>
    %add3A_56 = vector.broadcast %mul3A_55 : vector<1x128xf32> to vector<400x128xf32>
    %add3A_57 = arith.addf %add3A_48, %add3A_56 : vector<400x128xf32>
    %get3A_58 = arith.constant 0 : index
    %get3A_59 = arith.constant 0 : index
    %get3A_60 = vector.load %arg9[%get3A_58, %get3A_59] : memref<1x128xf32, #tpu.memory_space<vmem>>, vector<1x128xf32>
    %get3A_61 = arith.constant 0 : index
    %get3A_62 = arith.constant 0 : index
    %get3A_63 = vector.load %arg7[%get3A_61, %get3A_62] : memref<1x128xf32, #tpu.memory_space<vmem>>, vector<1x128xf32>
    %mul3A_64 = arith.mulf %get3A_60, %get3A_63 : vector<1x128xf32>
    %add3A_65 = vector.broadcast %mul3A_64 : vector<1x128xf32> to vector<400x128xf32>
    %add3A_66 = arith.addf %add3A_57, %add3A_65 : vector<400x128xf32>
    %reduce_sum3A = arith.constant dense<0.000000e+00> : vector<400xf32>
    %reduce_sum3A_67 = vector.multi_reduction <add>, %add3A_66, %reduce_sum3A [1] : vector<400x128xf32> to vector<400xf32>
    %broadcast_in_dim3A = vector.shape_cast %reduce_sum3A_67 : vector<400xf32> to vector<400x1xf32>
    %div3A = arith.constant 1.280000e+02 : f32
    %div3A_68 = vector.broadcast %div3A : f32 to vector<400x1xf32>
    %div3A_69 = arith.divf %broadcast_in_dim3A, %div3A_68 : vector<400x1xf32>
    %sub3A = vector.broadcast %div3A_69 : vector<400x1xf32> to vector<400x128xf32>
    %sub3A_70 = arith.subf %add3A_66, %sub3A : vector<400x128xf32>
    %mul3A_71 = arith.mulf %sub3A_70, %sub3A_70 : vector<400x128xf32>
    %reduce_sum3A_72 = arith.constant dense<0.000000e+00> : vector<400xf32>
    %reduce_sum3A_73 = vector.multi_reduction <add>, %mul3A_71, %reduce_sum3A_72 [1] : vector<400x128xf32> to vector<400xf32>
    %broadcast_in_dim3A_74 = vector.shape_cast %reduce_sum3A_73 : vector<400xf32> to vector<400x1xf32>
    %div3A_75 = arith.constant 1.280000e+02 : f32
    %div3A_76 = vector.broadcast %div3A_75 : f32 to vector<400x1xf32>
    %div3A_77 = arith.divf %broadcast_in_dim3A_74, %div3A_76 : vector<400x1xf32>
    %add3A_78 = arith.constant 9.99999974E-6 : f32
    %add3A_79 = vector.broadcast %add3A_78 : f32 to vector<400x1xf32>
    %add3A_80 = arith.addf %div3A_77, %add3A_79 : vector<400x1xf32>
    %rsqrt3A_81 = math.rsqrt %add3A_80 : vector<400x1xf32>
    %mul3A_82 = vector.broadcast %rsqrt3A_81 : vector<400x1xf32> to vector<400x128xf32>
    %mul3A_83 = arith.mulf %sub3A_70, %mul3A_82 : vector<400x128xf32>
    %get3A_84 = arith.constant 0 : index
    %get3A_85 = arith.constant 0 : index
    %get3A_86 = vector.load %arg10[%get3A_84, %get3A_85] : memref<1x128xf32, #tpu.memory_space<vmem>>, vector<1x128xf32>
    %mul3A_87 = vector.broadcast %get3A_86 : vector<1x128xf32> to vector<400x128xf32>
    %mul3A_88 = arith.mulf %mul3A_83, %mul3A_87 : vector<400x128xf32>
    %get3A_89 = arith.constant 0 : index
    %get3A_90 = arith.constant 0 : index
    %get3A_91 = vector.load %arg11[%get3A_89, %get3A_90] : memref<1x128xf32, #tpu.memory_space<vmem>>, vector<1x128xf32>
    %add3A_92 = vector.broadcast %get3A_91 : vector<1x128xf32> to vector<400x128xf32>
    %add3A_93 = arith.addf %mul3A_88, %add3A_92 : vector<400x128xf32>
    %max3A = arith.constant 0.000000e+00 : f32
    %max3A_94 = vector.broadcast %max3A : f32 to vector<400x128xf32>
    %max3A_95 = arith.maximumf %add3A_93, %max3A_94 : vector<400x128xf32>
    %swap3A = arith.constant 0 : index
    %swap3A_96 = arith.constant 0 : index
    %swap3A_97 = vector.load %arg12[%swap3A, %swap3A_96] : memref<400x128xf32, #tpu.memory_space<vmem>>, vector<400x128xf32>
    tpu.vector_store %arg12[%swap3A, %swap3A_96], %max3A_95 {strides = array<i32>} : memref<400x128xf32, #tpu.memory_space<vmem>>, vector<400x128xf32>,
    return
  }
  func.func @transform_0(%arg0: i32) -> (i32, i32, i32) {
    %c0_i32 = arith.constant 0 : i32
    %c0_i32_0 = arith.constant 0 : i32
    %c0_i32_1 = arith.constant 0 : i32
    return %c0_i32, %arg0, %c0_i32_0 : i32, i32, i32
  }
  func.func @transform_1(%arg0: i32) -> (i32, i32, i32) {
    %c0_i32 = arith.constant 0 : i32
    %c0_i32_0 = arith.constant 0 : i32
    %c0_i32_1 = arith.constant 0 : i32
    return %c0_i32, %arg0, %c0_i32_0 : i32, i32, i32
  }
  func.func @transform_2(%arg0: i32) -> (i32, i32) {
    %c0_i32 = arith.constant 0 : i32
    %c0_i32_0 = arith.constant 0 : i32
    return %arg0, %c0_i32 : i32, i32
  }
  func.func @transform_3(%arg0: i32) -> (i32, i32) {
    %c0_i32 = arith.constant 0 : i32
    %c0_i32_0 = arith.constant 0 : i32
    %c0_i32_1 = arith.constant 0 : i32
    return %c0_i32, %c0_i32_0 : i32, i32
  }
  func.func @transform_4(%arg0: i32) -> (i32, i32) {
    %c0_i32 = arith.constant 0 : i32
    %c0_i32_0 = arith.constant 0 : i32
    %c0_i32_1 = arith.constant 0 : i32
    return %c0_i32, %c0_i32_0 : i32, i32
  }
  func.func @transform_5(%arg0: i32) -> (i32, i32) {
    %c0_i32 = arith.constant 0 : i32
    %c0_i32_0 = arith.constant 0 : i32
    %c0_i32_1 = arith.constant 0 : i32
    return %c0_i32, %c0_i32_0 : i32, i32
  }
  func.func @transform_6(%arg0: i32) -> (i32, i32) {
    %c0_i32 = arith.constant 0 : i32
    %c0_i32_0 = arith.constant 0 : i32
    %c0_i32_1 = arith.constant 0 : i32
    return %c0_i32, %c0_i32_0 : i32, i32
  }
  func.func @transform_7(%arg0: i32) -> (i32, i32) {
    %c0_i32 = arith.constant 0 : i32
    %c0_i32_0 = arith.constant 0 : i32
    %c0_i32_1 = arith.constant 0 : i32
    return %c0_i32, %c0_i32_0 : i32, i32
  }
  func.func @transform_8(%arg0: i32) -> (i32, i32) {
    %c0_i32 = arith.constant 0 : i32
    %c0_i32_0 = arith.constant 0 : i32
    %c0_i32_1 = arith.constant 0 : i32
    return %c0_i32, %c0_i32_0 : i32, i32
  }
  func.func @transform_9(%arg0: i32) -> (i32, i32) {
    %c0_i32 = arith.constant 0 : i32
    %c0_i32_0 = arith.constant 0 : i32
    %c0_i32_1 = arith.constant 0 : i32
    return %c0_i32, %c0_i32_0 : i32, i32
  }
  func.func @transform_10(%arg0: i32) -> (i32, i32) {
    %c0_i32 = arith.constant 0 : i32
    %c0_i32_0 = arith.constant 0 : i32
    %c0_i32_1 = arith.constant 0 : i32
    return %c0_i32, %c0_i32_0 : i32, i32
  }
  func.func @transform_11(%arg0: i32) -> (i32, i32) {
    %c0_i32 = arith.constant 0 : i32
    %c0_i32_0 = arith.constant 0 : i32
    return %arg0, %c0_i32 : i32, i32
  }
}

</mosaic_0001>

<sc_bundles>
// kernel: kernel.6.cloned.1.call-start
scs
__scs_entry_jumppad:
0x0: {  	(pc) =	sbr.rel $0x88, $3  }
0x1: {  	(tag) =	ssettag $0x0;
	lr =	simm.s32 $0x1  }
0x2: {  	[smem:$0x3F95] =	sst lr;
	_ =	strace $0xD0000000  }
0x3: {  	_ = 	snop  }
0x4: {  	_ = 	snop  }
0x5: {  	_ = 	snop  }
0x6: {  	_ = 	snop  }
0x7: {  	_ = 	snop  }
__scs_overlays_trampoline_lowered:
0x8: {  	[smem:$0x3FA4] =	sst s0  }
0x9: {  	[smem:$0x3FA5] =	sst s1  }
0xa: {  	[smem:$0x3FA6] =	sst s2  }
0xb: {  	[smem:$0x3FA7] =	sst s3  }
0xc: {  	[smem:$0x3FA8] =	sst s4  }
0xd: {  	[smem:$0x3FA9] =	sst s5  }
0xe: {  	[smem:$0x3FAA] =	sst s6  }
0xf: {  	[smem:$0x3FAB] =	sst s7  }
0x10: {  	[smem:$0x3FAC] =	sst s8  }
0x11: {  	[smem:$0x3FAD] =	sst s9;
	s0 =	simm.s32 @!p0 $0x0  }
0x12: {  	s1 =	sld [smem:$0x3F93];
	s0 =	simm.s32 @p0 $0x1  }
0x13: {  	[smem:$0x3FAE] =	sst s0;
	s0 =	simm.s32 @!p1 $0x0  }
0x14: {  	s2 =	sld [smem:$0x3F92];
	s0 =	simm.s32 @p1 $0x1  }
0x15: {  	[smem:$0x3FAF] =	sst s0;
	s0 =	simm.s32 @!p2 $0x0  }
0x16: {  	s3 =	sld [smem:$0x3FDB];
	s0 =	simm.s32 @p2 $0x1  }
0x17: {  	s4 =	simm.s32 $0x1BF5;
	[smem:$0x3FB1] =	sst s0  }
0x18: {  	s0 =	sld [smem:$0x3F94];
	_ =	swait.ge [sflag:s4], $0x0  }
0x19: {  	s7 =	sld [smem:$0x3F95]  }
0x1a: {  	s8 =	sadd.s32 $0xFFFFE003, lr  }
0x1b: {  	s9 =	sadd.s32 $0xFFFFFEF7, lr;
	s5 =	simm.s32 $0xFFFFFFFF;
	p2 =	slt.u32 s8, $0xFFFFF086  }
0x1c: {  	p1 =	slt.u32 s9, $0xF7A;
	s5 =	simm.s32 @!p2 $0x0  }
0x1d: {  	s5 =	simm.s32 @p1 $0x1;
	p0 =	seq.s32 s7, s2  }
0x1e: {  	s7 =	smul.u32 @!p0 $0xF7A, s2;
	p2 =	seq.s32 @!p0 s5, $0x0  }
0x1f: {  	s9 =	smul.u32 $0xF7A, s1;
	s8 =	simm.s32 @!p0 $0x1BF5;
	p2 =	por !p2, p0  }
0x20: {  	[sflag:s8] =	ssyncset.s32 @!p0 $0xFFFFF086;
	s6 =	sadd.s32 @!p0 s3, s7;
	s7 =	simm.s32 @!p0 $0x108  }
0x21: {  	s3 =	sadd.s32 s3, s9;
	s6 =	sadd.s32 @!p0 $0x88, s6;
	s7 =	simm.s32 @p2 $0x1082  }
0x22: {  	[simem:s7], [sflag:s8] =	dma.local @!p0 [hbm:s6], $0xF7A  }
0x23: {  	s9 =	sor.u32 $0xD0000000, s2;
	s6 =	simm.s32 $0x108;
	_ =	swait.ge @!p0 [sflag:s8], $0x0  }
0x24: {  	s3 =	sadd.s32 $0x88, s3;
	s6 =	simm.s32 @!p1 $0x1082;
	[sflag:s4] =	ssyncset.s32 $0xFFFFF086  }
0x25: {  	[simem:s6], [sflag:s4] =	dma.local [hbm:s3], $0xF7A  }
0x26: {  	[smem:$0x3F95] =	sst s1;
	(tag) =	ssettag s2;
	_ =	strace s9  }
0x27: {  	s1 =	sld [smem:$0x3FA5]  }
0x28: {  	s2 =	sld [smem:$0x3FA6]  }
0x29: {  	s4 =	sld [smem:$0x3FA8]  }
0x2a: {  	p0 =	seq.s32 s5, $0x0;
	s5 =	sld [smem:$0x3FA9]  }
0x2b: {  	s6 =	sld [smem:$0x3FAA]  }
0x2c: {  	s7 =	sld [smem:$0x3FAB]  }
0x2d: {  	s3 =	simm.s32 $0x108;
	s8 =	sld [smem:$0x3FAC]  }
0x2e: {  	s3 =	simm.s32 @!p0 $0x1082;
	s9 =	sld [smem:$0x3FAD]  }
0x2f: {  	lr =	sadd.s32 s0, s3;
	s0 =	sld [smem:$0x3FA4]  }
0x30: {  	s3 =	sld [smem:$0x3FA7]  }
0x31: {  	[smem:$0x3FB0] =	sst s10  }
0x32: {  	s10 =	sld [smem:$0x3FAE];
	_ =	sdelay $0x3  }
0x33: {  	p0 =	seq.s32 s10, $0x1;
	s10 =	sld [smem:$0x3FB0];
	_ =	sdelay $0x3  }
0x34: {  	[smem:$0x3FB0] =	sst s10  }
0x35: {  	s10 =	sld [smem:$0x3FAF];
	_ =	sdelay $0x3  }
0x36: {  	p1 =	seq.s32 s10, $0x1;
	s10 =	sld [smem:$0x3FB0];
	_ =	sdelay $0x3  }
0x37: {  	[smem:$0x3FB0] =	sst s10  }
0x38: {  	s10 =	sld [smem:$0x3FB1]  }
0x39: {  	_ = 	snop;
	(pc) =	sbr.ind lr, $3  }
0x3a: {  	_ = 	snop  }
0x3b: {  	_ = 	snop  }
0x3c: {  	p2 =	seq.s32 s10, $0x1;
	s10 =	sld [smem:$0x3FB0]  }
0x3d: {  	_ =	shalt  }
0x3e: {  	_ =	shalt  }
0x3f: {  	_ =	shalt  }
0x40: {  	_ =	shalt  }
0x41: {  	_ =	shalt  }
0x42: {  	_ =	shalt  }
0x43: {  	_ =	shalt  }
0x44: {  	_ =	shalt  }
0x45: {  	_ =	shalt  }
0x46: {  	_ =	shalt  }
0x47: {  	_ =	shalt  }
0x48: {  	_ =	shalt  }
0x49: {  	_ =	shalt  }
0x4a: {  	_ =	shalt  }
0x4b: {  	_ =	shalt  }
0x4c: {  	_ =	shalt  }
0x4d: {  	_ =	shalt  }
0x4e: {  	_ =	shalt  }
0x4f: {  	_ =	shalt  }
0x50: {  	_ =	shalt  }
0x51: {  	_ =	shalt  }
0x52: {  	_ =	shalt  }
0x53: {  	_ =	shalt  }
0x54: {  	_ =	shalt  }
0x55: {  	_ =	shalt  }
0x56: {  	_ =	shalt  }
0x57: {  	_ =	shalt  }
0x58: {  	_ =	shalt  }
0x59: {  	_ =	shalt  }
0x5a: {  	_ =	shalt  }
0x5b: {  	_ =	shalt  }
0x5c: {  	_ =	shalt  }
0x5d: {  	_ =	shalt  }
0x5e: {  	_ =	shalt  }
0x5f: {  	_ =	shalt  }
0x60: {  	_ =	shalt  }
0x61: {  	_ =	shalt  }
0x62: {  	_ =	shalt  }
0x63: {  	_ =	shalt  }
0x64: {  	_ =	shalt  }
0x65: {  	_ =	shalt  }
0x66: {  	_ =	shalt  }
0x67: {  	_ =	shalt  }
0x68: {  	_ =	shalt  }
0x69: {  	_ =	shalt  }
0x6a: {  	_ =	shalt  }
0x6b: {  	_ =	shalt  }
0x6c: {  	_ =	shalt  }
0x6d: {  	_ =	shalt  }
0x6e: {  	_ =	shalt  }
0x6f: {  	_ =	shalt  }
0x70: {  	_ =	shalt  }
0x71: {  	_ =	shalt  }
0x72: {  	_ =	shalt  }
0x73: {  	_ =	shalt  }
0x74: {  	_ =	shalt  }
0x75: {  	_ =	shalt  }
0x76: {  	_ =	shalt  }
0x77: {  	_ =	shalt  }
0x78: {  	_ =	shalt  }
0x79: {  	_ =	shalt  }
0x7a: {  	_ =	shalt  }
0x7b: {  	_ =	shalt  }
0x7c: {  	_ =	shalt  }
0x7d: {  	_ =	shalt  }
0x7e: {  	_ =	shalt  }
0x7f: {  	_ =	shalt  }
0x80: {  	_ =	shalt  }
0x81: {  	_ =	shalt  }
0x82: {  	_ =	shalt  }
0x83: {  	_ =	shalt  }
0x84: {  	_ =	shalt  }
0x85: {  	_ =	shalt  }
0x86: {  	_ =	shalt  }
0x87: {  	_ =	shalt  }
.Lfunc_end0:
.L_simem_size_0:
called_computation_lowered:
.L_overlay_start_0:
0x88: {  	s2 =	sld [smem:$0x3FD9]  }
0x89: {  	s3 =	sld [smem:$0x3FFE];
	_ =	sdelay $0x1  }
0x8a: {  	s1 =	srdreg.scid  }
0x8b: {  	s0 =	sand.u32 $0x1, s1  }
0x8c: {  	s17 =	sshll.u32 s0, $0xA;
	s2 =	sadd.s32 s3, s2  }
0x8d: {  	s2 =	sadd.s32 s2, s17  }
0x8e: {  	[smem:$0x3FBC] =	sst s2  }
0x8f: {  	_ = 	snop  }
0x90: {  	s2 =	sld [smem:$0x3FD0];
	(tm) =	ssettm $0x1  }
0x91: {  	s18 =	sld [smem:$0x3FFB];
	_ =	sdelay $0x3  }
0x92: {  	_ =	strace s18  }
0x93: {  	s3 =	sld [smem:$0x3FFC];
	_ =	sdelay $0x3  }
0x94: {  	_ =	strace s3  }
0x95: {  	s3 =	sld [smem:$0x3FFD];
	_ =	sdelay $0x3  }
0x96: {  	_ =	strace s3  }
0x97: {  	_ =	strace $0x8FFFFFFF  }
0x98: {  	s19 =	sld [smem:$0x3FDB];
	_ =	sdelay $0x1  }
0x99: {  	s4 =	simm.s32 $_scs_section_size  }
0x9a: {  	s5 =	simm.s32 $_size__tile_overlayer_lowered;
	s6 =	simm.s32 $_tile_overlayer_lowered  }
0x9b: {  	s22 =	simm.s32 $0x1BFF;
	s21 =	sshll.u32 s6, $0x1;
	s3 =	sadd.s32 s4, s19  }
0x9c: {  	s7 =	simm.s32 $0x0;
	s20 =	sshll.u32 s5, $0x1;
	s5 =	sadd.s32 s21, s3  }
0x9d: {  	[timem:s7], [sflag:s22] =	dma.local [hbm:s5], s20  }
0x9e: {  	_ =	swait.ge [sflag:s22], s20  }
0x9f: {  	s4 =	ssub.s32 $0x0, s20;
	[sflag:s22] =	ssyncset.done $0x0  }
0xa0: {  	[sflag:s22] =	ssyncadd.s32 s4;
	_ =	sdelay $0x1  }
0xa1: {  	s23 =	simm.s32 $0x1B8B  }
0xa2: {  	_ =	swait.ge [sflag:s23], $0x1  }
0xa3: {  	[sflag:s23] =	ssyncset.done $0x0  }
0xa4: {  	s25 =	simm.s32 $0x1B8E;
	s24 =	sld [smem:$0x3FFE];
	[sflag:s23] =	ssyncadd.s32 $0xFFFFFFFF  }
0xa5: {  	s26 =	simm.s32 $execute0_lowered;
	[smem:$0x3FD2] =	sst s25  }
0xa6: {  	s5 =	sshll.u32 s26, $0x1;
	_ =	strace $0x80000046;
	[dreg:$0x1] =	wrdreg $0xFFFFFFFF  }
0xa7: {  	s28 =	simm.s32 $_size_execute0_lowered;
	s3 =	sadd.s32 s3, s5;
	[dreg:$0x0] =	wrdreg $0x0  }
0xa8: {  	s5 =	sshll.u32 s28, $0x1;
	[dreg:$0x2] =	wrdreg s3  }
0xa9: {  	[dreg:$0x3] =	wrdreg s5  }
0xaa: {  	[dreg:$0x4] =	wrdreg $0xC0  }
0xab: {  	_ =	task [dreg:s7], $0x5FFFF  }
0xac: {  	[dreg:$0x1] =	wrdreg $0xFFFFFFFF  }
0xad: {  	[dreg:$0x0] =	wrdreg $0x60  }
0xae: {  	[dreg:$0x2] =	wrdreg s2  }
0xaf: {  	[dreg:$0x3] =	wrdreg s24  }
0xb0: {  	[dreg:$0x4] =	wrdreg $0x53000  }
0xb1: {  	[dreg:$0x5] =	wrdreg $0x9  }
0xb2: {  	_ =	task.clear_ibuf [dreg:s7], $0x6FFFF;
	_ =	strace $0x90000046  }
0xb3: {  	s29 =	simm.s32 $0x9;
	_ =	strace $0x80000048  }
0xb4: {  	_ =	swait.ge [sflag:s29], $0x1  }
0xb5: {  	[sflag:s29] =	ssyncadd.s32 $0xFFFFFFFF  }
0xb6: {  	_ =	strace $0x90000048  }
0xb7: {  	_ =	sfence  }
0xb8: {  	s30 =	sld [smem:$0x0];
	_ =	sdelay $0x2  }
0xb9: {  	s31 =	sshll.u32 s1, $0xD;
	s1 =	sshrl.u32 s1, $0x2  }
0xba: {  	s3 =	sand.u32 $0x4000, s31;
	s1 =	sadd.s32 s1, s30  }
0xbb: {  	s0 =	sor.u32 s3, s0;
	s1 =	sshll.u32 s1, $0x11  }
0xbc: {  	s0 =	sor.u32 s1, s0  }
0xbd: {  	s0 =	sadd.s32 $0x8F2B, s0  }
0xbe: {  	[sflag:s0] =	ssyncadd.remote.s32 $0x1  }
0xbf: {  	_ =	sfence.sel $0xFFFF  }
0xc0: {  	[dreg:$0x0] =	wrdreg $0xFFFFFFFF;
	(pc) =	sbr.abs _section_cstart, $3  }
0xc1: {  	[dreg:$0x1] =	wrdreg $0xFFFFFFFF  }
0xc2: {  	_ =	task.clear_ibuf [dreg:s7], $0x2FFFF;
	_ =	strace $0x9FFFFFFF  }
0xc3: {  	(tm) =	ssettm $0x7FFFFFFF  }
tec
execute0_lowered:
.L_overlay_start_1:
0x0: {  	(tag) =	ssettag $0x1  }
0x1: {  	s7 =	rddreg [dreg:$0x0]  }
0x2: {  	s8 =	rddreg [dreg:$0x1]  }
0x3: {  	s0 =	srdreg.scid;
	s2 =	rddreg [dreg:$0x2];
	s3 =	simm.s32 $0x0  }
0x4: {  	s12 =	simm.s32 $0x5080;
	s13 =	simm.s32 $0x80;
	s6 =	sand.u32 $0x1, s0  }
0x5: {  	s14 =	simm.s32 $0x1;
	s0 =	stileid.u32;
	s1 =	sshll.u32 s6, $0x4  }
0x6: {  	s15 =	simm.s32 $0x400;
	s16 =	simm.s32 $0x0;
	s9 =	sor.u32 s0, s1  }
0x7: {  	[smem:$0x7FF] =	sst s3;
	s30 =	smul.u32 $0xA00, s0;
	s4 =	sshrl.u32 s9, $0x3  }
0x8: {  	s5 =	sshll.u32 s0, $0x7;
	s6 =	ssub.s32 $0x2, s6;
	s10 =	smul.u32 $0x1400, s4  }
0x9: {  	s1 =	rddreg [dreg:$0x3];
	_ =	strace $0x80000047;
	s11 =	sand.u32 $0x380, s5  }
0xa: {  	s5 =	sadd.s32 $0x2400, s8;
	s9 =	smul.u32 $0xA00, s9;
	s10 =	sor.u32 s11, s10  }
0xb: {  	s31 =	sshrl.u32 s6, $0x1;
	s4 =	sadd.s32 $0x2600, s8;
	s10 =	sshrl.u32 s10, $0x3  }
0xc: {  	s7 =	sadd.s32 s7, s9;
	s11 =	sshrl.u32 s30, $0x2;
	s8 =	sadd.s32 s10, s8  }
0xd: {  	s10 =	ssub.s32 s6, s31;
	s6 =	sadd.s32 s11, s2;
	s11 =	simm.s32 $0x2  }
0xe: {  	s8 =	sadd.s32 $0x2800, s8;
	s9 =	smax.u32 s10, $0x1;
	s10 =	simm.s32 $0x5000  }
.LBB2_1:
0xf: {  	[tilespmem:s10], [sflag:$0x2] =	stream.linear.gather [hbm4b:s4+s3], $0x80, $0x38;
	[tilespmem:$0x5580] =	vst v63  }
0x10: {  	_ =	swait.ge [sflag:s11], $0x80  }
0x11: {  	[sflag:s11] =	ssyncset.done $0x0  }
0x12: {  	[sflag:s11] =	ssyncadd.s32 $0xFFFFFF80  }
0x13: {  	[tilespmem:s12], [sflag:$0x2] =	stream.linear.gather [hbm4b:s5+s3], $0x280, $0x38;
	[tilespmem:$0x5580] =	vst v63  }
0x14: {  	_ =	swait.ge [sflag:s11], $0x280  }
0x15: {  	[sflag:s11] =	ssyncset.done $0x0  }
0x16: {  	[sflag:s11] =	ssyncadd.s32 $0xFFFFFD80  }
0x17: {  	[spmem:s6] =	stream.linear.scatter [tilespmem:s12], [sflag:$0x2], $0x280, $0x38;
	[tilespmem:$0x5580] =	vst v63  }
0x18: {  	_ =	swait.ge [sflag:s11], $0x280  }
0x19: {  	[sflag:s11] =	ssyncset.done $0x0  }
0x1a: {  	[sflag:s11] =	ssyncadd.s32 $0xFFFFFD80  }
0x1b: {  	[bflag:$0x0] =	sbarrier.arrive $0xFFFF  }
0x1c: {  	[tilespmem:s3], [sflag:$0x2] =	stream.linear.gather [hbm4b:s7+s3], $0x5000, $0x38;
	[tilespmem:$0x5580] =	vst v63  }
0x1d: {  	_ =	swait.ge [sflag:s11], $0x5000  }
0x1e: {  	[sflag:s11] =	ssyncset.done $0x0  }
0x1f: {  	s17 =	simm.s32 $0x0;
	[sflag:s11] =	ssyncadd.s32 $0xFFFFB000  }
0x20: {  	[spmem:s2] =	stream.indirect.scatter.add.f32 [tilespmem:s10], [sflag:$0x1], $0x1, s17, s13, $0xb8;
	[tilespmem:$0x5580] =	vst v63  }
0x21: {  	s24 =	simm.s32 $0x80  }
0x22: {  	[spmem:s2] =	stream.indirect.scatter.add.f32 [tilespmem:s10], [sflag:$0x1], $0x1, s24, s13, $0xb8;
	[tilespmem:$0x5580] =	vst v63  }
0x23: {  	s25 =	simm.s32 $0x100  }
0x24: {  	[spmem:s2] =	stream.indirect.scatter.add.f32 [tilespmem:s10], [sflag:$0x1], $0x1, s25, s13, $0xb8;
	[tilespmem:$0x5580] =	vst v63  }
0x25: {  	s26 =	simm.s32 $0x180  }
0x26: {  	[spmem:s2] =	stream.indirect.scatter.add.f32 [tilespmem:s10], [sflag:$0x1], $0x1, s26, s13, $0xb8;
	[tilespmem:$0x5580] =	vst v63  }
0x27: {  	s28 =	simm.s32 $0x200  }
0x28: {  	[spmem:s2] =	stream.indirect.scatter.add.f32 [tilespmem:s10], [sflag:$0x1], $0x1, s28, s13, $0xb8;
	[tilespmem:$0x5580] =	vst v63  }
0x29: {  	s29 =	simm.s32 $0x280  }
0x2a: {  	[spmem:s2] =	stream.indirect.scatter.add.f32 [tilespmem:s10], [sflag:$0x1], $0x1, s29, s13, $0xb8;
	[tilespmem:$0x5580] =	vst v63  }
0x2b: {  	s30 =	simm.s32 $0x300  }
0x2c: {  	[spmem:s2] =	stream.indirect.scatter.add.f32 [tilespmem:s10], [sflag:$0x1], $0x1, s30, s13, $0xb8;
	[tilespmem:$0x5580] =	vst v63  }
0x2d: {  	s31 =	simm.s32 $0x380  }
0x2e: {  	[spmem:s2] =	stream.indirect.scatter.add.f32 [tilespmem:s10], [sflag:$0x1], $0x1, s31, s13, $0xb8;
	[tilespmem:$0x5580] =	vst v63  }
0x2f: {  	_ =	swait.ge [sflag:s14], $0x80  }
0x30: {  	[sflag:s14] =	ssyncset.done $0x0  }
0x31: {  	[sflag:s14] =	ssyncadd.s32 $0xFFFFFF80  }
0x32: {  	_ =	swait.ge [sflag:s14], $0x80  }
0x33: {  	[sflag:s14] =	ssyncset.done $0x0  }
0x34: {  	[sflag:s14] =	ssyncadd.s32 $0xFFFFFF80  }
0x35: {  	_ =	swait.ge [sflag:s14], $0x80  }
0x36: {  	[sflag:s14] =	ssyncset.done $0x0  }
0x37: {  	[sflag:s14] =	ssyncadd.s32 $0xFFFFFF80  }
0x38: {  	_ =	swait.ge [sflag:s14], $0x80  }
0x39: {  	[sflag:s14] =	ssyncset.done $0x0  }
0x3a: {  	[sflag:s14] =	ssyncadd.s32 $0xFFFFFF80  }
0x3b: {  	_ =	swait.ge [sflag:s14], $0x80  }
0x3c: {  	[sflag:s14] =	ssyncset.done $0x0  }
0x3d: {  	[sflag:s14] =	ssyncadd.s32 $0xFFFFFF80  }
0x3e: {  	_ =	swait.ge [sflag:s14], $0x80  }
0x3f: {  	[sflag:s14] =	ssyncset.done $0x0  }
0x40: {  	[sflag:s14] =	ssyncadd.s32 $0xFFFFFF80  }
0x41: {  	_ =	swait.ge [sflag:s14], $0x80  }
0x42: {  	[sflag:s14] =	ssyncset.done $0x0  }
0x43: {  	[sflag:s14] =	ssyncadd.s32 $0xFFFFFF80  }
0x44: {  	_ =	swait.ge [sflag:s14], $0x80  }
0x45: {  	s19 =	simm.s32 $0x2000;
	s17 =	simm.s32 $0x1000;
	[sflag:s14] =	ssyncset.done $0x0  }
.LBB2_2:
0x46: {  	s20 =	sshra.s32 s17, $0x2  }
0x47: {  	[sflag:s14] =	ssyncadd.s32 $0xFFFFFF80;
	s17 =	smov.u32 s19;
	s18 =	sadd.s32 $0x1000, s19  }
0x48: {  	[spmem:s2] =	stream.indirect.scatter.add.f32 [tilespmem:s10], [sflag:$0x1], $0x1, s20, s13, $0xb8;
	[tilespmem:$0x5580] =	vst v63  }
0x49: {  	p0 =	sne.s32 s19, $0x13000;
	s19 =	sadd.s32 $0x80, s20  }
0x4a: {  	[spmem:s2] =	stream.indirect.scatter.add.f32 [tilespmem:s10], [sflag:$0x1], $0x1, s19, s13, $0xb8;
	[tilespmem:$0x5580] =	vst v63  }
0x4b: {  	s19 =	sadd.s32 $0x100, s20  }
0x4c: {  	[spmem:s2] =	stream.indirect.scatter.add.f32 [tilespmem:s10], [sflag:$0x1], $0x1, s19, s13, $0xb8;
	[tilespmem:$0x5580] =	vst v63  }
0x4d: {  	s19 =	sadd.s32 $0x180, s20  }
0x4e: {  	[spmem:s2] =	stream.indirect.scatter.add.f32 [tilespmem:s10], [sflag:$0x1], $0x1, s19, s13, $0xb8;
	[tilespmem:$0x5580] =	vst v63  }
0x4f: {  	s19 =	sadd.s32 $0x200, s20  }
0x50: {  	[spmem:s2] =	stream.indirect.scatter.add.f32 [tilespmem:s10], [sflag:$0x1], $0x1, s19, s13, $0xb8;
	[tilespmem:$0x5580] =	vst v63  }
0x51: {  	s19 =	sadd.s32 $0x280, s20  }
0x52: {  	[spmem:s2] =	stream.indirect.scatter.add.f32 [tilespmem:s10], [sflag:$0x1], $0x1, s19, s13, $0xb8;
	[tilespmem:$0x5580] =	vst v63  }
0x53: {  	s19 =	sadd.s32 $0x300, s20  }
0x54: {  	[spmem:s2] =	stream.indirect.scatter.add.f32 [tilespmem:s10], [sflag:$0x1], $0x1, s19, s13, $0xb8;
	[tilespmem:$0x5580] =	vst v63  }
0x55: {  	s19 =	sadd.s32 $0x380, s20  }
0x56: {  	[spmem:s2] =	stream.indirect.scatter.add.f32 [tilespmem:s10], [sflag:$0x1], $0x1, s19, s13, $0xb8;
	[tilespmem:$0x5580] =	vst v63  }
0x57: {  	_ =	swait.ge [sflag:s14], $0x80  }
0x58: {  	[sflag:s14] =	ssyncset.done $0x0  }
0x59: {  	[sflag:s14] =	ssyncadd.s32 $0xFFFFFF80  }
0x5a: {  	_ =	swait.ge [sflag:s14], $0x80  }
0x5b: {  	[sflag:s14] =	ssyncset.done $0x0  }
0x5c: {  	[sflag:s14] =	ssyncadd.s32 $0xFFFFFF80  }
0x5d: {  	_ =	swait.ge [sflag:s14], $0x80  }
0x5e: {  	[sflag:s14] =	ssyncset.done $0x0  }
0x5f: {  	[sflag:s14] =	ssyncadd.s32 $0xFFFFFF80  }
0x60: {  	_ =	swait.ge [sflag:s14], $0x80  }
0x61: {  	[sflag:s14] =	ssyncset.done $0x0  }
0x62: {  	[sflag:s14] =	ssyncadd.s32 $0xFFFFFF80  }
0x63: {  	_ =	swait.ge [sflag:s14], $0x80  }
0x64: {  	[sflag:s14] =	ssyncset.done $0x0  }
0x65: {  	[sflag:s14] =	ssyncadd.s32 $0xFFFFFF80  }
0x66: {  	_ =	swait.ge [sflag:s14], $0x80  }
0x67: {  	[sflag:s14] =	ssyncset.done $0x0  }
0x68: {  	[sflag:s14] =	ssyncadd.s32 $0xFFFFFF80  }
.Ltmp0:
0x69: {  	_ =	swait.ge [sflag:s14], $0x80;
	(pc) =	sbr.rel @p0 .LBB2_2-.Ltmp0, $4  }
0x6a: {  	[sflag:s14] =	ssyncset.done $0x0  }
0x6b: {  	[sflag:s14] =	ssyncadd.s32 $0xFFFFFF80  }
0x6c: {  	_ =	swait.ge [sflag:s14], $0x80  }
0x6d: {  	s19 =	smov.u32 s18;
	[sflag:s14] =	ssyncset.done $0x0  }
0x6e: {  	s17 =	sshra.s32 s17, $0x2;
	[sflag:s14] =	ssyncadd.s32 $0xFFFFFF80  }
0x6f: {  	[spmem:s2] =	stream.indirect.scatter.add.f32 [tilespmem:s10], [sflag:$0x1], $0x1, s17, s13, $0xb8;
	[tilespmem:$0x5580] =	vst v63  }
0x70: {  	s18 =	sadd.s32 $0x80, s17  }
0x71: {  	[spmem:s2] =	stream.indirect.scatter.add.f32 [tilespmem:s10], [sflag:$0x1], $0x1, s18, s13, $0xb8;
	[tilespmem:$0x5580] =	vst v63  }
0x72: {  	s26 =	sadd.s32 $0x100, s17  }
0x73: {  	[spmem:s2] =	stream.indirect.scatter.add.f32 [tilespmem:s10], [sflag:$0x1], $0x1, s26, s13, $0xb8;
	[tilespmem:$0x5580] =	vst v63  }
0x74: {  	s28 =	sadd.s32 $0x180, s17  }
0x75: {  	[spmem:s2] =	stream.indirect.scatter.add.f32 [tilespmem:s10], [sflag:$0x1], $0x1, s28, s13, $0xb8;
	[tilespmem:$0x5580] =	vst v63  }
0x76: {  	s29 =	sadd.s32 $0x200, s17  }
0x77: {  	[spmem:s2] =	stream.indirect.scatter.add.f32 [tilespmem:s10], [sflag:$0x1], $0x1, s29, s13, $0xb8;
	[tilespmem:$0x5580] =	vst v63  }
0x78: {  	s30 =	sadd.s32 $0x280, s17  }
0x79: {  	[spmem:s2] =	stream.indirect.scatter.add.f32 [tilespmem:s10], [sflag:$0x1], $0x1, s30, s13, $0xb8;
	[tilespmem:$0x5580] =	vst v63  }
0x7a: {  	s31 =	sadd.s32 $0x300, s17  }
0x7b: {  	[spmem:s2] =	stream.indirect.scatter.add.f32 [tilespmem:s10], [sflag:$0x1], $0x1, s31, s13, $0xb8;
	[tilespmem:$0x5580] =	vst v63  }
0x7c: {  	s17 =	sadd.s32 $0x380, s17  }
0x7d: {  	[spmem:s2] =	stream.indirect.scatter.add.f32 [tilespmem:s10], [sflag:$0x1], $0x1, s17, s13, $0xb8;
	[tilespmem:$0x5580] =	vst v63  }
0x7e: {  	_ =	swait.ge [sflag:s14], $0x80  }
0x7f: {  	[sflag:s14] =	ssyncset.done $0x0  }
0x80: {  	[sflag:s14] =	ssyncadd.s32 $0xFFFFFF80  }
0x81: {  	_ =	swait.ge [sflag:s14], $0x80  }
0x82: {  	[sflag:s14] =	ssyncset.done $0x0  }
0x83: {  	[sflag:s14] =	ssyncadd.s32 $0xFFFFFF80  }
0x84: {  	_ =	swait.ge [sflag:s14], $0x80  }
0x85: {  	[sflag:s14] =	ssyncset.done $0x0  }
0x86: {  	[sflag:s14] =	ssyncadd.s32 $0xFFFFFF80  }
0x87: {  	_ =	swait.ge [sflag:s14], $0x80  }
0x88: {  	[sflag:s14] =	ssyncset.done $0x0  }
0x89: {  	[sflag:s14] =	ssyncadd.s32 $0xFFFFFF80  }
0x8a: {  	_ =	swait.ge [sflag:s14], $0x80  }
0x8b: {  	[sflag:s14] =	ssyncset.done $0x0  }
0x8c: {  	[sflag:s14] =	ssyncadd.s32 $0xFFFFFF80  }
0x8d: {  	_ =	swait.ge [sflag:s14], $0x80  }
0x8e: {  	[sflag:s14] =	ssyncset.done $0x0  }
0x8f: {  	[sflag:s14] =	ssyncadd.s32 $0xFFFFFF80  }
0x90: {  	_ =	swait.ge [sflag:s14], $0x80  }
0x91: {  	[sflag:s14] =	ssyncset.done $0x0  }
0x92: {  	[sflag:s14] =	ssyncadd.s32 $0xFFFFFF80  }
0x93: {  	_ =	swait.ge [sflag:s14], $0x80  }
0x94: {  	[sflag:s14] =	ssyncset.done $0x0  }
0x95: {  	[sflag:s14] =	ssyncadd.s32 $0xFFFFFF80  }
0x96: {  	[bflag:$0x0] =	sbarrier.arrive $0xFFFF  }
0x97: {  	[tilespmem:s12], [sflag:$0x2] =	stream.linear.gather [spmem:s6], $0x280, $0x38;
	[tilespmem:$0x5580] =	vst v63  }
0x98: {  	s16 =	sadd.s32 $0x1, s16;
	_ =	swait.ge [sflag:s11], $0x280  }
0x99: {  	p0 =	sne.s32 s16, s9;
	[sflag:s11] =	ssyncset.done $0x0  }
.Ltmp1:
0x9a: {  	[sflag:s11] =	ssyncadd.s32 $0xFFFFFD80;
	(pc) =	sbr.rel @p0 .LBB2_1-.Ltmp1, $4  }
0x9b: {  	[hbm4b:s8+s13] =	stream.strided.scatter [tilespmem:s12], [sflag:$0x2], $0x280, s15, s13, $0x38;
	[tilespmem:$0x5580] =	vst v63  }
0x9c: {  	_ =	swait.ge [sflag:s11], $0x280  }
0x9d: {  	[sflag:s11] =	ssyncset.done $0x0  }
0x9e: {  	[sflag:s11] =	ssyncadd.s32 $0xFFFFFD80  }
0x9f: {  	_ =	sfence.sel $0x180000  }
0xa0: {  	[bflag:$0x0] =	sbarrier.arrive $0xFFFF  }
0xa1: {  	p0 =	sne.s32 s0, $0x0;
	_ =	strace $0x90000047  }
0xa2: {  	s0 =	sadd.s32 @!p0 $0x100000, s1;
	[bflag:$0x2] =	sbarrier.arrive $0xFFFF  }
0xa3: {  	[sflag:s0] =	ssyncadd.tile.s32 @!p0 $0x1;
	_ =	shalt  }
.Lfunc_end2:
_tile_overlayer_lowered:
.L_overlay_start_2:
0xa4: {  	(tag) =	ssettag $0x2  }
0xa5: {  	s0 =	rddreg [dreg:$0x0];
	s2 =	stileid.u32  }
0xa6: {  	s1 =	rddreg [dreg:$0x1];
	p0 =	sne.s32 s2, $0x0  }
0xa7: {  	s3 =	rddreg [dreg:$0x2];
	[bflag:$0x3] =	sbarrier.arrive $0xFFFF;
	s2 =	simm.s32 @!p0 $0x1C02  }
0xa8: {  	[timem:s3], [sflag:s2] =	dma.local @!p0 [hbm:s0], s1  }
0xa9: {  	s0 =	simm.s32 @!p0 $0x2  }
0xaa: {  	_ =	swait.ge @!p0 [sflag:s0], s1  }
0xab: {  	s1 =	ssub.s32 @!p0 $0x0, s1;
	[sflag:s0] =	ssyncset.done @!p0 $0x0  }
0xac: {  	[sflag:s0] =	ssyncadd.s32 @!p0 s1  }
0xad: {  	[bflag:$0x3] =	sbarrier.arrive $0xFFFF  }
0xae: {  	_ =	shalt  }

// kernel: kernel.9.cloned.1.call-start
scs
__scs_entry_jumppad:
0x0: {  	(pc) =	sbr.rel $0x88, $3  }
0x1: {  	(tag) =	ssettag $0x0;
	lr =	simm.s32 $0x1  }
0x2: {  	[smem:$0x3F95] =	sst lr;
	_ =	strace $0xD0000000  }
0x3: {  	_ = 	snop  }
0x4: {  	_ = 	snop  }
0x5: {  	_ = 	snop  }
0x6: {  	_ = 	snop  }
0x7: {  	_ = 	snop  }
__scs_overlays_trampoline_lowered:
0x8: {  	[smem:$0x3FA4] =	sst s0  }
0x9: {  	[smem:$0x3FA5] =	sst s1  }
0xa: {  	[smem:$0x3FA6] =	sst s2  }
0xb: {  	[smem:$0x3FA7] =	sst s3  }
0xc: {  	[smem:$0x3FA8] =	sst s4  }
0xd: {  	[smem:$0x3FA9] =	sst s5  }
0xe: {  	[smem:$0x3FAA] =	sst s6  }
0xf: {  	[smem:$0x3FAB] =	sst s7  }
0x10: {  	[smem:$0x3FAC] =	sst s8  }
0x11: {  	[smem:$0x3FAD] =	sst s9;
	s0 =	simm.s32 @!p0 $0x0  }
0x12: {  	s1 =	sld [smem:$0x3F93];
	s0 =	simm.s32 @p0 $0x1  }
0x13: {  	[smem:$0x3FAE] =	sst s0;
	s0 =	simm.s32 @!p1 $0x0  }
0x14: {  	s2 =	sld [smem:$0x3F92];
	s0 =	simm.s32 @p1 $0x1  }
0x15: {  	[smem:$0x3FAF] =	sst s0;
	s0 =	simm.s32 @!p2 $0x0  }
0x16: {  	s3 =	sld [smem:$0x3FDB];
	s0 =	simm.s32 @p2 $0x1  }
0x17: {  	s4 =	simm.s32 $0x1BF5;
	[smem:$0x3FB1] =	sst s0  }
0x18: {  	s0 =	sld [smem:$0x3F94];
	_ =	swait.ge [sflag:s4], $0x0  }
0x19: {  	s7 =	sld [smem:$0x3F95]  }
0x1a: {  	s8 =	sadd.s32 $0xFFFFE003, lr  }
0x1b: {  	s9 =	sadd.s32 $0xFFFFFEF7, lr;
	s5 =	simm.s32 $0xFFFFFFFF;
	p2 =	slt.u32 s8, $0xFFFFF086  }
0x1c: {  	p1 =	slt.u32 s9, $0xF7A;
	s5 =	simm.s32 @!p2 $0x0  }
0x1d: {  	s5 =	simm.s32 @p1 $0x1;
	p0 =	seq.s32 s7, s2  }
0x1e: {  	s7 =	smul.u32 @!p0 $0xF7A, s2;
	p2 =	seq.s32 @!p0 s5, $0x0  }
0x1f: {  	s9 =	smul.u32 $0xF7A, s1;
	s8 =	simm.s32 @!p0 $0x1BF5;
	p2 =	por !p2, p0  }
0x20: {  	[sflag:s8] =	ssyncset.s32 @!p0 $0xFFFFF086;
	s6 =	sadd.s32 @!p0 s3, s7;
	s7 =	simm.s32 @!p0 $0x108  }
0x21: {  	s3 =	sadd.s32 s3, s9;
	s6 =	sadd.s32 @!p0 $0x88, s6;
	s7 =	simm.s32 @p2 $0x1082  }
0x22: {  	[simem:s7], [sflag:s8] =	dma.local @!p0 [hbm:s6], $0xF7A  }
0x23: {  	s9 =	sor.u32 $0xD0000000, s2;
	s6 =	simm.s32 $0x108;
	_ =	swait.ge @!p0 [sflag:s8], $0x0  }
0x24: {  	s3 =	sadd.s32 $0x88, s3;
	s6 =	simm.s32 @!p1 $0x1082;
	[sflag:s4] =	ssyncset.s32 $0xFFFFF086  }
0x25: {  	[simem:s6], [sflag:s4] =	dma.local [hbm:s3], $0xF7A  }
0x26: {  	[smem:$0x3F95] =	sst s1;
	(tag) =	ssettag s2;
	_ =	strace s9  }
0x27: {  	s1 =	sld [smem:$0x3FA5]  }
0x28: {  	s2 =	sld [smem:$0x3FA6]  }
0x29: {  	s4 =	sld [smem:$0x3FA8]  }
0x2a: {  	p0 =	seq.s32 s5, $0x0;
	s5 =	sld [smem:$0x3FA9]  }
0x2b: {  	s6 =	sld [smem:$0x3FAA]  }
0x2c: {  	s7 =	sld [smem:$0x3FAB]  }
0x2d: {  	s3 =	simm.s32 $0x108;
	s8 =	sld [smem:$0x3FAC]  }
0x2e: {  	s3 =	simm.s32 @!p0 $0x1082;
	s9 =	sld [smem:$0x3FAD]  }
0x2f: {  	lr =	sadd.s32 s0, s3;
	s0 =	sld [smem:$0x3FA4]  }
0x30: {  	s3 =	sld [smem:$0x3FA7]  }
0x31: {  	[smem:$0x3FB0] =	sst s10  }
0x32: {  	s10 =	sld [smem:$0x3FAE];
	_ =	sdelay $0x3  }
0x33: {  	p0 =	seq.s32 s10, $0x1;
	s10 =	sld [smem:$0x3FB0];
	_ =	sdelay $0x3  }
0x34: {  	[smem:$0x3FB0] =	sst s10  }
0x35: {  	s10 =	sld [smem:$0x3FAF];
	_ =	sdelay $0x3  }
0x36: {  	p1 =	seq.s32 s10, $0x1;
	s10 =	sld [smem:$0x3FB0];
	_ =	sdelay $0x3  }
0x37: {  	[smem:$0x3FB0] =	sst s10  }
0x38: {  	s10 =	sld [smem:$0x3FB1]  }
0x39: {  	_ = 	snop;
	(pc) =	sbr.ind lr, $3  }
0x3a: {  	_ = 	snop  }
0x3b: {  	_ = 	snop  }
0x3c: {  	p2 =	seq.s32 s10, $0x1;
	s10 =	sld [smem:$0x3FB0]  }
0x3d: {  	_ =	shalt  }
0x3e: {  	_ =	shalt  }
0x3f: {  	_ =	shalt  }
0x40: {  	_ =	shalt  }
0x41: {  	_ =	shalt  }
0x42: {  	_ =	shalt  }
0x43: {  	_ =	shalt  }
0x44: {  	_ =	shalt  }
0x45: {  	_ =	shalt  }
0x46: {  	_ =	shalt  }
0x47: {  	_ =	shalt  }
0x48: {  	_ =	shalt  }
0x49: {  	_ =	shalt  }
0x4a: {  	_ =	shalt  }
0x4b: {  	_ =	shalt  }
0x4c: {  	_ =	shalt  }
0x4d: {  	_ =	shalt  }
0x4e: {  	_ =	shalt  }
0x4f: {  	_ =	shalt  }
0x50: {  	_ =	shalt  }
0x51: {  	_ =	shalt  }
0x52: {  	_ =	shalt  }
0x53: {  	_ =	shalt  }
0x54: {  	_ =	shalt  }
0x55: {  	_ =	shalt  }
0x56: {  	_ =	shalt  }
0x57: {  	_ =	shalt  }
0x58: {  	_ =	shalt  }
0x59: {  	_ =	shalt  }
0x5a: {  	_ =	shalt  }
0x5b: {  	_ =	shalt  }
0x5c: {  	_ =	shalt  }
0x5d: {  	_ =	shalt  }
0x5e: {  	_ =	shalt  }
0x5f: {  	_ =	shalt  }
0x60: {  	_ =	shalt  }
0x61: {  	_ =	shalt  }
0x62: {  	_ =	shalt  }
0x63: {  	_ =	shalt  }
0x64: {  	_ =	shalt  }
0x65: {  	_ =	shalt  }
0x66: {  	_ =	shalt  }
0x67: {  	_ =	shalt  }
0x68: {  	_ =	shalt  }
0x69: {  	_ =	shalt  }
0x6a: {  	_ =	shalt  }
0x6b: {  	_ =	shalt  }
0x6c: {  	_ =	shalt  }
0x6d: {  	_ =	shalt  }
0x6e: {  	_ =	shalt  }
0x6f: {  	_ =	shalt  }
0x70: {  	_ =	shalt  }
0x71: {  	_ =	shalt  }
0x72: {  	_ =	shalt  }
0x73: {  	_ =	shalt  }
0x74: {  	_ =	shalt  }
0x75: {  	_ =	shalt  }
0x76: {  	_ =	shalt  }
0x77: {  	_ =	shalt  }
0x78: {  	_ =	shalt  }
0x79: {  	_ =	shalt  }
0x7a: {  	_ =	shalt  }
0x7b: {  	_ =	shalt  }
0x7c: {  	_ =	shalt  }
0x7d: {  	_ =	shalt  }
0x7e: {  	_ =	shalt  }
0x7f: {  	_ =	shalt  }
0x80: {  	_ =	shalt  }
0x81: {  	_ =	shalt  }
0x82: {  	_ =	shalt  }
0x83: {  	_ =	shalt  }
0x84: {  	_ =	shalt  }
0x85: {  	_ =	shalt  }
0x86: {  	_ =	shalt  }
0x87: {  	_ =	shalt  }
.Lfunc_end0:
.L_simem_size_0:
called_computation.1_lowered:
.L_overlay_start_0:
0x88: {  	s2 =	sld [smem:$0x3FD9]  }
0x89: {  	s3 =	sld [smem:$0x3FFE];
	_ =	sdelay $0x1  }
0x8a: {  	s1 =	srdreg.scid  }
0x8b: {  	s0 =	sand.u32 $0x1, s1  }
0x8c: {  	s17 =	sshll.u32 s0, $0xA;
	s2 =	sadd.s32 s3, s2  }
0x8d: {  	s2 =	sadd.s32 s2, s17  }
0x8e: {  	[smem:$0x3FBC] =	sst s2  }
0x8f: {  	_ = 	snop  }
0x90: {  	s2 =	sld [smem:$0x3FD0];
	(tm) =	ssettm $0x1  }
0x91: {  	s18 =	sld [smem:$0x3FFB];
	_ =	sdelay $0x3  }
0x92: {  	_ =	strace s18  }
0x93: {  	s3 =	sld [smem:$0x3FFC];
	_ =	sdelay $0x3  }
0x94: {  	_ =	strace s3  }
0x95: {  	s3 =	sld [smem:$0x3FFD];
	_ =	sdelay $0x3  }
0x96: {  	_ =	strace s3  }
0x97: {  	_ =	strace $0x8FFFFFFF  }
0x98: {  	s19 =	sld [smem:$0x3FDB];
	_ =	sdelay $0x1  }
0x99: {  	s4 =	simm.s32 $_scs_section_size  }
0x9a: {  	s5 =	simm.s32 $_size__tile_overlayer_lowered;
	s6 =	simm.s32 $_tile_overlayer_lowered  }
0x9b: {  	s22 =	simm.s32 $0x1BFF;
	s21 =	sshll.u32 s6, $0x1;
	s3 =	sadd.s32 s4, s19  }
0x9c: {  	s7 =	simm.s32 $0x0;
	s20 =	sshll.u32 s5, $0x1;
	s5 =	sadd.s32 s21, s3  }
0x9d: {  	[timem:s7], [sflag:s22] =	dma.local [hbm:s5], s20  }
0x9e: {  	_ =	swait.ge [sflag:s22], s20  }
0x9f: {  	s4 =	ssub.s32 $0x0, s20;
	[sflag:s22] =	ssyncset.done $0x0  }
0xa0: {  	[sflag:s22] =	ssyncadd.s32 s4;
	_ =	sdelay $0x1  }
0xa1: {  	s23 =	simm.s32 $0x1B8B  }
0xa2: {  	_ =	swait.ge [sflag:s23], $0x1  }
0xa3: {  	[sflag:s23] =	ssyncset.done $0x0  }
0xa4: {  	s25 =	simm.s32 $0x1B8E;
	s24 =	sld [smem:$0x3FFE];
	[sflag:s23] =	ssyncadd.s32 $0xFFFFFFFF  }
0xa5: {  	s26 =	simm.s32 $execute0_lowered;
	[smem:$0x3FD2] =	sst s25  }
0xa6: {  	s5 =	sshll.u32 s26, $0x1;
	_ =	strace $0x80000049;
	[dreg:$0x1] =	wrdreg $0xFFFFFFFF  }
0xa7: {  	s28 =	simm.s32 $_size_execute0_lowered;
	s3 =	sadd.s32 s3, s5;
	[dreg:$0x0] =	wrdreg $0x0  }
0xa8: {  	s5 =	sshll.u32 s28, $0x1;
	[dreg:$0x2] =	wrdreg s3  }
0xa9: {  	[dreg:$0x3] =	wrdreg s5  }
0xaa: {  	[dreg:$0x4] =	wrdreg $0xC0  }
0xab: {  	_ =	task [dreg:s7], $0x5FFFF  }
0xac: {  	[dreg:$0x1] =	wrdreg $0xFFFFFFFF  }
0xad: {  	[dreg:$0x0] =	wrdreg $0x60  }
0xae: {  	[dreg:$0x2] =	wrdreg s24  }
0xaf: {  	[dreg:$0x3] =	wrdreg s2  }
0xb0: {  	[dreg:$0x4] =	wrdreg $0xB0000  }
0xb1: {  	[dreg:$0x5] =	wrdreg $0x9  }
0xb2: {  	_ =	task.clear_ibuf [dreg:s7], $0x6FFFF;
	_ =	strace $0x90000049  }
0xb3: {  	s29 =	simm.s32 $0x9;
	_ =	strace $0x8000004B  }
0xb4: {  	_ =	swait.ge [sflag:s29], $0x1  }
0xb5: {  	[sflag:s29] =	ssyncadd.s32 $0xFFFFFFFF  }
0xb6: {  	_ =	strace $0x9000004B  }
0xb7: {  	_ =	sfence  }
0xb8: {  	s30 =	sld [smem:$0x0];
	_ =	sdelay $0x2  }
0xb9: {  	s31 =	sshll.u32 s1, $0xD;
	s1 =	sshrl.u32 s1, $0x2  }
0xba: {  	s3 =	sand.u32 $0x4000, s31;
	s1 =	sadd.s32 s1, s30  }
0xbb: {  	s0 =	sor.u32 s3, s0;
	s1 =	sshll.u32 s1, $0x11  }
0xbc: {  	s0 =	sor.u32 s1, s0  }
0xbd: {  	s0 =	sadd.s32 $0x8F2B, s0  }
0xbe: {  	[sflag:s0] =	ssyncadd.remote.s32 $0x1  }
0xbf: {  	_ =	sfence.sel $0xFFFF  }
0xc0: {  	[dreg:$0x0] =	wrdreg $0xFFFFFFFF;
	(pc) =	sbr.abs _section_cstart, $3  }
0xc1: {  	[dreg:$0x1] =	wrdreg $0xFFFFFFFF  }
0xc2: {  	_ =	task.clear_ibuf [dreg:s7], $0x2FFFF;
	_ =	strace $0x9FFFFFFF  }
0xc3: {  	(tm) =	ssettm $0x7FFFFFFF  }
tec
execute0_lowered:
.L_overlay_start_1:
0x0: {  	(tag) =	ssettag $0x1  }
0x1: {  	s0 =	rddreg [dreg:$0x0]  }
0x2: {  	s2 =	rddreg [dreg:$0x2];
	s1 =	srdreg.scid;
	s4 =	simm.s32 $0x0  }
0x3: {  	s9 =	stileid.u32;
	s25 =	simm.s32 $0x300;
	[smem:$0x7FF] =	sst s4  }
0x4: {  	s26 =	simm.s32 $0x180;
	_ =	strace $0x8000004A;
	[dreg:$0x4] =	wrdreg s25  }
0x5: {  	s10 =	simm.s32 $0x400;
	s11 =	simm.s32 $0x280;
	[dreg:$0x5] =	wrdreg s26  }
0x6: {  	s12 =	simm.s32 $0x500;
	s13 =	simm.s32 $0x600;
	[dreg:$0x6] =	wrdreg s10  }
0x7: {  	s15 =	simm.s32 $0x480;
	s17 =	simm.s32 $0x700;
	[dreg:$0x7] =	wrdreg s11  }
0x8: {  	s19 =	simm.s32 $0x580;
	s21 =	simm.s32 $0x680;
	[dreg:$0x8] =	wrdreg s12  }
0x9: {  	s23 =	simm.s32 $0x900;
	s28 =	simm.s32 $0x6000;
	[dreg:$0xa] =	wrdreg s13  }
0xa: {  	s29 =	simm.s32 $0x800;
	s30 =	simm.s32 $0x6;
	[dreg:$0xb] =	wrdreg s15  }
0xb: {  	s31 =	simm.s32 $0x4;
	s1 =	sand.u32 $0x1, s1;
	[dreg:$0xc] =	wrdreg s17  }
0xc: {  	s6 =	smul.u32 $0x14000, s9;
	s5 =	sadd.s32 $0x43200, s0;
	[dreg:$0xd] =	wrdreg s19  }
0xd: {  	s7 =	sadd.s32 $0x3200, s0;
	s3 =	smul.u32 $0x140000, s1;
	[dreg:$0xe] =	wrdreg s21  }
0xe: {  	s24 =	ssub.s32 $0x2, s1;
	s11 =	simm.s32 $0x380;
	[dreg:$0xf] =	wrdreg s23  }
0xf: {  	s1 =	sshll.u32 s1, $0x11;
	s25 =	simm.s32 $0x780;
	[dreg:$0x9] =	wrdreg s11  }
0x10: {  	s12 =	simm.s32 $0x880;
	s13 =	simm.s32 $0xB00;
	[dreg:$0x10] =	wrdreg s25  }
0x11: {  	s17 =	simm.s32 $0x980;
	s19 =	simm.s32 $0xA80;
	[dreg:$0x12] =	wrdreg s12  }
0x12: {  	s21 =	simm.s32 $0xB80;
	[dreg:$0x13] =	wrdreg s13;
	s3 =	sadd.s32 s6, s3  }
0x13: {  	s23 =	simm.s32 $0xC80;
	[dreg:$0x14] =	wrdreg s17;
	s3 =	sshrl.u32 s3, $0x3  }
0x14: {  	s8 =	sshrl.u32 s24, $0x1;
	[dreg:$0x16] =	wrdreg s19;
	s0 =	sadd.s32 s3, s0  }
0x15: {  	s3 =	ssub.s32 s24, s8;
	s8 =	sshll.u32 s9, $0xD;
	s9 =	smul.u32 $0x50000, s9  }
0x16: {  	s11 =	simm.s32 $0xA00;
	s19 =	simm.s32 $0xB;
	[dreg:$0x18] =	wrdreg s21  }
0x17: {  	[dreg:$0x1a] =	wrdreg s23;
	s23 =	simm.s32 $0x8800;
	s9 =	sshrl.u32 s9, $0x2  }
0x18: {  	s25 =	simm.s32 $0xD80;
	[dreg:$0x11] =	wrdreg s11;
	s6 =	sadd.s32 s9, s2  }
0x19: {  	s21 =	simm.s32 $0x8;
	[dreg:$0x1c] =	wrdreg s25;
	s14 =	sadd.s32 $0x2800, s6  }
0x1a: {  	s25 =	simm.s32 $0x5;
	s16 =	sadd.s32 $0x5000, s6;
	[dreg:$0x1e] =	wrdreg s14  }
0x1b: {  	s10 =	sor.u32 s8, s1;
	s18 =	sadd.s32 $0x7800, s6;
	[dreg:$0x1f] =	wrdreg s16  }
0x1c: {  	s15 =	sadd.s32 $0x91400, s0;
	s20 =	sadd.s32 $0xA000, s6;
	[smem:$0x7F9] =	sst s18  }
0x1d: {  	s1 =	sadd.s32 s1, s7;
	s22 =	sadd.s32 $0xC800, s6;
	[smem:$0x7FA] =	sst s20  }
0x1e: {  	s0 =	simm.s32 $0x7;
	s24 =	sadd.s32 $0xF000, s6;
	[smem:$0x7FB] =	sst s22  }
0x1f: {  	s17 =	sadd.s32 s8, s1;
	s26 =	sadd.s32 $0x11800, s6;
	[smem:$0x7FC] =	sst s24  }
0x20: {  	s1 =	simm.s32 $0x1;
	[smem:$0x7FD] =	sst s26;
	s14 =	sadd.s32 s7, s10  }
0x21: {  	s16 =	smax.u32 s3, $0x1;
	s18 =	simm.s32 $0xC00;
	s20 =	simm.s32 $0xD00  }
0x22: {  	s22 =	simm.s32 $0xE00;
	s24 =	simm.s32 $0xF00;
	[dreg:$0x15] =	wrdreg s18  }
0x23: {  	s26 =	simm.s32 $0xF80;
	s3 =	simm.s32 $0xA;
	[dreg:$0x17] =	wrdreg s20  }
0x24: {  	s7 =	simm.s32 $0x0;
	s18 =	simm.s32 $0x1000;
	[dreg:$0x19] =	wrdreg s22  }
0x25: {  	s20 =	simm.s32 $0x50;
	s22 =	simm.s32 $0x3800;
	[dreg:$0x1b] =	wrdreg s24  }
0x26: {  	s24 =	simm.s32 $0x2;
	[dreg:$0x1d] =	wrdreg s26;
	s26 =	simm.s32 $0x3  }
.LBB2_1:
0x27: {  	s8 =	rddreg [dreg:$0x1]  }
0x28: {  	[tilespmem:s18], [sflag:$0xB] =	stream.linear.gather [hbm4b:s8+s4], $0x2800, $0x38;
	[tilespmem:$0x1F000] =	vst v63  }
0x29: {  	_ =	swait.ge [sflag:s19], $0x2800  }
0x2a: {  	[sflag:s19] =	ssyncset.done $0x0  }
0x2b: {  	[sflag:s19] =	ssyncadd.s32 $0xFFFFD800  }
0x2c: {  	[spmem:s6] =	stream.linear.scatter [tilespmem:s18], [sflag:$0xB], $0x2800, $0x38;
	[tilespmem:$0x1F000] =	vst v63  }
0x2d: {  	_ =	swait.ge [sflag:s19], $0x2800  }
0x2e: {  	[sflag:s19] =	ssyncset.done $0x0  }
0x2f: {  	s13 =	rddreg [dreg:$0x1e];
	[sflag:s19] =	ssyncadd.s32 $0xFFFFD800  }
0x30: {  	[spmem:s13] =	stream.linear.scatter [tilespmem:s18], [sflag:$0xB], $0x2800, $0x38;
	[tilespmem:$0x1F000] =	vst v63  }
0x31: {  	_ =	swait.ge [sflag:s19], $0x2800  }
0x32: {  	[sflag:s19] =	ssyncset.done $0x0  }
0x33: {  	s9 =	rddreg [dreg:$0x1f];
	[sflag:s19] =	ssyncadd.s32 $0xFFFFD800  }
0x34: {  	[spmem:s9] =	stream.linear.scatter [tilespmem:s18], [sflag:$0xB], $0x2800, $0x38;
	[tilespmem:$0x1F000] =	vst v63  }
0x35: {  	_ =	swait.ge [sflag:s19], $0x2800  }
0x36: {  	s10 =	sld [smem:$0x7F9]  }
0x37: {  	[sflag:s19] =	ssyncset.done $0x0  }
0x38: {  	[sflag:s19] =	ssyncadd.s32 $0xFFFFD800  }
0x39: {  	[spmem:s10] =	stream.linear.scatter [tilespmem:s18], [sflag:$0xB], $0x2800, $0x38;
	[tilespmem:$0x1F000] =	vst v63  }
0x3a: {  	_ =	swait.ge [sflag:s19], $0x2800  }
0x3b: {  	s11 =	sld [smem:$0x7FA]  }
0x3c: {  	[sflag:s19] =	ssyncset.done $0x0  }
0x3d: {  	[sflag:s19] =	ssyncadd.s32 $0xFFFFD800  }
0x3e: {  	[spmem:s11] =	stream.linear.scatter [tilespmem:s18], [sflag:$0xB], $0x2800, $0x38;
	[tilespmem:$0x1F000] =	vst v63  }
0x3f: {  	_ =	swait.ge [sflag:s19], $0x2800  }
0x40: {  	s12 =	sld [smem:$0x7FB]  }
0x41: {  	[sflag:s19] =	ssyncset.done $0x0  }
0x42: {  	[sflag:s19] =	ssyncadd.s32 $0xFFFFD800  }
0x43: {  	[spmem:s12] =	stream.linear.scatter [tilespmem:s18], [sflag:$0xB], $0x2800, $0x38;
	[tilespmem:$0x1F000] =	vst v63  }
0x44: {  	_ =	swait.ge [sflag:s19], $0x2800  }
0x45: {  	s13 =	sld [smem:$0x7FC]  }
0x46: {  	[sflag:s19] =	ssyncset.done $0x0  }
0x47: {  	[sflag:s19] =	ssyncadd.s32 $0xFFFFD800  }
0x48: {  	[spmem:s13] =	stream.linear.scatter [tilespmem:s18], [sflag:$0xB], $0x2800, $0x38;
	[tilespmem:$0x1F000] =	vst v63  }
0x49: {  	_ =	swait.ge [sflag:s19], $0x2800  }
0x4a: {  	s9 =	sld [smem:$0x7FD]  }
0x4b: {  	[sflag:s19] =	ssyncset.done $0x0  }
0x4c: {  	[sflag:s19] =	ssyncadd.s32 $0xFFFFD800  }
0x4d: {  	[spmem:s9] =	stream.linear.scatter [tilespmem:s18], [sflag:$0xB], $0x2800, $0x38;
	[tilespmem:$0x1F000] =	vst v63  }
0x4e: {  	_ =	swait.ge [sflag:s19], $0x2800  }
0x4f: {  	[sflag:s19] =	ssyncset.done $0x0  }
0x50: {  	[sflag:s19] =	ssyncadd.s32 $0xFFFFD800  }
0x51: {  	[bflag:$0x0] =	sbarrier.arrive $0xFFFF  }
0x52: {  	[tilespmem:s4], [sflag:$0xB] =	stream.linear.gather [hbm4b:s14+s4], $0x800, $0x38;
	[tilespmem:$0x1F000] =	vst v63  }
0x53: {  	_ =	swait.ge [sflag:s19], $0x800  }
0x54: {  	[sflag:s19] =	ssyncset.done $0x0  }
0x55: {  	[sflag:s19] =	ssyncadd.s32 $0xFFFFF800  }
0x56: {  	[tilespmem:s18], [sflag:$0x1] =	stream.indirect.gather [hbm4b:s5+s20], $0x80, s4, s20, $0xb8;
	[tilespmem:$0x1F000] =	vst v63  }
0x57: {  	p0 =	por $0x1, $0x1;
	s10 =	simm.s32 $0x100  }
0x58: {  	[tilespmem:s22], [sflag:$0x2] =	stream.indirect.gather [hbm4b:s5+s20], $0x80, s10, s20, $0xb8;
	[tilespmem:$0x1F000] =	vst v63  }
0x59: {  	s8 =	simm.s32 @p0 $0x50;
	s9 =	simm.s32 @p0 $0x200;
	s10 =	simm.s32 @p0 $0x6000  }
0x5a: {  	[tilespmem:s10], [sflag:$0x3] =	stream.indirect.gather @p0 [hbm4b:s5+s8], $0x80, s9, s8, $0xb8;
	[tilespmem:$0x1F000] =	vst v63  }
0x5b: {  	s9 =	simm.s32 @p0 $0x1  }
0x5c: {  	_ =	swait.ge @p0 [sflag:s9], $0x2800  }
0x5d: {  	s11 =	simm.s32 @p0 $0x1000;
	[sflag:s9] =	ssyncset.done @p0 $0x0  }
0x5e: {  	s10 =	simm.s32 @p0 $0x80;
	[sflag:s9] =	ssyncadd.s32 @p0 $0xFFFFD800;
	s9 =	simm.s32 @!p0 $0x7  }
0x5f: {  	[spmem:s2] =	stream.indirect.scatter.add.f32 @p0 [tilespmem:s11], [sflag:$0x5], $0x80, s10, s8, $0xb8;
	[tilespmem:$0x1F000] =	vst v63  }
0x60: {  	_ =	swait.ge @!p0 [sflag:s9], $0x2800  }
0x61: {  	s8 =	simm.s32 @!p0 $0x6000;
	s10 =	simm.s32 @!p0 $0x50;
	[sflag:s9] =	ssyncset.done @!p0 $0x0  }
0x62: {  	s11 =	simm.s32 @!p0 $0x200;
	[sflag:s9] =	ssyncadd.s32 @!p0 $0xFFFFD800;
	s9 =	simm.s32 @!p0 $0x1  }
0x63: {  	[tilespmem:s8], [sflag:$0x3] =	stream.indirect.gather @!p0 [hbm4b:s5+s10], $0x80, s11, s10, $0xb8;
	[tilespmem:$0x1F000] =	vst v63  }
0x64: {  	_ =	swait.ge @!p0 [sflag:s9], $0x2800  }
0x65: {  	s8 =	simm.s32 @!p0 $0x80;
	[sflag:s9] =	ssyncset.done @!p0 $0x0  }
0x66: {  	s11 =	simm.s32 @!p0 $0x1000;
	[sflag:s9] =	ssyncadd.s32 @!p0 $0xFFFFD800;
	s9 =	simm.s32 @!p0 $0x8  }
0x67: {  	[spmem:s2] =	stream.indirect.scatter.add.f32 @!p0 [tilespmem:s11], [sflag:$0x5], $0x80, s8, s10, $0xb8;
	[tilespmem:$0x1F000] =	vst v63  }
0x68: {  	_ =	swait.ge @!p0 [sflag:s9], $0x2800  }
0x69: {  	[sflag:s9] =	ssyncset.done @!p0 $0x0  }
0x6a: {  	s11 =	rddreg [dreg:$0x4];
	[sflag:s9] =	ssyncadd.s32 @!p0 $0xFFFFD800  }
0x6b: {  	[tilespmem:s23], [sflag:$0x4] =	stream.indirect.gather [hbm4b:s5+s20], $0x80, s11, s20, $0xb8;
	[tilespmem:$0x1F000] =	vst v63  }
0x6c: {  	_ =	swait.ge [sflag:s24], $0x2800  }
0x6d: {  	[sflag:s24] =	ssyncset.done $0x0  }
0x6e: {  	s12 =	rddreg [dreg:$0x5];
	[sflag:s24] =	ssyncadd.s32 $0xFFFFD800  }
0x6f: {  	[spmem:s2] =	stream.indirect.scatter.add.f32 [tilespmem:s22], [sflag:$0x6], $0x80, s12, s20, $0xb8;
	[tilespmem:$0x1F000] =	vst v63  }
0x70: {  	_ =	swait.ge [sflag:s25], $0x2800  }
0x71: {  	[sflag:s25] =	ssyncset.done $0x0  }
0x72: {  	s13 =	rddreg [dreg:$0x6];
	[sflag:s25] =	ssyncadd.s32 $0xFFFFD800  }
0x73: {  	[tilespmem:s18], [sflag:$0x1] =	stream.indirect.gather [hbm4b:s5+s20], $0x80, s13, s20, $0xb8;
	[tilespmem:$0x1F000] =	vst v63  }
0x74: {  	_ =	swait.ge [sflag:s26], $0x2800  }
0x75: {  	[sflag:s26] =	ssyncset.done $0x0  }
0x76: {  	s10 =	sadd.s32 $0x0, s17;
	s9 =	rddreg [dreg:$0x7];
	[sflag:s26] =	ssyncadd.s32 $0xFFFFD800  }
0x77: {  	[spmem:s2] =	stream.indirect.scatter.add.f32 [tilespmem:s28], [sflag:$0x7], $0x80, s9, s20, $0xb8;
	[tilespmem:$0x1F000] =	vst v63  }
0x78: {  	s11 =	sadd.s32 $0x100, s10  }
0x79: {  	[tilespmem:s29], [sflag:$0xA] =	stream.linear.gather [hbm4b:s11+s4], $0x800, $0x38;
	[tilespmem:$0x1F000] =	vst v63  }
0x7a: {  	_ =	swait.ge [sflag:s30], $0x2800  }
0x7b: {  	[sflag:s30] =	ssyncset.done $0x0  }
0x7c: {  	s12 =	rddreg [dreg:$0x8];
	[sflag:s30] =	ssyncadd.s32 $0xFFFFD800  }
0x7d: {  	[tilespmem:s22], [sflag:$0x2] =	stream.indirect.gather [hbm4b:s5+s20], $0x80, s12, s20, $0xb8;
	[tilespmem:$0x1F000] =	vst v63  }
0x7e: {  	_ =	swait.ge [sflag:s31], $0x2800  }
0x7f: {  	[sflag:s31] =	ssyncset.done $0x0  }
0x80: {  	s13 =	rddreg [dreg:$0x9];
	[sflag:s31] =	ssyncadd.s32 $0xFFFFD800  }
0x81: {  	[spmem:s2] =	stream.indirect.scatter.add.f32 [tilespmem:s23], [sflag:$0x8], $0x80, s13, s20, $0xb8;
	[tilespmem:$0x1F000] =	vst v63  }
0x82: {  	_ =	swait.ge [sflag:s0], $0x2800  }
0x83: {  	[sflag:s0] =	ssyncset.done $0x0  }
0x84: {  	s9 =	rddreg [dreg:$0xa];
	[sflag:s0] =	ssyncadd.s32 $0xFFFFD800  }
0x85: {  	[tilespmem:s28], [sflag:$0x3] =	stream.indirect.gather [hbm4b:s5+s20], $0x80, s9, s20, $0xb8;
	[tilespmem:$0x1F000] =	vst v63  }
0x86: {  	_ =	swait.ge [sflag:s1], $0x2800  }
0x87: {  	[sflag:s1] =	ssyncset.done $0x0  }
0x88: {  	s10 =	rddreg [dreg:$0xb];
	[sflag:s1] =	ssyncadd.s32 $0xFFFFD800  }
0x89: {  	[spmem:s2] =	stream.indirect.scatter.add.f32 [tilespmem:s18], [sflag:$0x5], $0x80, s10, s20, $0xb8;
	[tilespmem:$0x1F000] =	vst v63  }
0x8a: {  	_ =	swait.ge [sflag:s21], $0x2800  }
0x8b: {  	[sflag:s21] =	ssyncset.done $0x0  }
0x8c: {  	s11 =	rddreg [dreg:$0xc];
	[sflag:s21] =	ssyncadd.s32 $0xFFFFD800  }
0x8d: {  	[tilespmem:s23], [sflag:$0x4] =	stream.indirect.gather [hbm4b:s5+s20], $0x80, s11, s20, $0xb8;
	[tilespmem:$0x1F000] =	vst v63  }
0x8e: {  	_ =	swait.ge [sflag:s24], $0x2800  }
0x8f: {  	[sflag:s24] =	ssyncset.done $0x0  }
0x90: {  	s12 =	rddreg [dreg:$0xd];
	[sflag:s24] =	ssyncadd.s32 $0xFFFFD800  }
0x91: {  	[spmem:s2] =	stream.indirect.scatter.add.f32 [tilespmem:s22], [sflag:$0x6], $0x80, s12, s20, $0xb8;
	[tilespmem:$0x1F000] =	vst v63  }
0x92: {  	_ =	swait.ge [sflag:s25], $0x2800  }
0x93: {  	[sflag:s25] =	ssyncset.done $0x0  }
0x94: {  	[sflag:s25] =	ssyncadd.s32 $0xFFFFD800  }
0x95: {  	_ =	swait.ge [sflag:s3], $0x800  }
0x96: {  	[sflag:s3] =	ssyncset.done $0x0  }
0x97: {  	[sflag:s3] =	ssyncadd.s32 $0xFFFFF800  }
0x98: {  	[tilespmem:s18], [sflag:$0x1] =	stream.indirect.gather [hbm4b:s5+s20], $0x80, s29, s20, $0xb8;
	[tilespmem:$0x1F000] =	vst v63  }
0x99: {  	_ =	swait.ge [sflag:s26], $0x2800  }
0x9a: {  	[sflag:s26] =	ssyncset.done $0x0  }
0x9b: {  	s13 =	rddreg [dreg:$0xe];
	[sflag:s26] =	ssyncadd.s32 $0xFFFFD800  }
0x9c: {  	[spmem:s2] =	stream.indirect.scatter.add.f32 [tilespmem:s28], [sflag:$0x7], $0x80, s13, s20, $0xb8;
	[tilespmem:$0x1F000] =	vst v63  }
0x9d: {  	_ =	swait.ge [sflag:s30], $0x2800  }
0x9e: {  	[sflag:s30] =	ssyncset.done $0x0  }
0x9f: {  	s9 =	rddreg [dreg:$0xf];
	[sflag:s30] =	ssyncadd.s32 $0xFFFFD800  }
0xa0: {  	[tilespmem:s22], [sflag:$0x2] =	stream.indirect.gather [hbm4b:s5+s20], $0x80, s9, s20, $0xb8;
	[tilespmem:$0x1F000] =	vst v63  }
0xa1: {  	_ =	swait.ge [sflag:s31], $0x2800  }
0xa2: {  	[sflag:s31] =	ssyncset.done $0x0  }
0xa3: {  	s10 =	rddreg [dreg:$0x10];
	[sflag:s31] =	ssyncadd.s32 $0xFFFFD800  }
0xa4: {  	[spmem:s2] =	stream.indirect.scatter.add.f32 [tilespmem:s23], [sflag:$0x8], $0x80, s10, s20, $0xb8;
	[tilespmem:$0x1F000] =	vst v63  }
0xa5: {  	_ =	swait.ge [sflag:s0], $0x2800  }
0xa6: {  	[sflag:s0] =	ssyncset.done $0x0  }
0xa7: {  	s11 =	rddreg [dreg:$0x11];
	[sflag:s0] =	ssyncadd.s32 $0xFFFFD800  }
0xa8: {  	[tilespmem:s28], [sflag:$0x3] =	stream.indirect.gather [hbm4b:s5+s20], $0x80, s11, s20, $0xb8;
	[tilespmem:$0x1F000] =	vst v63  }
0xa9: {  	_ =	swait.ge [sflag:s1], $0x2800  }
0xaa: {  	[sflag:s1] =	ssyncset.done $0x0  }
0xab: {  	s12 =	rddreg [dreg:$0x12];
	[sflag:s1] =	ssyncadd.s32 $0xFFFFD800  }
0xac: {  	[spmem:s2] =	stream.indirect.scatter.add.f32 [tilespmem:s18], [sflag:$0x5], $0x80, s12, s20, $0xb8;
	[tilespmem:$0x1F000] =	vst v63  }
0xad: {  	_ =	swait.ge [sflag:s21], $0x2800  }
0xae: {  	[sflag:s21] =	ssyncset.done $0x0  }
0xaf: {  	s13 =	rddreg [dreg:$0x13];
	[sflag:s21] =	ssyncadd.s32 $0xFFFFD800  }
0xb0: {  	[tilespmem:s23], [sflag:$0x4] =	stream.indirect.gather [hbm4b:s5+s20], $0x80, s13, s20, $0xb8;
	[tilespmem:$0x1F000] =	vst v63  }
0xb1: {  	_ =	swait.ge [sflag:s24], $0x2800  }
0xb2: {  	[sflag:s24] =	ssyncset.done $0x0  }
0xb3: {  	s9 =	rddreg [dreg:$0x14];
	[sflag:s24] =	ssyncadd.s32 $0xFFFFD800  }
0xb4: {  	[spmem:s2] =	stream.indirect.scatter.add.f32 [tilespmem:s22], [sflag:$0x6], $0x80, s9, s20, $0xb8;
	[tilespmem:$0x1F000] =	vst v63  }
0xb5: {  	_ =	swait.ge [sflag:s25], $0x2800  }
0xb6: {  	[sflag:s25] =	ssyncset.done $0x0  }
0xb7: {  	s10 =	rddreg [dreg:$0x15];
	[sflag:s25] =	ssyncadd.s32 $0xFFFFD800  }
0xb8: {  	[tilespmem:s18], [sflag:$0x1] =	stream.indirect.gather [hbm4b:s5+s20], $0x80, s10, s20, $0xb8;
	[tilespmem:$0x1F000] =	vst v63  }
0xb9: {  	_ =	swait.ge [sflag:s26], $0x2800  }
0xba: {  	p0 =	por $0x0, $0x0;
	[sflag:s26] =	ssyncset.done $0x0  }
0xbb: {  	s9 =	sadd.s32 @!p0 $0x0, s17;
	s11 =	rddreg [dreg:$0x16];
	[sflag:s26] =	ssyncadd.s32 $0xFFFFD800  }
0xbc: {  	[spmem:s2] =	stream.indirect.scatter.add.f32 [tilespmem:s28], [sflag:$0x7], $0x80, s11, s20, $0xb8;
	[tilespmem:$0x1F000] =	vst v63  }
0xbd: {  	s8 =	simm.s32 @!p0 $0x0;
	s9 =	sadd.s32 @!p0 $0x200, s9  }
0xbe: {  	[tilespmem:s8], [sflag:$0x9] =	stream.linear.gather @!p0 [hbm4b:s9+s8], $0x800, $0x38;
	[tilespmem:$0x1F000] =	vst v63  }
0xbf: {  	_ =	swait.ge [sflag:s30], $0x2800  }
0xc0: {  	[sflag:s30] =	ssyncset.done $0x0  }
0xc1: {  	s12 =	rddreg [dreg:$0x17];
	[sflag:s30] =	ssyncadd.s32 $0xFFFFD800  }
0xc2: {  	[tilespmem:s22], [sflag:$0x2] =	stream.indirect.gather [hbm4b:s5+s20], $0x80, s12, s20, $0xb8;
	[tilespmem:$0x1F000] =	vst v63  }
0xc3: {  	_ =	swait.ge [sflag:s31], $0x2800  }
0xc4: {  	[sflag:s31] =	ssyncset.done $0x0  }
0xc5: {  	s13 =	rddreg [dreg:$0x18];
	[sflag:s31] =	ssyncadd.s32 $0xFFFFD800  }
0xc6: {  	[spmem:s2] =	stream.indirect.scatter.add.f32 [tilespmem:s23], [sflag:$0x8], $0x80, s13, s20, $0xb8;
	[tilespmem:$0x1F000] =	vst v63  }
0xc7: {  	_ =	swait.ge [sflag:s0], $0x2800  }
0xc8: {  	[sflag:s0] =	ssyncset.done $0x0  }
0xc9: {  	s10 =	rddreg [dreg:$0x19];
	[sflag:s0] =	ssyncadd.s32 $0xFFFFD800  }
0xca: {  	[tilespmem:s28], [sflag:$0x3] =	stream.indirect.gather [hbm4b:s5+s20], $0x80, s10, s20, $0xb8;
	[tilespmem:$0x1F000] =	vst v63  }
0xcb: {  	_ =	swait.ge [sflag:s1], $0x2800  }
0xcc: {  	[sflag:s1] =	ssyncset.done $0x0  }
0xcd: {  	s11 =	rddreg [dreg:$0x1a];
	[sflag:s1] =	ssyncadd.s32 $0xFFFFD800  }
0xce: {  	[spmem:s2] =	stream.indirect.scatter.add.f32 [tilespmem:s18], [sflag:$0x5], $0x80, s11, s20, $0xb8;
	[tilespmem:$0x1F000] =	vst v63  }
0xcf: {  	_ =	swait.ge [sflag:s21], $0x2800  }
0xd0: {  	[sflag:s21] =	ssyncset.done $0x0  }
0xd1: {  	s12 =	rddreg [dreg:$0x1b];
	[sflag:s21] =	ssyncadd.s32 $0xFFFFD800  }
0xd2: {  	[tilespmem:s23], [sflag:$0x4] =	stream.indirect.gather [hbm4b:s5+s20], $0x80, s12, s20, $0xb8;
	[tilespmem:$0x1F000] =	vst v63  }
0xd3: {  	_ =	swait.ge [sflag:s24], $0x2800  }
0xd4: {  	[sflag:s24] =	ssyncset.done $0x0  }
0xd5: {  	s13 =	rddreg [dreg:$0x1c];
	[sflag:s24] =	ssyncadd.s32 $0xFFFFD800  }
0xd6: {  	[spmem:s2] =	stream.indirect.scatter.add.f32 [tilespmem:s22], [sflag:$0x6], $0x80, s13, s20, $0xb8;
	[tilespmem:$0x1F000] =	vst v63  }
0xd7: {  	_ =	swait.ge [sflag:s25], $0x2800  }
0xd8: {  	[sflag:s25] =	ssyncset.done $0x0  }
0xd9: {  	s9 =	simm.s32 @p0 $0x3;
	[sflag:s25] =	ssyncadd.s32 $0xFFFFD800  }
0xda: {  	_ =	swait.ge @p0 [sflag:s9], $0x2800  }
0xdb: {  	s10 =	simm.s32 @p0 $0x6000;
	[sflag:s9] =	ssyncset.done @p0 $0x0  }
0xdc: {  	s11 =	simm.s32 @p0 $0x50;
	[sflag:s9] =	ssyncadd.s32 @p0 $0xFFFFD800;
	s9 =	simm.s32 @p0 $0xE80  }
0xdd: {  	[spmem:s2] =	stream.indirect.scatter.add.f32 @p0 [tilespmem:s10], [sflag:$0x7], $0x80, s9, s11, $0xb8;
	[tilespmem:$0x1F000] =	vst v63  }
0xde: {  	s9 =	simm.s32 @p0 $0x6  }
0xdf: {  	_ =	swait.ge @p0 [sflag:s9], $0x2800  }
0xe0: {  	[sflag:s9] =	ssyncset.done @p0 $0x0  }
0xe1: {  	s10 =	simm.s32 @!p0 $0x9;
	[sflag:s9] =	ssyncadd.s32 @p0 $0xFFFFD800  }
0xe2: {  	_ =	swait.ge @!p0 [sflag:s10], $0x800  }
0xe3: {  	[sflag:s10] =	ssyncset.done @!p0 $0x0  }
0xe4: {  	s9 =	simm.s32 @!p0 $0x50;
	[sflag:s10] =	ssyncadd.s32 @!p0 $0xFFFFF800;
	s10 =	simm.s32 @!p0 $0x1000  }
0xe5: {  	[tilespmem:s10], [sflag:$0x1] =	stream.indirect.gather @!p0 [hbm4b:s5+s9], $0x80, s8, s9, $0xb8;
	[tilespmem:$0x1F000] =	vst v63  }
0xe6: {  	s8 =	simm.s32 @!p0 $0x3  }
0xe7: {  	_ =	swait.ge @!p0 [sflag:s8], $0x2800  }
0xe8: {  	[sflag:s8] =	ssyncset.done @!p0 $0x0  }
0xe9: {  	s10 =	simm.s32 @!p0 $0xE80;
	[sflag:s8] =	ssyncadd.s32 @!p0 $0xFFFFD800;
	s8 =	simm.s32 @!p0 $0x6000  }
0xea: {  	[spmem:s2] =	stream.indirect.scatter.add.f32 @!p0 [tilespmem:s8], [sflag:$0x7], $0x80, s10, s9, $0xb8;
	[tilespmem:$0x1F000] =	vst v63  }
0xeb: {  	s8 =	simm.s32 @!p0 $0x6  }
0xec: {  	_ =	swait.ge @!p0 [sflag:s8], $0x2800  }
0xed: {  	[sflag:s8] =	ssyncset.done @!p0 $0x0  }
0xee: {  	s10 =	simm.s32 @!p0 $0x100;
	[sflag:s8] =	ssyncadd.s32 @!p0 $0xFFFFD800;
	s8 =	simm.s32 @!p0 $0x3800  }
0xef: {  	[tilespmem:s8], [sflag:$0x2] =	stream.indirect.gather @!p0 [hbm4b:s5+s9], $0x80, s10, s9, $0xb8;
	[tilespmem:$0x1F000] =	vst v63  }
0xf0: {  	_ =	swait.ge [sflag:s31], $0x2800  }
0xf1: {  	[sflag:s31] =	ssyncset.done $0x0  }
0xf2: {  	s8 =	simm.s32 $0x200;
	s10 =	rddreg [dreg:$0x1d];
	[sflag:s31] =	ssyncadd.s32 $0xFFFFD800  }
.LBB2_2:
0xf3: {  	p1 =	seq.s32 s8, $0x0  }
0xf4: {  	[spmem:s2] =	stream.indirect.scatter.add.f32 [tilespmem:s23], [sflag:$0x8], $0x80, s10, s20, $0xb8;
	[tilespmem:$0x1F000] =	vst v63  }
0xf5: {  	s10 =	simm.s32 @p1 $0x50;
	s11 =	simm.s32 @p1 $0x200;
	s12 =	simm.s32 @p1 $0x6000  }
0xf6: {  	[tilespmem:s12], [sflag:$0x3] =	stream.indirect.gather @p1 [hbm4b:s5+s10], $0x80, s11, s10, $0xb8;
	[tilespmem:$0x1F000] =	vst v63  }
0xf7: {  	s11 =	simm.s32 @p1 $0x1  }
0xf8: {  	_ =	swait.ge @p1 [sflag:s11], $0x2800  }
0xf9: {  	s13 =	simm.s32 @p1 $0x1000;
	[sflag:s11] =	ssyncset.done @p1 $0x0  }
0xfa: {  	s12 =	simm.s32 @p1 $0x80;
	[sflag:s11] =	ssyncadd.s32 @p1 $0xFFFFD800;
	s11 =	simm.s32 @!p1 $0x7  }
0xfb: {  	[spmem:s2] =	stream.indirect.scatter.add.f32 @p1 [tilespmem:s13], [sflag:$0x5], $0x80, s12, s10, $0xb8;
	[tilespmem:$0x1F000] =	vst v63  }
0xfc: {  	_ =	swait.ge @!p1 [sflag:s11], $0x2800  }
0xfd: {  	s10 =	simm.s32 @!p1 $0x6000;
	s12 =	simm.s32 @!p1 $0x50;
	[sflag:s11] =	ssyncset.done @!p1 $0x0  }
0xfe: {  	s13 =	simm.s32 @!p1 $0x200;
	[sflag:s11] =	ssyncadd.s32 @!p1 $0xFFFFD800;
	s11 =	simm.s32 @!p1 $0x1  }
0xff: {  	[tilespmem:s10], [sflag:$0x3] =	stream.indirect.gather @!p1 [hbm4b:s5+s12], $0x80, s13, s12, $0xb8;
	[tilespmem:$0x1F000] =	vst v63  }
0x100: {  	_ =	swait.ge @!p1 [sflag:s11], $0x2800  }
0x101: {  	s10 =	simm.s32 @!p1 $0x80;
	[sflag:s11] =	ssyncset.done @!p1 $0x0  }
0x102: {  	s13 =	simm.s32 @!p1 $0x1000;
	[sflag:s11] =	ssyncadd.s32 @!p1 $0xFFFFD800;
	s11 =	simm.s32 @!p1 $0x8  }
0x103: {  	[spmem:s2] =	stream.indirect.scatter.add.f32 @!p1 [tilespmem:s13], [sflag:$0x5], $0x80, s10, s12, $0xb8;
	[tilespmem:$0x1F000] =	vst v63  }
0x104: {  	_ =	swait.ge @!p1 [sflag:s11], $0x2800  }
0x105: {  	[sflag:s11] =	ssyncset.done @!p1 $0x0  }
0x106: {  	s13 =	rddreg [dreg:$0x4];
	[sflag:s11] =	ssyncadd.s32 @!p1 $0xFFFFD800  }
0x107: {  	[tilespmem:s23], [sflag:$0x4] =	stream.indirect.gather [hbm4b:s5+s20], $0x80, s13, s20, $0xb8;
	[tilespmem:$0x1F000] =	vst v63  }
0x108: {  	_ =	swait.ge [sflag:s24], $0x2800  }
0x109: {  	[sflag:s24] =	ssyncset.done $0x0  }
0x10a: {  	s12 =	rddreg [dreg:$0x5];
	[sflag:s24] =	ssyncadd.s32 $0xFFFFD800  }
0x10b: {  	[spmem:s2] =	stream.indirect.scatter.add.f32 [tilespmem:s22], [sflag:$0x6], $0x80, s12, s20, $0xb8;
	[tilespmem:$0x1F000] =	vst v63  }
0x10c: {  	_ =	swait.ge [sflag:s25], $0x2800  }
0x10d: {  	[sflag:s25] =	ssyncset.done $0x0  }
0x10e: {  	s13 =	rddreg [dreg:$0x6];
	[sflag:s25] =	ssyncadd.s32 $0xFFFFD800  }
0x10f: {  	[tilespmem:s18], [sflag:$0x1] =	stream.indirect.gather [hbm4b:s5+s20], $0x80, s13, s20, $0xb8;
	[tilespmem:$0x1F000] =	vst v63  }
0x110: {  	_ =	swait.ge [sflag:s26], $0x2800  }
0x111: {  	s9 =	smov.u32 s8;
	[sflag:s26] =	ssyncset.done $0x0  }
0x112: {  	s12 =	sadd.s32 s9, s17;
	s11 =	rddreg [dreg:$0x7];
	[sflag:s26] =	ssyncadd.s32 $0xFFFFD800  }
0x113: {  	[spmem:s2] =	stream.indirect.scatter.add.f32 [tilespmem:s28], [sflag:$0x7], $0x80, s11, s20, $0xb8;
	[tilespmem:$0x1F000] =	vst v63  }
0x114: {  	s13 =	sadd.s32 $0x100, s12  }
0x115: {  	[tilespmem:s29], [sflag:$0xA] =	stream.linear.gather [hbm4b:s13+s4], $0x800, $0x38;
	[tilespmem:$0x1F000] =	vst v63  }
0x116: {  	_ =	swait.ge [sflag:s30], $0x2800  }
0x117: {  	[sflag:s30] =	ssyncset.done $0x0  }
0x118: {  	s11 =	rddreg [dreg:$0x8];
	[sflag:s30] =	ssyncadd.s32 $0xFFFFD800  }
0x119: {  	[tilespmem:s22], [sflag:$0x2] =	stream.indirect.gather [hbm4b:s5+s20], $0x80, s11, s20, $0xb8;
	[tilespmem:$0x1F000] =	vst v63  }
0x11a: {  	_ =	swait.ge [sflag:s31], $0x2800  }
0x11b: {  	[sflag:s31] =	ssyncset.done $0x0  }
0x11c: {  	s12 =	rddreg [dreg:$0x9];
	[sflag:s31] =	ssyncadd.s32 $0xFFFFD800  }
0x11d: {  	[spmem:s2] =	stream.indirect.scatter.add.f32 [tilespmem:s23], [sflag:$0x8], $0x80, s12, s20, $0xb8;
	[tilespmem:$0x1F000] =	vst v63  }
0x11e: {  	_ =	swait.ge [sflag:s0], $0x2800  }
0x11f: {  	[sflag:s0] =	ssyncset.done $0x0  }
0x120: {  	s13 =	rddreg [dreg:$0xa];
	[sflag:s0] =	ssyncadd.s32 $0xFFFFD800  }
0x121: {  	[tilespmem:s28], [sflag:$0x3] =	stream.indirect.gather [hbm4b:s5+s20], $0x80, s13, s20, $0xb8;
	[tilespmem:$0x1F000] =	vst v63  }
0x122: {  	_ =	swait.ge [sflag:s1], $0x2800  }
0x123: {  	[sflag:s1] =	ssyncset.done $0x0  }
0x124: {  	s11 =	rddreg [dreg:$0xb];
	[sflag:s1] =	ssyncadd.s32 $0xFFFFD800  }
0x125: {  	[spmem:s2] =	stream.indirect.scatter.add.f32 [tilespmem:s18], [sflag:$0x5], $0x80, s11, s20, $0xb8;
	[tilespmem:$0x1F000] =	vst v63  }
0x126: {  	_ =	swait.ge [sflag:s21], $0x2800  }
0x127: {  	[sflag:s21] =	ssyncset.done $0x0  }
0x128: {  	s12 =	rddreg [dreg:$0xc];
	[sflag:s21] =	ssyncadd.s32 $0xFFFFD800  }
0x129: {  	[tilespmem:s23], [sflag:$0x4] =	stream.indirect.gather [hbm4b:s5+s20], $0x80, s12, s20, $0xb8;
	[tilespmem:$0x1F000] =	vst v63  }
0x12a: {  	_ =	swait.ge [sflag:s24], $0x2800  }
0x12b: {  	[sflag:s24] =	ssyncset.done $0x0  }
0x12c: {  	s13 =	rddreg [dreg:$0xd];
	[sflag:s24] =	ssyncadd.s32 $0xFFFFD800  }
0x12d: {  	[spmem:s2] =	stream.indirect.scatter.add.f32 [tilespmem:s22], [sflag:$0x6], $0x80, s13, s20, $0xb8;
	[tilespmem:$0x1F000] =	vst v63  }
0x12e: {  	_ =	swait.ge [sflag:s25], $0x2800  }
0x12f: {  	[sflag:s25] =	ssyncset.done $0x0  }
0x130: {  	[sflag:s25] =	ssyncadd.s32 $0xFFFFD800  }
0x131: {  	_ =	swait.ge [sflag:s3], $0x800  }
0x132: {  	[sflag:s3] =	ssyncset.done $0x0  }
0x133: {  	[sflag:s3] =	ssyncadd.s32 $0xFFFFF800  }
0x134: {  	[tilespmem:s18], [sflag:$0x1] =	stream.indirect.gather [hbm4b:s5+s20], $0x80, s29, s20, $0xb8;
	[tilespmem:$0x1F000] =	vst v63  }
0x135: {  	_ =	swait.ge [sflag:s26], $0x2800  }
0x136: {  	[sflag:s26] =	ssyncset.done $0x0  }
0x137: {  	s11 =	rddreg [dreg:$0xe];
	[sflag:s26] =	ssyncadd.s32 $0xFFFFD800  }
0x138: {  	[spmem:s2] =	stream.indirect.scatter.add.f32 [tilespmem:s28], [sflag:$0x7], $0x80, s11, s20, $0xb8;
	[tilespmem:$0x1F000] =	vst v63  }
0x139: {  	_ =	swait.ge [sflag:s30], $0x2800  }
0x13a: {  	[sflag:s30] =	ssyncset.done $0x0  }
0x13b: {  	s12 =	rddreg [dreg:$0xf];
	[sflag:s30] =	ssyncadd.s32 $0xFFFFD800  }
0x13c: {  	[tilespmem:s22], [sflag:$0x2] =	stream.indirect.gather [hbm4b:s5+s20], $0x80, s12, s20, $0xb8;
	[tilespmem:$0x1F000] =	vst v63  }
0x13d: {  	_ =	swait.ge [sflag:s31], $0x2800  }
0x13e: {  	[sflag:s31] =	ssyncset.done $0x0  }
0x13f: {  	s13 =	rddreg [dreg:$0x10];
	[sflag:s31] =	ssyncadd.s32 $0xFFFFD800  }
0x140: {  	[spmem:s2] =	stream.indirect.scatter.add.f32 [tilespmem:s23], [sflag:$0x8], $0x80, s13, s20, $0xb8;
	[tilespmem:$0x1F000] =	vst v63  }
0x141: {  	_ =	swait.ge [sflag:s0], $0x2800  }
0x142: {  	[sflag:s0] =	ssyncset.done $0x0  }
0x143: {  	s11 =	rddreg [dreg:$0x11];
	[sflag:s0] =	ssyncadd.s32 $0xFFFFD800  }
0x144: {  	[tilespmem:s28], [sflag:$0x3] =	stream.indirect.gather [hbm4b:s5+s20], $0x80, s11, s20, $0xb8;
	[tilespmem:$0x1F000] =	vst v63  }
0x145: {  	_ =	swait.ge [sflag:s1], $0x2800  }
0x146: {  	[sflag:s1] =	ssyncset.done $0x0  }
0x147: {  	s12 =	rddreg [dreg:$0x12];
	[sflag:s1] =	ssyncadd.s32 $0xFFFFD800  }
0x148: {  	[spmem:s2] =	stream.indirect.scatter.add.f32 [tilespmem:s18], [sflag:$0x5], $0x80, s12, s20, $0xb8;
	[tilespmem:$0x1F000] =	vst v63  }
0x149: {  	_ =	swait.ge [sflag:s21], $0x2800  }
0x14a: {  	[sflag:s21] =	ssyncset.done $0x0  }
0x14b: {  	s13 =	rddreg [dreg:$0x13];
	[sflag:s21] =	ssyncadd.s32 $0xFFFFD800  }
0x14c: {  	[tilespmem:s23], [sflag:$0x4] =	stream.indirect.gather [hbm4b:s5+s20], $0x80, s13, s20, $0xb8;
	[tilespmem:$0x1F000] =	vst v63  }
0x14d: {  	_ =	swait.ge [sflag:s24], $0x2800  }
0x14e: {  	[sflag:s24] =	ssyncset.done $0x0  }
0x14f: {  	s11 =	rddreg [dreg:$0x14];
	[sflag:s24] =	ssyncadd.s32 $0xFFFFD800  }
0x150: {  	[spmem:s2] =	stream.indirect.scatter.add.f32 [tilespmem:s22], [sflag:$0x6], $0x80, s11, s20, $0xb8;
	[tilespmem:$0x1F000] =	vst v63  }
0x151: {  	_ =	swait.ge [sflag:s25], $0x2800  }
0x152: {  	[sflag:s25] =	ssyncset.done $0x0  }
0x153: {  	s12 =	rddreg [dreg:$0x15];
	[sflag:s25] =	ssyncadd.s32 $0xFFFFD800  }
0x154: {  	[tilespmem:s18], [sflag:$0x1] =	stream.indirect.gather [hbm4b:s5+s20], $0x80, s12, s20, $0xb8;
	[tilespmem:$0x1F000] =	vst v63  }
0x155: {  	_ =	swait.ge [sflag:s26], $0x2800  }
0x156: {  	p1 =	seq.s32 s9, $0x1E00;
	[sflag:s26] =	ssyncset.done $0x0  }
0x157: {  	s11 =	sadd.s32 @!p1 s9, s17;
	s13 =	rddreg [dreg:$0x16];
	[sflag:s26] =	ssyncadd.s32 $0xFFFFD800  }
0x158: {  	[spmem:s2] =	stream.indirect.scatter.add.f32 [tilespmem:s28], [sflag:$0x7], $0x80, s13, s20, $0xb8;
	[tilespmem:$0x1F000] =	vst v63  }
0x159: {  	s9 =	simm.s32 @!p1 $0x0;
	s10 =	sadd.s32 @!p1 $0x200, s11  }
0x15a: {  	[tilespmem:s9], [sflag:$0x9] =	stream.linear.gather @!p1 [hbm4b:s10+s9], $0x800, $0x38;
	[tilespmem:$0x1F000] =	vst v63  }
0x15b: {  	_ =	swait.ge [sflag:s30], $0x2800  }
0x15c: {  	[sflag:s30] =	ssyncset.done $0x0  }
0x15d: {  	s11 =	rddreg [dreg:$0x17];
	[sflag:s30] =	ssyncadd.s32 $0xFFFFD800  }
0x15e: {  	[tilespmem:s22], [sflag:$0x2] =	stream.indirect.gather [hbm4b:s5+s20], $0x80, s11, s20, $0xb8;
	[tilespmem:$0x1F000] =	vst v63  }
0x15f: {  	_ =	swait.ge [sflag:s31], $0x2800  }
0x160: {  	[sflag:s31] =	ssyncset.done $0x0  }
0x161: {  	s12 =	rddreg [dreg:$0x18];
	[sflag:s31] =	ssyncadd.s32 $0xFFFFD800  }
0x162: {  	[spmem:s2] =	stream.indirect.scatter.add.f32 [tilespmem:s23], [sflag:$0x8], $0x80, s12, s20, $0xb8;
	[tilespmem:$0x1F000] =	vst v63  }
0x163: {  	_ =	swait.ge [sflag:s0], $0x2800  }
0x164: {  	[sflag:s0] =	ssyncset.done $0x0  }
0x165: {  	s13 =	rddreg [dreg:$0x19];
	[sflag:s0] =	ssyncadd.s32 $0xFFFFD800  }
0x166: {  	[tilespmem:s28], [sflag:$0x3] =	stream.indirect.gather [hbm4b:s5+s20], $0x80, s13, s20, $0xb8;
	[tilespmem:$0x1F000] =	vst v63  }
0x167: {  	_ =	swait.ge [sflag:s1], $0x2800  }
0x168: {  	[sflag:s1] =	ssyncset.done $0x0  }
0x169: {  	s11 =	rddreg [dreg:$0x1a];
	[sflag:s1] =	ssyncadd.s32 $0xFFFFD800  }
0x16a: {  	[spmem:s2] =	stream.indirect.scatter.add.f32 [tilespmem:s18], [sflag:$0x5], $0x80, s11, s20, $0xb8;
	[tilespmem:$0x1F000] =	vst v63  }
0x16b: {  	_ =	swait.ge [sflag:s21], $0x2800  }
0x16c: {  	[sflag:s21] =	ssyncset.done $0x0  }
0x16d: {  	s12 =	rddreg [dreg:$0x1b];
	[sflag:s21] =	ssyncadd.s32 $0xFFFFD800  }
0x16e: {  	[tilespmem:s23], [sflag:$0x4] =	stream.indirect.gather [hbm4b:s5+s20], $0x80, s12, s20, $0xb8;
	[tilespmem:$0x1F000] =	vst v63  }
0x16f: {  	_ =	swait.ge [sflag:s24], $0x2800  }
0x170: {  	[sflag:s24] =	ssyncset.done $0x0  }
0x171: {  	s13 =	rddreg [dreg:$0x1c];
	[sflag:s24] =	ssyncadd.s32 $0xFFFFD800  }
0x172: {  	[spmem:s2] =	stream.indirect.scatter.add.f32 [tilespmem:s22], [sflag:$0x6], $0x80, s13, s20, $0xb8;
	[tilespmem:$0x1F000] =	vst v63  }
0x173: {  	_ =	swait.ge [sflag:s25], $0x2800  }
0x174: {  	[sflag:s25] =	ssyncset.done $0x0  }
0x175: {  	s10 =	simm.s32 @p1 $0x3;
	[sflag:s25] =	ssyncadd.s32 $0xFFFFD800  }
0x176: {  	_ =	swait.ge @p1 [sflag:s10], $0x2800  }
0x177: {  	s11 =	simm.s32 @p1 $0x6000;
	s12 =	simm.s32 @p1 $0x50;
	[sflag:s10] =	ssyncset.done @p1 $0x0  }
0x178: {  	s13 =	simm.s32 @p1 $0xE80;
	[sflag:s10] =	ssyncadd.s32 @p1 $0xFFFFD800;
	s10 =	simm.s32 @p1 $0x6  }
0x179: {  	[spmem:s2] =	stream.indirect.scatter.add.f32 @p1 [tilespmem:s11], [sflag:$0x7], $0x80, s13, s12, $0xb8;
	[tilespmem:$0x1F000] =	vst v63  }
0x17a: {  	_ =	swait.ge @p1 [sflag:s10], $0x2800  }
0x17b: {  	[sflag:s10] =	ssyncset.done @p1 $0x0  }
0x17c: {  	s11 =	simm.s32 @!p1 $0x9;
	[sflag:s10] =	ssyncadd.s32 @p1 $0xFFFFD800  }
0x17d: {  	_ =	swait.ge @!p1 [sflag:s11], $0x800  }
0x17e: {  	s12 =	simm.s32 @!p1 $0x1000;
	[sflag:s11] =	ssyncset.done @!p1 $0x0  }
0x17f: {  	s10 =	simm.s32 @!p1 $0x50;
	[sflag:s11] =	ssyncadd.s32 @!p1 $0xFFFFF800;
	s11 =	simm.s32 @!p1 $0x3  }
0x180: {  	[tilespmem:s12], [sflag:$0x1] =	stream.indirect.gather @!p1 [hbm4b:s5+s10], $0x80, s9, s10, $0xb8;
	[tilespmem:$0x1F000] =	vst v63  }
0x181: {  	_ =	swait.ge @!p1 [sflag:s11], $0x2800  }
0x182: {  	s9 =	simm.s32 @!p1 $0xE80;
	[sflag:s11] =	ssyncset.done @!p1 $0x0  }
0x183: {  	s12 =	simm.s32 @!p1 $0x6000;
	[sflag:s11] =	ssyncadd.s32 @!p1 $0xFFFFD800;
	s11 =	simm.s32 @!p1 $0x6  }
0x184: {  	[spmem:s2] =	stream.indirect.scatter.add.f32 @!p1 [tilespmem:s12], [sflag:$0x7], $0x80, s9, s10, $0xb8;
	[tilespmem:$0x1F000] =	vst v63  }
0x185: {  	s8 =	sadd.s32 $0x200, s8;
	_ =	swait.ge @!p1 [sflag:s11], $0x2800  }
0x186: {  	p0 =	sne.s32 s8, $0x2000;
	s9 =	simm.s32 @!p1 $0x100;
	[sflag:s11] =	ssyncset.done @!p1 $0x0  }
.Ltmp0:
0x187: {  	s12 =	simm.s32 @!p1 $0x3800;
	[sflag:s11] =	ssyncadd.s32 @!p1 $0xFFFFD800;
	(pc) =	sbr.rel @p0 .LBB2_2-.Ltmp0, $4  }
0x188: {  	[tilespmem:s12], [sflag:$0x2] =	stream.indirect.gather @!p1 [hbm4b:s5+s10], $0x80, s9, s10, $0xb8;
	[tilespmem:$0x1F000] =	vst v63  }
0x189: {  	_ =	swait.ge [sflag:s31], $0x2800  }
0x18a: {  	[sflag:s31] =	ssyncset.done $0x0  }
0x18b: {  	s10 =	rddreg [dreg:$0x1d];
	[sflag:s31] =	ssyncadd.s32 $0xFFFFD800  }
0x18c: {  	[spmem:s2] =	stream.indirect.scatter.add.f32 [tilespmem:s23], [sflag:$0x8], $0x80, s10, s20, $0xb8;
	[tilespmem:$0x1F000] =	vst v63  }
0x18d: {  	_ =	swait.ge [sflag:s0], $0x2800  }
0x18e: {  	[sflag:s0] =	ssyncset.done $0x0  }
0x18f: {  	[sflag:s0] =	ssyncadd.s32 $0xFFFFD800  }
0x190: {  	s8 =	stileid.u32;
	_ =	swait.ge [sflag:s21], $0x2800  }
0x191: {  	s9 =	sshrl.u32 s6, $0x3;
	s7 =	sadd.s32 $0x1, s7;
	[sflag:s21] =	ssyncset.done $0x0  }
0x192: {  	s8 =	sshll.u32 s8, $0x6;
	p0 =	sne.s32 s7, s16;
	[sflag:s21] =	ssyncadd.s32 $0xFFFFD800  }
.Ltmp1:
0x193: {  	s8 =	sor.u32 $0x1C0B, s8;
	[bflag:$0x0] =	sbarrier.arrive $0xFFFF;
	(pc) =	sbr.rel @p0 .LBB2_1-.Ltmp1, $4  }
0x194: {  	[hbm:s15], [sflag:s8] =	dma.local [spmem:s9], $0x2800  }
0x195: {  	_ =	swait.ge [sflag:s19], $0x2800  }
0x196: {  	[sflag:s19] =	ssyncset.done $0x0  }
0x197: {  	[sflag:s19] =	ssyncadd.s32 $0xFFFFD800  }
0x198: {  	_ =	sfence.sel $0x180000  }
0x199: {  	[bflag:$0x0] =	sbarrier.arrive $0xFFFF  }
0x19a: {  	_ =	strace $0x9000004A  }
0x19b: {  	s0 =	stileid.u32;
	[bflag:$0x2] =	sbarrier.arrive $0xFFFF  }
0x19c: {  	p0 =	sne.s32 s0, $0x0;
	s0 =	rddreg [dreg:$0x3]  }
0x19d: {  	s0 =	sadd.s32 @!p0 $0x100000, s0  }
0x19e: {  	[sflag:s0] =	ssyncadd.tile.s32 @!p0 $0x1;
	_ =	shalt  }
.Lfunc_end2:
_tile_overlayer_lowered:
.L_overlay_start_2:
0x19f: {  	(tag) =	ssettag $0x2  }
0x1a0: {  	s0 =	rddreg [dreg:$0x0];
	s2 =	stileid.u32  }
0x1a1: {  	s1 =	rddreg [dreg:$0x1];
	p0 =	sne.s32 s2, $0x0  }
0x1a2: {  	s3 =	rddreg [dreg:$0x2];
	[bflag:$0x3] =	sbarrier.arrive $0xFFFF;
	s2 =	simm.s32 @!p0 $0x1C0B  }
0x1a3: {  	[timem:s3], [sflag:s2] =	dma.local @!p0 [hbm:s0], s1  }
0x1a4: {  	s0 =	simm.s32 @!p0 $0xB  }
0x1a5: {  	_ =	swait.ge @!p0 [sflag:s0], s1  }
0x1a6: {  	s1 =	ssub.s32 @!p0 $0x0, s1;
	[sflag:s0] =	ssyncset.done @!p0 $0x0  }
0x1a7: {  	[sflag:s0] =	ssyncadd.s32 @!p0 s1  }
0x1a8: {  	[bflag:$0x3] =	sbarrier.arrive $0xFFFF  }
0x1a9: {  	_ =	shalt  }

</sc_bundles>
